<compile_context>
chip_gen: v7x
topology: tpu7x:2x2x1
jax: 0.10.2.dev20260603
libtpu: 0.0.44.dev20260713+nightly
codegen_flags: <defaults>
</compile_context>

<pallas_src>
import functools

import jax
import jax.numpy as jnp
from jax import lax
from jax.experimental import pallas as pl
from jax.experimental.pallas import tpu as pltpu
from jax.experimental.pallas import tpu_sc as plsc

NUM_USERS = 4096
NUM_ITEMS = 12288
N = NUM_USERS + NUM_ITEMS
D = 128
HALF = D // 2
E = 524288
NC, NS = 2, 16
CHUNK = 128
NB = 16


def _sc_mesh():
    return plsc.VectorSubcoreMesh(core_axis_name="c", subcore_axis_name="s")


_SC_PARAMS = pltpu.CompilerParams(use_tc_tiling_on_sc=False)
_SC_PARAMS_NOLAYOUT = pltpu.CompilerParams(
    use_tc_tiling_on_sc=False, needs_layout_passes=False
)




def _sc_degree(dst, zeros_n):
    e_per_tile = E // (NC * NS)
    n_chunks = e_per_tile // CHUNK

    blk = 32

    @functools.partial(
        pl.kernel,
        out_type=jax.ShapeDtypeStruct((NC * NS, N), jnp.float32),
        mesh=_sc_mesh(),
        scratch_types=[
            pltpu.VMEM((blk, CHUNK), jnp.int32),
            pltpu.VMEM((N,), jnp.float32),
        ],
        compiler_params=_SC_PARAMS_NOLAYOUT,
    )
    def k(dst_hbm, zeros_hbm, out_hbm, didx, hist):
        c = lax.axis_index("c")
        s = lax.axis_index("s")
        base = (c * NS + s) * n_chunks
        pltpu.sync_copy(zeros_hbm, hist)
        ones16 = jnp.ones((16,), jnp.float32)

        def body(i, _):
            r = i // (CHUNK // 16)
            col = (i % (CHUNK // 16)) * 16
            idx16 = didx[r, pl.ds(col, 16)]
            plsc.addupdate_scatter(hist, [idx16], ones16)
            return ()

        for b in range(n_chunks // blk):
            pltpu.sync_copy(dst_hbm.at[pl.ds(base + b * blk, blk)], didx)
            lax.fori_loop(0, blk * (CHUNK // 16), body, ())
        pltpu.sync_copy(hist, out_hbm.at[c * NS + s])

    return k(dst, zeros_n)


def _sc_edge_agg(hp, src, dst):
    n_chunks = E // NS // CHUNK
    n_blocks = n_chunks // NB
    rpt = N // NS

    @functools.partial(
        pl.kernel,
        out_type=jax.ShapeDtypeStruct((NC, N, HALF), jnp.float32),
        mesh=_sc_mesh(),
        scratch_types=[
            pltpu.VMEM((2, NB, CHUNK), jnp.int32),
            pltpu.VMEM((2, NB, CHUNK), jnp.int32),
            pltpu.VMEM((4, CHUNK, HALF), jnp.float32),
            pltpu.VMEM_SHARED((N, HALF), jnp.float32),
            pltpu.SemaphoreType.DMA,
            pltpu.SemaphoreType.DMA,
            pltpu.SemaphoreType.DMA,
        ],
        compiler_params=_SC_PARAMS,
    )
    def k(hp_hbm, src_hbm, dst_hbm, out_hbm, sidx, didx, rows, acc_sh,
          gsem, isem, ssem):
        c = lax.axis_index("c")
        s = lax.axis_index("s")
        base = s * n_chunks
        hpc = hp_hbm.at[c]
        pltpu.sync_copy(
            hpc.at[pl.ds(s * rpt, rpt)], acc_sh.at[pl.ds(s * rpt, rpt)]
        )
        pltpu.sync_copy(src_hbm.at[pl.ds(base, NB)], sidx.at[0])
        pltpu.sync_copy(dst_hbm.at[pl.ds(base, NB)], didx.at[0])
        pltpu.async_copy(src_hbm.at[pl.ds(base + NB, NB)], sidx.at[1], isem)
        pltpu.async_copy(dst_hbm.at[pl.ds(base + NB, NB)], didx.at[1], isem)
        pltpu.async_copy(hpc.at[sidx.at[0, 0]], rows.at[0], gsem)
        pltpu.async_copy(hpc.at[sidx.at[0, 1]], rows.at[1], gsem)
        plsc.subcore_barrier()

        def scat_desc(j, p):
            return pltpu.make_async_copy(
                rows.at[j % 4], acc_sh.at[didx.at[p, j]], ssem
            )

        def outer(o, _):
            p = lax.rem(o, 2)
            q = 1 - p
            for j in range(NB):
                if j >= 2:
                    scat_desc(j - 2, p).wait()
                ahead = rows.at[(j + 2) % 4]
                if j < NB - 2:
                    pltpu.async_copy(hpc.at[sidx.at[p, j + 2]], ahead, gsem)
                else:

                    @pl.when(o < n_blocks - 1)
                    def _():
                        if j == NB - 2:
                            pltpu.make_async_copy(
                                src_hbm.at[pl.ds(base, NB)], sidx.at[q], isem
                            ).wait()
                            pltpu.make_async_copy(
                                dst_hbm.at[pl.ds(base, NB)], didx.at[q], isem
                            ).wait()
                        pltpu.async_copy(
                            hpc.at[sidx.at[q, j - (NB - 2)]], ahead, gsem
                        )

                pltpu.make_async_copy(hpc.at[sidx.at[p, j]], rows.at[j % 4], gsem).wait()
                pltpu.async_copy(rows.at[j % 4], acc_sh.at[didx.at[p, j]], ssem, add=True)

            scat_desc(NB - 2, p).wait()
            scat_desc(NB - 1, p).wait()

            @pl.when(o < n_blocks - 2)
            def _():
                off = base + (o + 2) * NB
                pltpu.async_copy(src_hbm.at[pl.ds(off, NB)], sidx.at[p], isem)
                pltpu.async_copy(dst_hbm.at[pl.ds(off, NB)], didx.at[p], isem)

            return ()

        lax.fori_loop(0, n_blocks, outer, ())
        plsc.subcore_barrier()
        pltpu.sync_copy(
            acc_sh.at[pl.ds(s * rpt, rpt)], out_hbm.at[c, pl.ds(s * rpt, rpt)]
        )

    return k(hp, src, dst)



_BR = 1024


def _dinv_tc(degs):
    grid = (N // _BR,)

    def body(deg_ref, out_ref):
        ones_col = jnp.ones((NC * NS, 1), jnp.float32)
        dn = (((0,), (0,)), ((), ()))
        deg = 1.0 + lax.dot_general(
            deg_ref[...], ones_col, dn, preferred_element_type=jnp.float32
        )
        out_ref[...] = lax.rsqrt(deg)

    return pl.pallas_call(
        body,
        grid=grid,
        in_specs=[pl.BlockSpec((NC * NS, _BR), lambda i: (0, i))],
        out_specs=pl.BlockSpec((_BR, 1), lambda i: (i, 0)),
        out_shape=jax.ShapeDtypeStruct((N, 1), jnp.float32),
    )(degs)


def _mm_u(A, W, sv, brow, dinv):
    grid = (N // _BR,)

    def body(a_ref, w_ref, sv_ref, b_ref, dinv_ref, h_ref):
        t = jnp.dot(a_ref[0], w_ref[:HALF, :], preferred_element_type=jnp.float32)
        t += jnp.dot(a_ref[1], w_ref[HALF:, :], preferred_element_type=jnp.float32)
        bw = jnp.dot(b_ref[...], w_ref[...], preferred_element_type=jnp.float32)
        h = dinv_ref[...] * (sv_ref[...] * t + bw)
        h_ref[0] = h[:, :HALF]
        h_ref[1] = h[:, HALF:]

    return pl.pallas_call(
        body,
        grid=grid,
        in_specs=[
            pl.BlockSpec((NC, _BR, HALF), lambda i: (0, i, 0)),
            pl.BlockSpec((D, D), lambda i: (0, 0)),
            pl.BlockSpec((_BR, 1), lambda i: (i, 0)),
            pl.BlockSpec((1, D), lambda i: (0, 0)),
            pl.BlockSpec((_BR, 1), lambda i: (i, 0)),
        ],
        out_specs=pl.BlockSpec((NC, _BR, HALF), lambda i: (0, i, 0)),
        out_shape=jax.ShapeDtypeStruct((NC, N, HALF), jnp.float32),
    )(A, W, sv, brow, dinv)


_BM = 1024
_BN = 2048


def _final(acc2, dinv, b2r):
    grid = (NUM_USERS // _BM, NUM_ITEMS // _BN)
    joff = NUM_USERS // _BN

    def body(uL_ref, uR_ref, vL_ref, vR_ref, du_ref, di_ref, b2_ref, out_ref):
        du = du_ref[...]
        di = di_ref[...]
        uL = du * uL_ref[0] + b2_ref[:, :HALF]
        uR = du * uR_ref[0] + b2_ref[:, HALF:]
        vL = di * vL_ref[0] + b2_ref[:, :HALF]
        vR = di * vR_ref[0] + b2_ref[:, HALF:]
        dn = (((1,), (1,)), ((), ()))
        out_ref[...] = lax.dot_general(
            uL, vL, dn, preferred_element_type=jnp.float32
        ) + lax.dot_general(uR, vR, dn, preferred_element_type=jnp.float32)

    return pl.pallas_call(
        body,
        grid=grid,
        in_specs=[
            pl.BlockSpec((1, _BM, HALF), lambda i, j: (0, i, 0)),
            pl.BlockSpec((1, _BM, HALF), lambda i, j: (1, i, 0)),
            pl.BlockSpec((1, _BN, HALF), lambda i, j: (0, joff + j, 0)),
            pl.BlockSpec((1, _BN, HALF), lambda i, j: (1, joff + j, 0)),
            pl.BlockSpec((_BM, 1), lambda i, j: (i, 0)),
            pl.BlockSpec((_BN, 1), lambda i, j: (joff + j, 0)),
            pl.BlockSpec((1, D), lambda i, j: (0, 0)),
        ],
        out_specs=pl.BlockSpec((_BM, _BN), lambda i, j: (i, j)),
        out_shape=jax.ShapeDtypeStruct((NUM_USERS, NUM_ITEMS), jnp.float32),
    )(acc2, acc2, acc2, acc2, dinv, dinv, b2r)




def kernel(user_ids, item_ids, edge_index, user_table, item_table, W1, b1, W2, b2):
    x = jnp.concatenate([user_table, item_table], axis=0)
    src = edge_index[0]
    dst = edge_index[1]
    src3 = src.reshape(E // CHUNK, CHUNK)
    dst3 = dst.reshape(E // CHUNK, CHUNK)
    zeros_n = jnp.zeros((N,), jnp.float32)

    degs = _sc_degree(dst3, zeros_n)
    dinv = _dinv_tc(degs)

    xh = jnp.stack([x[:, :HALF], x[:, HALF:]])
    Ws = jnp.stack([W1, W2])
    svs = jnp.stack([jnp.ones((N, 1), jnp.float32), dinv])
    brows = jnp.stack([jnp.zeros((1, D), jnp.float32), b1.reshape(1, D)])

    def layer(l, A):
        hp = _mm_u(A, Ws[l], svs[l], brows[l], dinv)
        return _sc_edge_agg(hp, src3, dst3)

    acc2 = lax.fori_loop(0, 2, layer, xh)
    return _final(acc2, dinv, b2.reshape(1, D))

# --- scband reference (transcript-rebuilt; emitter-appended) ---
"""Pipeline reference for scband-gcn-74775380624009 (READ-ONLY COPY).

The authoritative reference and input builder live on the scoring server;
editing this copy changes nothing except your own understanding.
"""

import jax, jax.numpy as jnp
import numpy as np

NUM_USERS = 4096
NUM_ITEMS = 12288
N_NODES = NUM_USERS + NUM_ITEMS
DIM = 128
N_EDGES = 524288


def _gcn_conv(x, src, dst, W, b, num_nodes):
    # GCNConv with added self-loops and symmetric normalization
    loop = jnp.arange(num_nodes, dtype=src.dtype)
    s = jnp.concatenate([src, loop])
    d = jnp.concatenate([dst, loop])
    deg = jnp.zeros((num_nodes,), dtype=x.dtype).at[d].add(1.0)
    dinv = 1.0 / jnp.sqrt(jnp.clip(deg, 1.0, None))
    norm = dinv[s] * dinv[d]
    h = x @ W
    msg = h[s] * norm[:, None]
    out = jnp.zeros((num_nodes, h.shape[1]), dtype=x.dtype).at[d].add(msg)
    return out + b


def setup_inputs(seed: int = 0) -> dict:
    key = jax.random.key(seed)
    k1, k2, k3, k4, k5, k6, k7 = jax.random.split(key, 7)
    user_ids = jnp.arange(NUM_USERS, dtype=jnp.int32)
    item_ids = jnp.arange(NUM_ITEMS, dtype=jnp.int32)
    edge_index = jax.random.randint(k1, (2, N_EDGES), 0, N_NODES, dtype=jnp.int32)
    user_table = jax.random.normal(k2, (NUM_USERS, DIM), dtype=jnp.float32) * 0.05
    item_table = jax.random.normal(k3, (NUM_ITEMS, DIM), dtype=jnp.float32) * 0.05
    W1 = jax.random.normal(k4, (DIM, DIM), dtype=jnp.float32) * (1.0 / np.sqrt(DIM))
    b1 = jnp.zeros((DIM,), dtype=jnp.float32)
    W2 = jax.random.normal(k5, (DIM, DIM), dtype=jnp.float32) * (1.0 / np.sqrt(DIM))
    b2 = jnp.zeros((DIM,), dtype=jnp.float32)
    return {
        "user_ids": user_ids,
        "item_ids": item_ids,
        "edge_index": edge_index,
        "user_table": user_table,
        "item_table": item_table,
        "W1": W1,
        "b1": b1,
        "W2": W2,
        "b2": b2,
    }


def reference(user_ids, item_ids, edge_index, user_table, item_table, W1, b1, W2, b2):
    u = jnp.take(user_table, user_ids, axis=0)
    it = jnp.take(item_table, item_ids, axis=0)
    x = jnp.concatenate([u, it], axis=0)
    src, dst = edge_index[0], edge_index[1]
    x = _gcn_conv(x, src, dst, W1, b1, N_NODES)
    # dropout p=0.1 is identity in eval mode
    x = _gcn_conv(x, src, dst, W2, b2, N_NODES)
    user_emb = x[:NUM_USERS]
    item_emb = x[NUM_USERS:]
    return user_emb @ item_emb.T

if __name__ == "__main__":
    import jax
    _d = setup_inputs()
    print(jax.jit(kernel)(*tuple(_d.values())))

</pallas_src>

<mosaic_0001>
#map = affine_map<(d0, d1) -> (0, 0, 0)>
#map1 = affine_map<(d0, d1) -> (0, 0)>
module attributes {stable_mosaic.version = 14 : i64} {
  func.func @k(%arg0: i32, %arg1: i32, %arg2: memref<2x16384x64xf32, #tpu.memory_space<hbm>>, %arg3: memref<4096x128xi32, #tpu.memory_space<hbm>>, %arg4: memref<4096x128xi32, #tpu.memory_space<hbm>>, %arg5: memref<2x16384x64xf32, #tpu.memory_space<hbm>>, %arg6: memref<2x16x128xi32, #tpu.memory_space<vmem>>, %arg7: memref<2x16x128xi32, #tpu.memory_space<vmem>>, %arg8: memref<4x128x64xf32, #tpu.memory_space<vmem>>, %arg9: memref<16384x64xf32, #tpu.memory_space<vmem_shared>>, %arg10: memref<!tpu.dma_semaphore, #tpu.memory_space<semaphore_mem>>, %arg11: memref<!tpu.dma_semaphore, #tpu.memory_space<semaphore_mem>>, %arg12: memref<!tpu.dma_semaphore, #tpu.memory_space<semaphore_mem>>) attributes {dimension_semantics = [#tpu.dimension_semantics<core_parallel>, #tpu.dimension_semantics<subcore_parallel>], iteration_bounds = array<i64: 2, 16>, scalar_prefetch = 0 : i64, scratch_operands = 7 : i64, tpu.core_type = #tpu.core_type<sc_vector_subcore>, window_params = [{transform_indices = #map}, {transform_indices = #map1}, {transform_indices = #map1}, {transform_indices = #map}]} {
    %mul3A = arith.constant 256 : i32
    %mul3A_0 = arith.muli %arg1, %mul3A : i32
    %mul3A_1 = arith.constant 1024 : i32
    %mul3A_2 = arith.muli %arg1, %mul3A_1 : i32
    %mul3A_3 = arith.constant 1024 : i32
    %mul3A_4 = arith.muli %arg1, %mul3A_3 : i32
    "tpu.region"() ({
      %run_scoped3A_77 = tpu.sem_alloc : memref<!tpu.dma_semaphore, #tpu.memory_space<semaphore_mem>>
      %dma_start3A_78 = arith.constant 0 : i32
      %dma_start3A_79 = tpu.memref_slice %arg9[%mul3A_4, %dma_start3A_78] : memref<16384x64xf32, #tpu.memory_space<vmem_shared>> -> memref<1024x64xf32, #tpu.memory_space<vmem_shared>>
      %dma_start3A_80 = arith.constant 0 : i32
      %dma_start3A_81 = arith.constant 0 : i32
      %dma_start3A_82 = tpu.memref_slice %arg2[%arg0, %dma_start3A_80, %dma_start3A_81] : memref<2x16384x64xf32, #tpu.memory_space<hbm>> -> memref<1x16384x64xf32, #tpu.memory_space<hbm>>
      %dma_start3A_83 = tpu.memref_squeeze %dma_start3A_82 : memref<1x16384x64xf32, #tpu.memory_space<hbm>> -> memref<16384x64xf32, #tpu.memory_space<hbm>>
      %dma_start3A_84 = arith.constant 0 : i32
      %dma_start3A_85 = tpu.memref_slice %dma_start3A_83[%mul3A_2, %dma_start3A_84] : memref<16384x64xf32, #tpu.memory_space<hbm>> -> memref<1024x64xf32, #tpu.memory_space<hbm>>
      tpu.enqueue_dma source(%dma_start3A_85 : memref<1024x64xf32, #tpu.memory_space<hbm>>) target(%dma_start3A_79 : memref<1024x64xf32, #tpu.memory_space<vmem_shared>>) target_semaphore(%run_scoped3A_77 : memref<!tpu.dma_semaphore, #tpu.memory_space<semaphore_mem>>)
      %dma_wait3A = arith.constant 0 : i32
      %dma_wait3A_86 = tpu.memref_slice %arg9[%mul3A_4, %dma_wait3A] : memref<16384x64xf32, #tpu.memory_space<vmem_shared>> -> memref<1024x64xf32, #tpu.memory_space<vmem_shared>>
      %dma_wait3A_87 = arith.constant 0 : i32
      %dma_wait3A_88 = arith.constant 0 : i32
      %dma_wait3A_89 = tpu.memref_slice %arg2[%arg0, %dma_wait3A_87, %dma_wait3A_88] : memref<2x16384x64xf32, #tpu.memory_space<hbm>> -> memref<1x16384x64xf32, #tpu.memory_space<hbm>>
      %dma_wait3A_90 = tpu.memref_squeeze %dma_wait3A_89 : memref<1x16384x64xf32, #tpu.memory_space<hbm>> -> memref<16384x64xf32, #tpu.memory_space<hbm>>
      %dma_wait3A_91 = arith.constant 0 : i32
      %dma_wait3A_92 = tpu.memref_slice %dma_wait3A_90[%mul3A_2, %dma_wait3A_91] : memref<16384x64xf32, #tpu.memory_space<hbm>> -> memref<1024x64xf32, #tpu.memory_space<hbm>>
      tpu.wait_dma2 semaphore(%run_scoped3A_77 : memref<!tpu.dma_semaphore, #tpu.memory_space<semaphore_mem>>) src(%dma_wait3A_92 : memref<1024x64xf32, #tpu.memory_space<hbm>>) dst(%dma_wait3A_86 : memref<1024x64xf32, #tpu.memory_space<vmem_shared>>)
      tpu.yield
    }) : () -> ()
    %run_scoped3A = arith.constant 0 : i32
    "tpu.region"() ({
      %run_scoped3A_77 = tpu.sem_alloc : memref<!tpu.dma_semaphore, #tpu.memory_space<semaphore_mem>>
      %dma_start3A_78 = arith.constant 0 : i32
      %dma_start3A_79 = arith.constant 0 : i32
      %dma_start3A_80 = tpu.memref_slice %arg6[%run_scoped3A, %dma_start3A_78, %dma_start3A_79] : memref<2x16x128xi32, #tpu.memory_space<vmem>> -> memref<1x16x128xi32, #tpu.memory_space<vmem>>
      %dma_start3A_81 = tpu.memref_squeeze %dma_start3A_80 : memref<1x16x128xi32, #tpu.memory_space<vmem>> -> memref<16x128xi32, #tpu.memory_space<vmem>>
      %dma_start3A_82 = arith.constant 0 : i32
      %dma_start3A_83 = tpu.memref_slice %arg3[%mul3A_0, %dma_start3A_82] : memref<4096x128xi32, #tpu.memory_space<hbm>> -> memref<16x128xi32, #tpu.memory_space<hbm>>
      %dma_start3A_84 = arith.constant 0 : i32
      %dma_start3A_85 = arith.constant 0 : i32
      %dma_start3A_86 = tpu.memref_slice %arg6[%run_scoped3A, %dma_start3A_84, %dma_start3A_85] : memref<2x16x128xi32, #tpu.memory_space<vmem>> -> memref<1x16x128xi32, #tpu.memory_space<vmem>>
      %dma_start3A_87 = tpu.memref_squeeze %dma_start3A_86 : memref<1x16x128xi32, #tpu.memory_space<vmem>> -> memref<16x128xi32, #tpu.memory_space<vmem>>
      %dma_start3A_88 = arith.constant 0 : i32
      %dma_start3A_89 = tpu.memref_slice %arg3[%mul3A_0, %dma_start3A_88] : memref<4096x128xi32, #tpu.memory_space<hbm>> -> memref<16x128xi32, #tpu.memory_space<hbm>>
      tpu.enqueue_dma source(%dma_start3A_89 : memref<16x128xi32, #tpu.memory_space<hbm>>) target(%dma_start3A_87 : memref<16x128xi32, #tpu.memory_space<vmem>>) target_semaphore(%run_scoped3A_77 : memref<!tpu.dma_semaphore, #tpu.memory_space<semaphore_mem>>)
      %dma_wait3A = arith.constant 0 : i32
      %dma_wait3A_90 = arith.constant 0 : i32
      %dma_wait3A_91 = tpu.memref_slice %arg6[%run_scoped3A, %dma_wait3A, %dma_wait3A_90] : memref<2x16x128xi32, #tpu.memory_space<vmem>> -> memref<1x16x128xi32, #tpu.memory_space<vmem>>
      %dma_wait3A_92 = tpu.memref_squeeze %dma_wait3A_91 : memref<1x16x128xi32, #tpu.memory_space<vmem>> -> memref<16x128xi32, #tpu.memory_space<vmem>>
      %dma_wait3A_93 = arith.constant 0 : i32
      %dma_wait3A_94 = tpu.memref_slice %arg3[%mul3A_0, %dma_wait3A_93] : memref<4096x128xi32, #tpu.memory_space<hbm>> -> memref<16x128xi32, #tpu.memory_space<hbm>>
      %dma_wait3A_95 = arith.constant 0 : i32
      %dma_wait3A_96 = arith.constant 0 : i32
      %dma_wait3A_97 = tpu.memref_slice %arg6[%run_scoped3A, %dma_wait3A_95, %dma_wait3A_96] : memref<2x16x128xi32, #tpu.memory_space<vmem>> -> memref<1x16x128xi32, #tpu.memory_space<vmem>>
      %dma_wait3A_98 = tpu.memref_squeeze %dma_wait3A_97 : memref<1x16x128xi32, #tpu.memory_space<vmem>> -> memref<16x128xi32, #tpu.memory_space<vmem>>
      %dma_wait3A_99 = arith.constant 0 : i32
      %dma_wait3A_100 = tpu.memref_slice %arg3[%mul3A_0, %dma_wait3A_99] : memref<4096x128xi32, #tpu.memory_space<hbm>> -> memref<16x128xi32, #tpu.memory_space<hbm>>
      tpu.wait_dma2 semaphore(%run_scoped3A_77 : memref<!tpu.dma_semaphore, #tpu.memory_space<semaphore_mem>>) src(%dma_wait3A_100 : memref<16x128xi32, #tpu.memory_space<hbm>>) dst(%dma_wait3A_98 : memref<16x128xi32, #tpu.memory_space<vmem>>)
      tpu.yield
    }) : () -> ()
    %run_scoped3A_5 = arith.constant 0 : i32
    "tpu.region"() ({
      %run_scoped3A_77 = tpu.sem_alloc : memref<!tpu.dma_semaphore, #tpu.memory_space<semaphore_mem>>
      %dma_start3A_78 = arith.constant 0 : i32
      %dma_start3A_79 = arith.constant 0 : i32
      %dma_start3A_80 = tpu.memref_slice %arg7[%run_scoped3A_5, %dma_start3A_78, %dma_start3A_79] : memref<2x16x128xi32, #tpu.memory_space<vmem>> -> memref<1x16x128xi32, #tpu.memory_space<vmem>>
      %dma_start3A_81 = tpu.memref_squeeze %dma_start3A_80 : memref<1x16x128xi32, #tpu.memory_space<vmem>> -> memref<16x128xi32, #tpu.memory_space<vmem>>
      %dma_start3A_82 = arith.constant 0 : i32
      %dma_start3A_83 = tpu.memref_slice %arg4[%mul3A_0, %dma_start3A_82] : memref<4096x128xi32, #tpu.memory_space<hbm>> -> memref<16x128xi32, #tpu.memory_space<hbm>>
      %dma_start3A_84 = arith.constant 0 : i32
      %dma_start3A_85 = arith.constant 0 : i32
      %dma_start3A_86 = tpu.memref_slice %arg7[%run_scoped3A_5, %dma_start3A_84, %dma_start3A_85] : memref<2x16x128xi32, #tpu.memory_space<vmem>> -> memref<1x16x128xi32, #tpu.memory_space<vmem>>
      %dma_start3A_87 = tpu.memref_squeeze %dma_start3A_86 : memref<1x16x128xi32, #tpu.memory_space<vmem>> -> memref<16x128xi32, #tpu.memory_space<vmem>>
      %dma_start3A_88 = arith.constant 0 : i32
      %dma_start3A_89 = tpu.memref_slice %arg4[%mul3A_0, %dma_start3A_88] : memref<4096x128xi32, #tpu.memory_space<hbm>> -> memref<16x128xi32, #tpu.memory_space<hbm>>
      tpu.enqueue_dma source(%dma_start3A_89 : memref<16x128xi32, #tpu.memory_space<hbm>>) target(%dma_start3A_87 : memref<16x128xi32, #tpu.memory_space<vmem>>) target_semaphore(%run_scoped3A_77 : memref<!tpu.dma_semaphore, #tpu.memory_space<semaphore_mem>>)
      %dma_wait3A = arith.constant 0 : i32
      %dma_wait3A_90 = arith.constant 0 : i32
      %dma_wait3A_91 = tpu.memref_slice %arg7[%run_scoped3A_5, %dma_wait3A, %dma_wait3A_90] : memref<2x16x128xi32, #tpu.memory_space<vmem>> -> memref<1x16x128xi32, #tpu.memory_space<vmem>>
      %dma_wait3A_92 = tpu.memref_squeeze %dma_wait3A_91 : memref<1x16x128xi32, #tpu.memory_space<vmem>> -> memref<16x128xi32, #tpu.memory_space<vmem>>
      %dma_wait3A_93 = arith.constant 0 : i32
      %dma_wait3A_94 = tpu.memref_slice %arg4[%mul3A_0, %dma_wait3A_93] : memref<4096x128xi32, #tpu.memory_space<hbm>> -> memref<16x128xi32, #tpu.memory_space<hbm>>
      %dma_wait3A_95 = arith.constant 0 : i32
      %dma_wait3A_96 = arith.constant 0 : i32
      %dma_wait3A_97 = tpu.memref_slice %arg7[%run_scoped3A_5, %dma_wait3A_95, %dma_wait3A_96] : memref<2x16x128xi32, #tpu.memory_space<vmem>> -> memref<1x16x128xi32, #tpu.memory_space<vmem>>
      %dma_wait3A_98 = tpu.memref_squeeze %dma_wait3A_97 : memref<1x16x128xi32, #tpu.memory_space<vmem>> -> memref<16x128xi32, #tpu.memory_space<vmem>>
      %dma_wait3A_99 = arith.constant 0 : i32
      %dma_wait3A_100 = tpu.memref_slice %arg4[%mul3A_0, %dma_wait3A_99] : memref<4096x128xi32, #tpu.memory_space<hbm>> -> memref<16x128xi32, #tpu.memory_space<hbm>>
      tpu.wait_dma2 semaphore(%run_scoped3A_77 : memref<!tpu.dma_semaphore, #tpu.memory_space<semaphore_mem>>) src(%dma_wait3A_100 : memref<16x128xi32, #tpu.memory_space<hbm>>) dst(%dma_wait3A_98 : memref<16x128xi32, #tpu.memory_space<vmem>>)
      tpu.yield
    }) : () -> ()
    %add3A = arith.constant 16 : i32
    %add3A_6 = arith.addi %mul3A_0, %add3A : i32
    %dma_start3A = arith.constant 1 : i32
    %dma_start3A_7 = arith.constant 0 : i32
    %dma_start3A_8 = arith.constant 0 : i32
    %dma_start3A_9 = tpu.memref_slice %arg6[%dma_start3A, %dma_start3A_7, %dma_start3A_8] : memref<2x16x128xi32, #tpu.memory_space<vmem>> -> memref<1x16x128xi32, #tpu.memory_space<vmem>>
    %dma_start3A_10 = tpu.memref_squeeze %dma_start3A_9 : memref<1x16x128xi32, #tpu.memory_space<vmem>> -> memref<16x128xi32, #tpu.memory_space<vmem>>
    %dma_start3A_11 = arith.constant 0 : i32
    %dma_start3A_12 = tpu.memref_slice %arg3[%add3A_6, %dma_start3A_11] : memref<4096x128xi32, #tpu.memory_space<hbm>> -> memref<16x128xi32, #tpu.memory_space<hbm>>
    %dma_start3A_13 = arith.constant 0 : i32
    %dma_start3A_14 = arith.constant 0 : i32
    %dma_start3A_15 = tpu.memref_slice %arg6[%dma_start3A, %dma_start3A_13, %dma_start3A_14] : memref<2x16x128xi32, #tpu.memory_space<vmem>> -> memref<1x16x128xi32, #tpu.memory_space<vmem>>
    %dma_start3A_16 = tpu.memref_squeeze %dma_start3A_15 : memref<1x16x128xi32, #tpu.memory_space<vmem>> -> memref<16x128xi32, #tpu.memory_space<vmem>>
    %dma_start3A_17 = arith.constant 0 : i32
    %dma_start3A_18 = tpu.memref_slice %arg3[%add3A_6, %dma_start3A_17] : memref<4096x128xi32, #tpu.memory_space<hbm>> -> memref<16x128xi32, #tpu.memory_space<hbm>>
    tpu.enqueue_dma source(%dma_start3A_18 : memref<16x128xi32, #tpu.memory_space<hbm>>) target(%dma_start3A_16 : memref<16x128xi32, #tpu.memory_space<vmem>>) target_semaphore(%arg11 : memref<!tpu.dma_semaphore, #tpu.memory_space<semaphore_mem>>)
    %add3A_19 = arith.constant 16 : i32
    %add3A_20 = arith.addi %mul3A_0, %add3A_19 : i32
    %dma_start3A_21 = arith.constant 1 : i32
    %dma_start3A_22 = arith.constant 0 : i32
    %dma_start3A_23 = arith.constant 0 : i32
    %dma_start3A_24 = tpu.memref_slice %arg7[%dma_start3A_21, %dma_start3A_22, %dma_start3A_23] : memref<2x16x128xi32, #tpu.memory_space<vmem>> -> memref<1x16x128xi32, #tpu.memory_space<vmem>>
    %dma_start3A_25 = tpu.memref_squeeze %dma_start3A_24 : memref<1x16x128xi32, #tpu.memory_space<vmem>> -> memref<16x128xi32, #tpu.memory_space<vmem>>
    %dma_start3A_26 = arith.constant 0 : i32
    %dma_start3A_27 = tpu.memref_slice %arg4[%add3A_20, %dma_start3A_26] : memref<4096x128xi32, #tpu.memory_space<hbm>> -> memref<16x128xi32, #tpu.memory_space<hbm>>
    %dma_start3A_28 = arith.constant 0 : i32
    %dma_start3A_29 = arith.constant 0 : i32
    %dma_start3A_30 = tpu.memref_slice %arg7[%dma_start3A_21, %dma_start3A_28, %dma_start3A_29] : memref<2x16x128xi32, #tpu.memory_space<vmem>> -> memref<1x16x128xi32, #tpu.memory_space<vmem>>
    %dma_start3A_31 = tpu.memref_squeeze %dma_start3A_30 : memref<1x16x128xi32, #tpu.memory_space<vmem>> -> memref<16x128xi32, #tpu.memory_space<vmem>>
    %dma_start3A_32 = arith.constant 0 : i32
    %dma_start3A_33 = tpu.memref_slice %arg4[%add3A_20, %dma_start3A_32] : memref<4096x128xi32, #tpu.memory_space<hbm>> -> memref<16x128xi32, #tpu.memory_space<hbm>>
    tpu.enqueue_dma source(%dma_start3A_33 : memref<16x128xi32, #tpu.memory_space<hbm>>) target(%dma_start3A_31 : memref<16x128xi32, #tpu.memory_space<vmem>>) target_semaphore(%arg11 : memref<!tpu.dma_semaphore, #tpu.memory_space<semaphore_mem>>)
    %dma_start3A_34 = arith.constant 0 : i32
    %dma_start3A_35 = arith.constant 0 : i32
    %dma_start3A_36 = arith.constant 0 : i32
    %dma_start3A_37 = arith.constant 0 : i32
    %dma_start3A_38 = arith.constant 0 : i32
    %dma_start3A_39 = tpu.memref_slice %arg8[%dma_start3A_36, %dma_start3A_37, %dma_start3A_38] : memref<4x128x64xf32, #tpu.memory_space<vmem>> -> memref<1x128x64xf32, #tpu.memory_space<vmem>>
    %dma_start3A_40 = tpu.memref_squeeze %dma_start3A_39 : memref<1x128x64xf32, #tpu.memory_space<vmem>> -> memref<128x64xf32, #tpu.memory_space<vmem>>
    %dma_start3A_41 = arith.constant 0 : i32
    %dma_start3A_42 = tpu.memref_slice %arg6[%dma_start3A_34, %dma_start3A_35, %dma_start3A_41] : memref<2x16x128xi32, #tpu.memory_space<vmem>> -> memref<1x1x128xi32, #tpu.memory_space<vmem>>
    %dma_start3A_43 = tpu.memref_squeeze %dma_start3A_42 : memref<1x1x128xi32, #tpu.memory_space<vmem>> -> memref<128xi32, #tpu.memory_space<vmem>>
    %dma_start3A_44 = arith.constant 0 : i32
    %dma_start3A_45 = arith.constant 0 : i32
    %dma_start3A_46 = tpu.memref_slice %arg2[%arg0, %dma_start3A_44, %dma_start3A_45] : memref<2x16384x64xf32, #tpu.memory_space<hbm>> -> memref<1x16384x64xf32, #tpu.memory_space<hbm>>
    %dma_start3A_47 = tpu.memref_squeeze %dma_start3A_46 : memref<1x16384x64xf32, #tpu.memory_space<hbm>> -> memref<16384x64xf32, #tpu.memory_space<hbm>>
    %dma_start3A_48 = arith.constant 0 : i32
    %dma_start3A_49 = arith.constant 0 : i32
    %dma_start3A_50 = tpu.memref_slice %dma_start3A_47[%dma_start3A_48, %dma_start3A_49] : memref<16384x64xf32, #tpu.memory_space<hbm>> -> memref<16384x64xf32, #tpu.memory_space<hbm>>
    tpu.enqueue_indirect_dma source(%dma_start3A_50 : memref<16384x64xf32, #tpu.memory_space<hbm>>) target(%dma_start3A_40 : memref<128x64xf32, #tpu.memory_space<vmem>>) offsets(%dma_start3A_43 : memref<128xi32, #tpu.memory_space<vmem>>) semaphore(%arg10 : memref<!tpu.dma_semaphore, #tpu.memory_space<semaphore_mem>>)
    %dma_start3A_51 = arith.constant 0 : i32
    %dma_start3A_52 = arith.constant 1 : i32
    %dma_start3A_53 = arith.constant 1 : i32
    %dma_start3A_54 = arith.constant 0 : i32
    %dma_start3A_55 = arith.constant 0 : i32
    %dma_start3A_56 = tpu.memref_slice %arg8[%dma_start3A_53, %dma_start3A_54, %dma_start3A_55] : memref<4x128x64xf32, #tpu.memory_space<vmem>> -> memref<1x128x64xf32, #tpu.memory_space<vmem>>
    %dma_start3A_57 = tpu.memref_squeeze %dma_start3A_56 : memref<1x128x64xf32, #tpu.memory_space<vmem>> -> memref<128x64xf32, #tpu.memory_space<vmem>>
    %dma_start3A_58 = arith.constant 0 : i32
    %dma_start3A_59 = tpu.memref_slice %arg6[%dma_start3A_51, %dma_start3A_52, %dma_start3A_58] : memref<2x16x128xi32, #tpu.memory_space<vmem>> -> memref<1x1x128xi32, #tpu.memory_space<vmem>>
    %dma_start3A_60 = tpu.memref_squeeze %dma_start3A_59 : memref<1x1x128xi32, #tpu.memory_space<vmem>> -> memref<128xi32, #tpu.memory_space<vmem>>
    %dma_start3A_61 = arith.constant 0 : i32
    %dma_start3A_62 = arith.constant 0 : i32
    %dma_start3A_63 = tpu.memref_slice %arg2[%arg0, %dma_start3A_61, %dma_start3A_62] : memref<2x16384x64xf32, #tpu.memory_space<hbm>> -> memref<1x16384x64xf32, #tpu.memory_space<hbm>>
    %dma_start3A_64 = tpu.memref_squeeze %dma_start3A_63 : memref<1x16384x64xf32, #tpu.memory_space<hbm>> -> memref<16384x64xf32, #tpu.memory_space<hbm>>
    %dma_start3A_65 = arith.constant 0 : i32
    %dma_start3A_66 = arith.constant 0 : i32
    %dma_start3A_67 = tpu.memref_slice %dma_start3A_64[%dma_start3A_65, %dma_start3A_66] : memref<16384x64xf32, #tpu.memory_space<hbm>> -> memref<16384x64xf32, #tpu.memory_space<hbm>>
    tpu.enqueue_indirect_dma source(%dma_start3A_67 : memref<16384x64xf32, #tpu.memory_space<hbm>>) target(%dma_start3A_57 : memref<128x64xf32, #tpu.memory_space<vmem>>) offsets(%dma_start3A_60 : memref<128xi32, #tpu.memory_space<vmem>>) semaphore(%arg10 : memref<!tpu.dma_semaphore, #tpu.memory_space<semaphore_mem>>)
    %barrier3A = arith.constant 0 : index
    tpu.barrier barrier_id(%barrier3A)
    %scan3A = arith.constant 0 : i32
    %scan3A_68 = arith.constant 16 : i32
    %scan3A_69 = arith.addi %scan3A, %scan3A_68 : i32
    %scan3A_70 = arith.constant 1 : i32
    scf.for %scan3A_77 = %scan3A to %scan3A_69 step %scan3A_70  : i32 {
      %rem3A = arith.constant 2 : i32
      %rem3A_78 = arith.remsi %scan3A_77, %rem3A : i32
      %sub3A = arith.constant 1 : i32
      %sub3A_79 = arith.subi %sub3A, %rem3A_78 : i32
      %dma_start3A_80 = arith.constant 2 : i32
      %dma_start3A_81 = arith.constant 2 : i32
      %dma_start3A_82 = arith.constant 0 : i32
      %dma_start3A_83 = arith.constant 0 : i32
      %dma_start3A_84 = tpu.memref_slice %arg8[%dma_start3A_81, %dma_start3A_82, %dma_start3A_83] : memref<4x128x64xf32, #tpu.memory_space<vmem>> -> memref<1x128x64xf32, #tpu.memory_space<vmem>>
      %dma_start3A_85 = tpu.memref_squeeze %dma_start3A_84 : memref<1x128x64xf32, #tpu.memory_space<vmem>> -> memref<128x64xf32, #tpu.memory_space<vmem>>
      %dma_start3A_86 = arith.constant 0 : i32
      %dma_start3A_87 = tpu.memref_slice %arg6[%rem3A_78, %dma_start3A_80, %dma_start3A_86] : memref<2x16x128xi32, #tpu.memory_space<vmem>> -> memref<1x1x128xi32, #tpu.memory_space<vmem>>
      %dma_start3A_88 = tpu.memref_squeeze %dma_start3A_87 : memref<1x1x128xi32, #tpu.memory_space<vmem>> -> memref<128xi32, #tpu.memory_space<vmem>>
      %dma_start3A_89 = arith.constant 0 : i32
      %dma_start3A_90 = arith.constant 0 : i32
      %dma_start3A_91 = tpu.memref_slice %arg2[%arg0, %dma_start3A_89, %dma_start3A_90] : memref<2x16384x64xf32, #tpu.memory_space<hbm>> -> memref<1x16384x64xf32, #tpu.memory_space<hbm>>
      %dma_start3A_92 = tpu.memref_squeeze %dma_start3A_91 : memref<1x16384x64xf32, #tpu.memory_space<hbm>> -> memref<16384x64xf32, #tpu.memory_space<hbm>>
      %dma_start3A_93 = arith.constant 0 : i32
      %dma_start3A_94 = arith.constant 0 : i32
      %dma_start3A_95 = tpu.memref_slice %dma_start3A_92[%dma_start3A_93, %dma_start3A_94] : memref<16384x64xf32, #tpu.memory_space<hbm>> -> memref<16384x64xf32, #tpu.memory_space<hbm>>
      tpu.enqueue_indirect_dma source(%dma_start3A_95 : memref<16384x64xf32, #tpu.memory_space<hbm>>) target(%dma_start3A_85 : memref<128x64xf32, #tpu.memory_space<vmem>>) offsets(%dma_start3A_88 : memref<128xi32, #tpu.memory_space<vmem>>) semaphore(%arg10 : memref<!tpu.dma_semaphore, #tpu.memory_space<semaphore_mem>>)
      %dma_wait3A = arith.constant 0 : i32
      %dma_wait3A_96 = arith.constant 0 : i32
      %dma_wait3A_97 = arith.constant 0 : i32
      %dma_wait3A_98 = arith.constant 0 : i32
      %dma_wait3A_99 = tpu.memref_slice %arg8[%dma_wait3A_96, %dma_wait3A_97, %dma_wait3A_98] : memref<4x128x64xf32, #tpu.memory_space<vmem>> -> memref<1x128x64xf32, #tpu.memory_space<vmem>>
      %dma_wait3A_100 = tpu.memref_squeeze %dma_wait3A_99 : memref<1x128x64xf32, #tpu.memory_space<vmem>> -> memref<128x64xf32, #tpu.memory_space<vmem>>
      %dma_wait3A_101 = arith.constant 0 : i32
      %dma_wait3A_102 = tpu.memref_slice %arg6[%rem3A_78, %dma_wait3A, %dma_wait3A_101] : memref<2x16x128xi32, #tpu.memory_space<vmem>> -> memref<1x1x128xi32, #tpu.memory_space<vmem>>
      %dma_wait3A_103 = tpu.memref_squeeze %dma_wait3A_102 : memref<1x1x128xi32, #tpu.memory_space<vmem>> -> memref<128xi32, #tpu.memory_space<vmem>>
      %dma_wait3A_104 = arith.constant 0 : i32
      %dma_wait3A_105 = arith.constant 0 : i32
      %dma_wait3A_106 = tpu.memref_slice %arg2[%arg0, %dma_wait3A_104, %dma_wait3A_105] : memref<2x16384x64xf32, #tpu.memory_space<hbm>> -> memref<1x16384x64xf32, #tpu.memory_space<hbm>>
      %dma_wait3A_107 = tpu.memref_squeeze %dma_wait3A_106 : memref<1x16384x64xf32, #tpu.memory_space<hbm>> -> memref<16384x64xf32, #tpu.memory_space<hbm>>
      %dma_wait3A_108 = arith.constant 0 : i32
      %dma_wait3A_109 = arith.constant 0 : i32
      %dma_wait3A_110 = tpu.memref_slice %dma_wait3A_107[%dma_wait3A_108, %dma_wait3A_109] : memref<16384x64xf32, #tpu.memory_space<hbm>> -> memref<16384x64xf32, #tpu.memory_space<hbm>>
      tpu.wait_indirect_dma semaphore(%arg10 : memref<!tpu.dma_semaphore, #tpu.memory_space<semaphore_mem>>) src(%dma_wait3A_110 : memref<16384x64xf32, #tpu.memory_space<hbm>>) dst(%dma_wait3A_100 : memref<128x64xf32, #tpu.memory_space<vmem>>)
      %dma_start3A_111 = arith.constant 0 : i32
      %dma_start3A_112 = arith.constant 0 : i32
      %dma_start3A_113 = arith.constant 0 : i32
      %dma_start3A_114 = arith.constant 0 : i32
      %dma_start3A_115 = tpu.memref_slice %arg8[%dma_start3A_111, %dma_start3A_113, %dma_start3A_114] : memref<4x128x64xf32, #tpu.memory_space<vmem>> -> memref<1x128x64xf32, #tpu.memory_space<vmem>>
      %dma_start3A_116 = tpu.memref_squeeze %dma_start3A_115 : memref<1x128x64xf32, #tpu.memory_space<vmem>> -> memref<128x64xf32, #tpu.memory_space<vmem>>
      %dma_start3A_117 = arith.constant 0 : i32
      %dma_start3A_118 = tpu.memref_slice %arg7[%rem3A_78, %dma_start3A_112, %dma_start3A_117] : memref<2x16x128xi32, #tpu.memory_space<vmem>> -> memref<1x1x128xi32, #tpu.memory_space<vmem>>
      %dma_start3A_119 = tpu.memref_squeeze %dma_start3A_118 : memref<1x1x128xi32, #tpu.memory_space<vmem>> -> memref<128xi32, #tpu.memory_space<vmem>>
      %dma_start3A_120 = arith.constant 0 : i32
      %dma_start3A_121 = arith.constant 0 : i32
      %dma_start3A_122 = tpu.memref_slice %arg9[%dma_start3A_120, %dma_start3A_121] : memref<16384x64xf32, #tpu.memory_space<vmem_shared>> -> memref<16384x64xf32, #tpu.memory_space<vmem_shared>>
      tpu.enqueue_indirect_dma source(%dma_start3A_116 : memref<128x64xf32, #tpu.memory_space<vmem>>) target(%dma_start3A_122 : memref<16384x64xf32, #tpu.memory_space<vmem_shared>>) offsets(%dma_start3A_119 : memref<128xi32, #tpu.memory_space<vmem>>) semaphore(%arg12 : memref<!tpu.dma_semaphore, #tpu.memory_space<semaphore_mem>>) {add = true}
      %dma_start3A_123 = arith.constant 3 : i32
      %dma_start3A_124 = arith.constant 3 : i32
      %dma_start3A_125 = arith.constant 0 : i32
      %dma_start3A_126 = arith.constant 0 : i32
      %dma_start3A_127 = tpu.memref_slice %arg8[%dma_start3A_124, %dma_start3A_125, %dma_start3A_126] : memref<4x128x64xf32, #tpu.memory_space<vmem>> -> memref<1x128x64xf32, #tpu.memory_space<vmem>>
      %dma_start3A_128 = tpu.memref_squeeze %dma_start3A_127 : memref<1x128x64xf32, #tpu.memory_space<vmem>> -> memref<128x64xf32, #tpu.memory_space<vmem>>
      %dma_start3A_129 = arith.constant 0 : i32
      %dma_start3A_130 = tpu.memref_slice %arg6[%rem3A_78, %dma_start3A_123, %dma_start3A_129] : memref<2x16x128xi32, #tpu.memory_space<vmem>> -> memref<1x1x128xi32, #tpu.memory_space<vmem>>
      %dma_start3A_131 = tpu.memref_squeeze %dma_start3A_130 : memref<1x1x128xi32, #tpu.memory_space<vmem>> -> memref<128xi32, #tpu.memory_space<vmem>>
      %dma_start3A_132 = arith.constant 0 : i32
      %dma_start3A_133 = arith.constant 0 : i32
      %dma_start3A_134 = tpu.memref_slice %arg2[%arg0, %dma_start3A_132, %dma_start3A_133] : memref<2x16384x64xf32, #tpu.memory_space<hbm>> -> memref<1x16384x64xf32, #tpu.memory_space<hbm>>
      %dma_start3A_135 = tpu.memref_squeeze %dma_start3A_134 : memref<1x16384x64xf32, #tpu.memory_space<hbm>> -> memref<16384x64xf32, #tpu.memory_space<hbm>>
      %dma_start3A_136 = arith.constant 0 : i32
      %dma_start3A_137 = arith.constant 0 : i32
      %dma_start3A_138 = tpu.memref_slice %dma_start3A_135[%dma_start3A_136, %dma_start3A_137] : memref<16384x64xf32, #tpu.memory_space<hbm>> -> memref<16384x64xf32, #tpu.memory_space<hbm>>
      tpu.enqueue_indirect_dma source(%dma_start3A_138 : memref<16384x64xf32, #tpu.memory_space<hbm>>) target(%dma_start3A_128 : memref<128x64xf32, #tpu.memory_space<vmem>>) offsets(%dma_start3A_131 : memref<128xi32, #tpu.memory_space<vmem>>) semaphore(%arg10 : memref<!tpu.dma_semaphore, #tpu.memory_space<semaphore_mem>>)
      %dma_wait3A_139 = arith.constant 1 : i32
      %dma_wait3A_140 = arith.constant 1 : i32
      %dma_wait3A_141 = arith.constant 0 : i32
      %dma_wait3A_142 = arith.constant 0 : i32
      %dma_wait3A_143 = tpu.memref_slice %arg8[%dma_wait3A_140, %dma_wait3A_141, %dma_wait3A_142] : memref<4x128x64xf32, #tpu.memory_space<vmem>> -> memref<1x128x64xf32, #tpu.memory_space<vmem>>
      %dma_wait3A_144 = tpu.memref_squeeze %dma_wait3A_143 : memref<1x128x64xf32, #tpu.memory_space<vmem>> -> memref<128x64xf32, #tpu.memory_space<vmem>>
      %dma_wait3A_145 = arith.constant 0 : i32
      %dma_wait3A_146 = tpu.memref_slice %arg6[%rem3A_78, %dma_wait3A_139, %dma_wait3A_145] : memref<2x16x128xi32, #tpu.memory_space<vmem>> -> memref<1x1x128xi32, #tpu.memory_space<vmem>>
      %dma_wait3A_147 = tpu.memref_squeeze %dma_wait3A_146 : memref<1x1x128xi32, #tpu.memory_space<vmem>> -> memref<128xi32, #tpu.memory_space<vmem>>
      %dma_wait3A_148 = arith.constant 0 : i32
      %dma_wait3A_149 = arith.constant 0 : i32
      %dma_wait3A_150 = tpu.memref_slice %arg2[%arg0, %dma_wait3A_148, %dma_wait3A_149] : memref<2x16384x64xf32, #tpu.memory_space<hbm>> -> memref<1x16384x64xf32, #tpu.memory_space<hbm>>
      %dma_wait3A_151 = tpu.memref_squeeze %dma_wait3A_150 : memref<1x16384x64xf32, #tpu.memory_space<hbm>> -> memref<16384x64xf32, #tpu.memory_space<hbm>>
      %dma_wait3A_152 = arith.constant 0 : i32
      %dma_wait3A_153 = arith.constant 0 : i32
      %dma_wait3A_154 = tpu.memref_slice %dma_wait3A_151[%dma_wait3A_152, %dma_wait3A_153] : memref<16384x64xf32, #tpu.memory_space<hbm>> -> memref<16384x64xf32, #tpu.memory_space<hbm>>
      tpu.wait_indirect_dma semaphore(%arg10 : memref<!tpu.dma_semaphore, #tpu.memory_space<semaphore_mem>>) src(%dma_wait3A_154 : memref<16384x64xf32, #tpu.memory_space<hbm>>) dst(%dma_wait3A_144 : memref<128x64xf32, #tpu.memory_space<vmem>>)
      %dma_start3A_155 = arith.constant 1 : i32
      %dma_start3A_156 = arith.constant 1 : i32
      %dma_start3A_157 = arith.constant 0 : i32
      %dma_start3A_158 = arith.constant 0 : i32
      %dma_start3A_159 = tpu.memref_slice %arg8[%dma_start3A_155, %dma_start3A_157, %dma_start3A_158] : memref<4x128x64xf32, #tpu.memory_space<vmem>> -> memref<1x128x64xf32, #tpu.memory_space<vmem>>
      %dma_start3A_160 = tpu.memref_squeeze %dma_start3A_159 : memref<1x128x64xf32, #tpu.memory_space<vmem>> -> memref<128x64xf32, #tpu.memory_space<vmem>>
      %dma_start3A_161 = arith.constant 0 : i32
      %dma_start3A_162 = tpu.memref_slice %arg7[%rem3A_78, %dma_start3A_156, %dma_start3A_161] : memref<2x16x128xi32, #tpu.memory_space<vmem>> -> memref<1x1x128xi32, #tpu.memory_space<vmem>>
      %dma_start3A_163 = tpu.memref_squeeze %dma_start3A_162 : memref<1x1x128xi32, #tpu.memory_space<vmem>> -> memref<128xi32, #tpu.memory_space<vmem>>
      %dma_start3A_164 = arith.constant 0 : i32
      %dma_start3A_165 = arith.constant 0 : i32
      %dma_start3A_166 = tpu.memref_slice %arg9[%dma_start3A_164, %dma_start3A_165] : memref<16384x64xf32, #tpu.memory_space<vmem_shared>> -> memref<16384x64xf32, #tpu.memory_space<vmem_shared>>
      tpu.enqueue_indirect_dma source(%dma_start3A_160 : memref<128x64xf32, #tpu.memory_space<vmem>>) target(%dma_start3A_166 : memref<16384x64xf32, #tpu.memory_space<vmem_shared>>) offsets(%dma_start3A_163 : memref<128xi32, #tpu.memory_space<vmem>>) semaphore(%arg12 : memref<!tpu.dma_semaphore, #tpu.memory_space<semaphore_mem>>) {add = true}
      %dma_wait3A_167 = arith.constant 0 : i32
      %dma_wait3A_168 = arith.constant 0 : i32
      %dma_wait3A_169 = arith.constant 0 : i32
      %dma_wait3A_170 = arith.constant 0 : i32
      %dma_wait3A_171 = tpu.memref_slice %arg8[%dma_wait3A_167, %dma_wait3A_169, %dma_wait3A_170] : memref<4x128x64xf32, #tpu.memory_space<vmem>> -> memref<1x128x64xf32, #tpu.memory_space<vmem>>
      %dma_wait3A_172 = tpu.memref_squeeze %dma_wait3A_171 : memref<1x128x64xf32, #tpu.memory_space<vmem>> -> memref<128x64xf32, #tpu.memory_space<vmem>>
      %dma_wait3A_173 = arith.constant 0 : i32
      %dma_wait3A_174 = tpu.memref_slice %arg7[%rem3A_78, %dma_wait3A_168, %dma_wait3A_173] : memref<2x16x128xi32, #tpu.memory_space<vmem>> -> memref<1x1x128xi32, #tpu.memory_space<vmem>>
      %dma_wait3A_175 = tpu.memref_squeeze %dma_wait3A_174 : memref<1x1x128xi32, #tpu.memory_space<vmem>> -> memref<128xi32, #tpu.memory_space<vmem>>
      %dma_wait3A_176 = arith.constant 0 : i32
      %dma_wait3A_177 = arith.constant 0 : i32
      %dma_wait3A_178 = tpu.memref_slice %arg9[%dma_wait3A_176, %dma_wait3A_177] : memref<16384x64xf32, #tpu.memory_space<vmem_shared>> -> memref<16384x64xf32, #tpu.memory_space<vmem_shared>>
      tpu.wait_indirect_dma semaphore(%arg12 : memref<!tpu.dma_semaphore, #tpu.memory_space<semaphore_mem>>) src(%dma_wait3A_172 : memref<128x64xf32, #tpu.memory_space<vmem>>) dst(%dma_wait3A_178 : memref<16384x64xf32, #tpu.memory_space<vmem_shared>>)
      %dma_start3A_179 = arith.constant 4 : i32
      %dma_start3A_180 = arith.constant 0 : i32
      %dma_start3A_181 = arith.constant 0 : i32
      %dma_start3A_182 = arith.constant 0 : i32
      %dma_start3A_183 = tpu.memref_slice %arg8[%dma_start3A_180, %dma_start3A_181, %dma_start3A_182] : memref<4x128x64xf32, #tpu.memory_space<vmem>> -> memref<1x128x64xf32, #tpu.memory_space<vmem>>
      %dma_start3A_184 = tpu.memref_squeeze %dma_start3A_183 : memref<1x128x64xf32, #tpu.memory_space<vmem>> -> memref<128x64xf32, #tpu.memory_space<vmem>>
      %dma_start3A_185 = arith.constant 0 : i32
      %dma_start3A_186 = tpu.memref_slice %arg6[%rem3A_78, %dma_start3A_179, %dma_start3A_185] : memref<2x16x128xi32, #tpu.memory_space<vmem>> -> memref<1x1x128xi32, #tpu.memory_space<vmem>>
      %dma_start3A_187 = tpu.memref_squeeze %dma_start3A_186 : memref<1x1x128xi32, #tpu.memory_space<vmem>> -> memref<128xi32, #tpu.memory_space<vmem>>
      %dma_start3A_188 = arith.constant 0 : i32
      %dma_start3A_189 = arith.constant 0 : i32
      %dma_start3A_190 = tpu.memref_slice %arg2[%arg0, %dma_start3A_188, %dma_start3A_189] : memref<2x16384x64xf32, #tpu.memory_space<hbm>> -> memref<1x16384x64xf32, #tpu.memory_space<hbm>>
      %dma_start3A_191 = tpu.memref_squeeze %dma_start3A_190 : memref<1x16384x64xf32, #tpu.memory_space<hbm>> -> memref<16384x64xf32, #tpu.memory_space<hbm>>
      %dma_start3A_192 = arith.constant 0 : i32
      %dma_start3A_193 = arith.constant 0 : i32
      %dma_start3A_194 = tpu.memref_slice %dma_start3A_191[%dma_start3A_192, %dma_start3A_193] : memref<16384x64xf32, #tpu.memory_space<hbm>> -> memref<16384x64xf32, #tpu.memory_space<hbm>>
      tpu.enqueue_indirect_dma source(%dma_start3A_194 : memref<16384x64xf32, #tpu.memory_space<hbm>>) target(%dma_start3A_184 : memref<128x64xf32, #tpu.memory_space<vmem>>) offsets(%dma_start3A_187 : memref<128xi32, #tpu.memory_space<vmem>>) semaphore(%arg10 : memref<!tpu.dma_semaphore, #tpu.memory_space<semaphore_mem>>)
      %dma_wait3A_195 = arith.constant 2 : i32
      %dma_wait3A_196 = arith.constant 2 : i32
      %dma_wait3A_197 = arith.constant 0 : i32
      %dma_wait3A_198 = arith.constant 0 : i32
      %dma_wait3A_199 = tpu.memref_slice %arg8[%dma_wait3A_196, %dma_wait3A_197, %dma_wait3A_198] : memref<4x128x64xf32, #tpu.memory_space<vmem>> -> memref<1x128x64xf32, #tpu.memory_space<vmem>>
      %dma_wait3A_200 = tpu.memref_squeeze %dma_wait3A_199 : memref<1x128x64xf32, #tpu.memory_space<vmem>> -> memref<128x64xf32, #tpu.memory_space<vmem>>
      %dma_wait3A_201 = arith.constant 0 : i32
      %dma_wait3A_202 = tpu.memref_slice %arg6[%rem3A_78, %dma_wait3A_195, %dma_wait3A_201] : memref<2x16x128xi32, #tpu.memory_space<vmem>> -> memref<1x1x128xi32, #tpu.memory_space<vmem>>
      %dma_wait3A_203 = tpu.memref_squeeze %dma_wait3A_202 : memref<1x1x128xi32, #tpu.memory_space<vmem>> -> memref<128xi32, #tpu.memory_space<vmem>>
      %dma_wait3A_204 = arith.constant 0 : i32
      %dma_wait3A_205 = arith.constant 0 : i32
      %dma_wait3A_206 = tpu.memref_slice %arg2[%arg0, %dma_wait3A_204, %dma_wait3A_205] : memref<2x16384x64xf32, #tpu.memory_space<hbm>> -> memref<1x16384x64xf32, #tpu.memory_space<hbm>>
      %dma_wait3A_207 = tpu.memref_squeeze %dma_wait3A_206 : memref<1x16384x64xf32, #tpu.memory_space<hbm>> -> memref<16384x64xf32, #tpu.memory_space<hbm>>
      %dma_wait3A_208 = arith.constant 0 : i32
      %dma_wait3A_209 = arith.constant 0 : i32
      %dma_wait3A_210 = tpu.memref_slice %dma_wait3A_207[%dma_wait3A_208, %dma_wait3A_209] : memref<16384x64xf32, #tpu.memory_space<hbm>> -> memref<16384x64xf32, #tpu.memory_space<hbm>>
      tpu.wait_indirect_dma semaphore(%arg10 : memref<!tpu.dma_semaphore, #tpu.memory_space<semaphore_mem>>) src(%dma_wait3A_210 : memref<16384x64xf32, #tpu.memory_space<hbm>>) dst(%dma_wait3A_200 : memref<128x64xf32, #tpu.memory_space<vmem>>)
      %dma_start3A_211 = arith.constant 2 : i32
      %dma_start3A_212 = arith.constant 2 : i32
      %dma_start3A_213 = arith.constant 0 : i32
      %dma_start3A_214 = arith.constant 0 : i32
      %dma_start3A_215 = tpu.memref_slice %arg8[%dma_start3A_211, %dma_start3A_213, %dma_start3A_214] : memref<4x128x64xf32, #tpu.memory_space<vmem>> -> memref<1x128x64xf32, #tpu.memory_space<vmem>>
      %dma_start3A_216 = tpu.memref_squeeze %dma_start3A_215 : memref<1x128x64xf32, #tpu.memory_space<vmem>> -> memref<128x64xf32, #tpu.memory_space<vmem>>
      %dma_start3A_217 = arith.constant 0 : i32
      %dma_start3A_218 = tpu.memref_slice %arg7[%rem3A_78, %dma_start3A_212, %dma_start3A_217] : memref<2x16x128xi32, #tpu.memory_space<vmem>> -> memref<1x1x128xi32, #tpu.memory_space<vmem>>
      %dma_start3A_219 = tpu.memref_squeeze %dma_start3A_218 : memref<1x1x128xi32, #tpu.memory_space<vmem>> -> memref<128xi32, #tpu.memory_space<vmem>>
      %dma_start3A_220 = arith.constant 0 : i32
      %dma_start3A_221 = arith.constant 0 : i32
      %dma_start3A_222 = tpu.memref_slice %arg9[%dma_start3A_220, %dma_start3A_221] : memref<16384x64xf32, #tpu.memory_space<vmem_shared>> -> memref<16384x64xf32, #tpu.memory_space<vmem_shared>>
      tpu.enqueue_indirect_dma source(%dma_start3A_216 : memref<128x64xf32, #tpu.memory_space<vmem>>) target(%dma_start3A_222 : memref<16384x64xf32, #tpu.memory_space<vmem_shared>>) offsets(%dma_start3A_219 : memref<128xi32, #tpu.memory_space<vmem>>) semaphore(%arg12 : memref<!tpu.dma_semaphore, #tpu.memory_space<semaphore_mem>>) {add = true}
      %dma_wait3A_223 = arith.constant 1 : i32
      %dma_wait3A_224 = arith.constant 1 : i32
      %dma_wait3A_225 = arith.constant 0 : i32
      %dma_wait3A_226 = arith.constant 0 : i32
      %dma_wait3A_227 = tpu.memref_slice %arg8[%dma_wait3A_223, %dma_wait3A_225, %dma_wait3A_226] : memref<4x128x64xf32, #tpu.memory_space<vmem>> -> memref<1x128x64xf32, #tpu.memory_space<vmem>>
      %dma_wait3A_228 = tpu.memref_squeeze %dma_wait3A_227 : memref<1x128x64xf32, #tpu.memory_space<vmem>> -> memref<128x64xf32, #tpu.memory_space<vmem>>
      %dma_wait3A_229 = arith.constant 0 : i32
      %dma_wait3A_230 = tpu.memref_slice %arg7[%rem3A_78, %dma_wait3A_224, %dma_wait3A_229] : memref<2x16x128xi32, #tpu.memory_space<vmem>> -> memref<1x1x128xi32, #tpu.memory_space<vmem>>
      %dma_wait3A_231 = tpu.memref_squeeze %dma_wait3A_230 : memref<1x1x128xi32, #tpu.memory_space<vmem>> -> memref<128xi32, #tpu.memory_space<vmem>>
      %dma_wait3A_232 = arith.constant 0 : i32
      %dma_wait3A_233 = arith.constant 0 : i32
      %dma_wait3A_234 = tpu.memref_slice %arg9[%dma_wait3A_232, %dma_wait3A_233] : memref<16384x64xf32, #tpu.memory_space<vmem_shared>> -> memref<16384x64xf32, #tpu.memory_space<vmem_shared>>
      tpu.wait_indirect_dma semaphore(%arg12 : memref<!tpu.dma_semaphore, #tpu.memory_space<semaphore_mem>>) src(%dma_wait3A_228 : memref<128x64xf32, #tpu.memory_space<vmem>>) dst(%dma_wait3A_234 : memref<16384x64xf32, #tpu.memory_space<vmem_shared>>)
      %dma_start3A_235 = arith.constant 5 : i32
      %dma_start3A_236 = arith.constant 1 : i32
      %dma_start3A_237 = arith.constant 0 : i32
      %dma_start3A_238 = arith.constant 0 : i32
      %dma_start3A_239 = tpu.memref_slice %arg8[%dma_start3A_236, %dma_start3A_237, %dma_start3A_238] : memref<4x128x64xf32, #tpu.memory_space<vmem>> -> memref<1x128x64xf32, #tpu.memory_space<vmem>>
      %dma_start3A_240 = tpu.memref_squeeze %dma_start3A_239 : memref<1x128x64xf32, #tpu.memory_space<vmem>> -> memref<128x64xf32, #tpu.memory_space<vmem>>
      %dma_start3A_241 = arith.constant 0 : i32
      %dma_start3A_242 = tpu.memref_slice %arg6[%rem3A_78, %dma_start3A_235, %dma_start3A_241] : memref<2x16x128xi32, #tpu.memory_space<vmem>> -> memref<1x1x128xi32, #tpu.memory_space<vmem>>
      %dma_start3A_243 = tpu.memref_squeeze %dma_start3A_242 : memref<1x1x128xi32, #tpu.memory_space<vmem>> -> memref<128xi32, #tpu.memory_space<vmem>>
      %dma_start3A_244 = arith.constant 0 : i32
      %dma_start3A_245 = arith.constant 0 : i32
      %dma_start3A_246 = tpu.memref_slice %arg2[%arg0, %dma_start3A_244, %dma_start3A_245] : memref<2x16384x64xf32, #tpu.memory_space<hbm>> -> memref<1x16384x64xf32, #tpu.memory_space<hbm>>
      %dma_start3A_247 = tpu.memref_squeeze %dma_start3A_246 : memref<1x16384x64xf32, #tpu.memory_space<hbm>> -> memref<16384x64xf32, #tpu.memory_space<hbm>>
      %dma_start3A_248 = arith.constant 0 : i32
      %dma_start3A_249 = arith.constant 0 : i32
      %dma_start3A_250 = tpu.memref_slice %dma_start3A_247[%dma_start3A_248, %dma_start3A_249] : memref<16384x64xf32, #tpu.memory_space<hbm>> -> memref<16384x64xf32, #tpu.memory_space<hbm>>
      tpu.enqueue_indirect_dma source(%dma_start3A_250 : memref<16384x64xf32, #tpu.memory_space<hbm>>) target(%dma_start3A_240 : memref<128x64xf32, #tpu.memory_space<vmem>>) offsets(%dma_start3A_243 : memref<128xi32, #tpu.memory_space<vmem>>) semaphore(%arg10 : memref<!tpu.dma_semaphore, #tpu.memory_space<semaphore_mem>>)
      %dma_wait3A_251 = arith.constant 3 : i32
      %dma_wait3A_252 = arith.constant 3 : i32
      %dma_wait3A_253 = arith.constant 0 : i32
      %dma_wait3A_254 = arith.constant 0 : i32
      %dma_wait3A_255 = tpu.memref_slice %arg8[%dma_wait3A_252, %dma_wait3A_253, %dma_wait3A_254] : memref<4x128x64xf32, #tpu.memory_space<vmem>> -> memref<1x128x64xf32, #tpu.memory_space<vmem>>
      %dma_wait3A_256 = tpu.memref_squeeze %dma_wait3A_255 : memref<1x128x64xf32, #tpu.memory_space<vmem>> -> memref<128x64xf32, #tpu.memory_space<vmem>>
      %dma_wait3A_257 = arith.constant 0 : i32
      %dma_wait3A_258 = tpu.memref_slice %arg6[%rem3A_78, %dma_wait3A_251, %dma_wait3A_257] : memref<2x16x128xi32, #tpu.memory_space<vmem>> -> memref<1x1x128xi32, #tpu.memory_space<vmem>>
      %dma_wait3A_259 = tpu.memref_squeeze %dma_wait3A_258 : memref<1x1x128xi32, #tpu.memory_space<vmem>> -> memref<128xi32, #tpu.memory_space<vmem>>
      %dma_wait3A_260 = arith.constant 0 : i32
      %dma_wait3A_261 = arith.constant 0 : i32
      %dma_wait3A_262 = tpu.memref_slice %arg2[%arg0, %dma_wait3A_260, %dma_wait3A_261] : memref<2x16384x64xf32, #tpu.memory_space<hbm>> -> memref<1x16384x64xf32, #tpu.memory_space<hbm>>
      %dma_wait3A_263 = tpu.memref_squeeze %dma_wait3A_262 : memref<1x16384x64xf32, #tpu.memory_space<hbm>> -> memref<16384x64xf32, #tpu.memory_space<hbm>>
      %dma_wait3A_264 = arith.constant 0 : i32
      %dma_wait3A_265 = arith.constant 0 : i32
      %dma_wait3A_266 = tpu.memref_slice %dma_wait3A_263[%dma_wait3A_264, %dma_wait3A_265] : memref<16384x64xf32, #tpu.memory_space<hbm>> -> memref<16384x64xf32, #tpu.memory_space<hbm>>
      tpu.wait_indirect_dma semaphore(%arg10 : memref<!tpu.dma_semaphore, #tpu.memory_space<semaphore_mem>>) src(%dma_wait3A_266 : memref<16384x64xf32, #tpu.memory_space<hbm>>) dst(%dma_wait3A_256 : memref<128x64xf32, #tpu.memory_space<vmem>>)
      %dma_start3A_267 = arith.constant 3 : i32
      %dma_start3A_268 = arith.constant 3 : i32
      %dma_start3A_269 = arith.constant 0 : i32
      %dma_start3A_270 = arith.constant 0 : i32
      %dma_start3A_271 = tpu.memref_slice %arg8[%dma_start3A_267, %dma_start3A_269, %dma_start3A_270] : memref<4x128x64xf32, #tpu.memory_space<vmem>> -> memref<1x128x64xf32, #tpu.memory_space<vmem>>
      %dma_start3A_272 = tpu.memref_squeeze %dma_start3A_271 : memref<1x128x64xf32, #tpu.memory_space<vmem>> -> memref<128x64xf32, #tpu.memory_space<vmem>>
      %dma_start3A_273 = arith.constant 0 : i32
      %dma_start3A_274 = tpu.memref_slice %arg7[%rem3A_78, %dma_start3A_268, %dma_start3A_273] : memref<2x16x128xi32, #tpu.memory_space<vmem>> -> memref<1x1x128xi32, #tpu.memory_space<vmem>>
      %dma_start3A_275 = tpu.memref_squeeze %dma_start3A_274 : memref<1x1x128xi32, #tpu.memory_space<vmem>> -> memref<128xi32, #tpu.memory_space<vmem>>
      %dma_start3A_276 = arith.constant 0 : i32
      %dma_start3A_277 = arith.constant 0 : i32
      %dma_start3A_278 = tpu.memref_slice %arg9[%dma_start3A_276, %dma_start3A_277] : memref<16384x64xf32, #tpu.memory_space<vmem_shared>> -> memref<16384x64xf32, #tpu.memory_space<vmem_shared>>
      tpu.enqueue_indirect_dma source(%dma_start3A_272 : memref<128x64xf32, #tpu.memory_space<vmem>>) target(%dma_start3A_278 : memref<16384x64xf32, #tpu.memory_space<vmem_shared>>) offsets(%dma_start3A_275 : memref<128xi32, #tpu.memory_space<vmem>>) semaphore(%arg12 : memref<!tpu.dma_semaphore, #tpu.memory_space<semaphore_mem>>) {add = true}
      %dma_wait3A_279 = arith.constant 2 : i32
      %dma_wait3A_280 = arith.constant 2 : i32
      %dma_wait3A_281 = arith.constant 0 : i32
      %dma_wait3A_282 = arith.constant 0 : i32
      %dma_wait3A_283 = tpu.memref_slice %arg8[%dma_wait3A_279, %dma_wait3A_281, %dma_wait3A_282] : memref<4x128x64xf32, #tpu.memory_space<vmem>> -> memref<1x128x64xf32, #tpu.memory_space<vmem>>
      %dma_wait3A_284 = tpu.memref_squeeze %dma_wait3A_283 : memref<1x128x64xf32, #tpu.memory_space<vmem>> -> memref<128x64xf32, #tpu.memory_space<vmem>>
      %dma_wait3A_285 = arith.constant 0 : i32
      %dma_wait3A_286 = tpu.memref_slice %arg7[%rem3A_78, %dma_wait3A_280, %dma_wait3A_285] : memref<2x16x128xi32, #tpu.memory_space<vmem>> -> memref<1x1x128xi32, #tpu.memory_space<vmem>>
      %dma_wait3A_287 = tpu.memref_squeeze %dma_wait3A_286 : memref<1x1x128xi32, #tpu.memory_space<vmem>> -> memref<128xi32, #tpu.memory_space<vmem>>
      %dma_wait3A_288 = arith.constant 0 : i32
      %dma_wait3A_289 = arith.constant 0 : i32
      %dma_wait3A_290 = tpu.memref_slice %arg9[%dma_wait3A_288, %dma_wait3A_289] : memref<16384x64xf32, #tpu.memory_space<vmem_shared>> -> memref<16384x64xf32, #tpu.memory_space<vmem_shared>>
      tpu.wait_indirect_dma semaphore(%arg12 : memref<!tpu.dma_semaphore, #tpu.memory_space<semaphore_mem>>) src(%dma_wait3A_284 : memref<128x64xf32, #tpu.memory_space<vmem>>) dst(%dma_wait3A_290 : memref<16384x64xf32, #tpu.memory_space<vmem_shared>>)
      %dma_start3A_291 = arith.constant 6 : i32
      %dma_start3A_292 = arith.constant 2 : i32
      %dma_start3A_293 = arith.constant 0 : i32
      %dma_start3A_294 = arith.constant 0 : i32
      %dma_start3A_295 = tpu.memref_slice %arg8[%dma_start3A_292, %dma_start3A_293, %dma_start3A_294] : memref<4x128x64xf32, #tpu.memory_space<vmem>> -> memref<1x128x64xf32, #tpu.memory_space<vmem>>
      %dma_start3A_296 = tpu.memref_squeeze %dma_start3A_295 : memref<1x128x64xf32, #tpu.memory_space<vmem>> -> memref<128x64xf32, #tpu.memory_space<vmem>>
      %dma_start3A_297 = arith.constant 0 : i32
      %dma_start3A_298 = tpu.memref_slice %arg6[%rem3A_78, %dma_start3A_291, %dma_start3A_297] : memref<2x16x128xi32, #tpu.memory_space<vmem>> -> memref<1x1x128xi32, #tpu.memory_space<vmem>>
      %dma_start3A_299 = tpu.memref_squeeze %dma_start3A_298 : memref<1x1x128xi32, #tpu.memory_space<vmem>> -> memref<128xi32, #tpu.memory_space<vmem>>
      %dma_start3A_300 = arith.constant 0 : i32
      %dma_start3A_301 = arith.constant 0 : i32
      %dma_start3A_302 = tpu.memref_slice %arg2[%arg0, %dma_start3A_300, %dma_start3A_301] : memref<2x16384x64xf32, #tpu.memory_space<hbm>> -> memref<1x16384x64xf32, #tpu.memory_space<hbm>>
      %dma_start3A_303 = tpu.memref_squeeze %dma_start3A_302 : memref<1x16384x64xf32, #tpu.memory_space<hbm>> -> memref<16384x64xf32, #tpu.memory_space<hbm>>
      %dma_start3A_304 = arith.constant 0 : i32
      %dma_start3A_305 = arith.constant 0 : i32
      %dma_start3A_306 = tpu.memref_slice %dma_start3A_303[%dma_start3A_304, %dma_start3A_305] : memref<16384x64xf32, #tpu.memory_space<hbm>> -> memref<16384x64xf32, #tpu.memory_space<hbm>>
      tpu.enqueue_indirect_dma source(%dma_start3A_306 : memref<16384x64xf32, #tpu.memory_space<hbm>>) target(%dma_start3A_296 : memref<128x64xf32, #tpu.memory_space<vmem>>) offsets(%dma_start3A_299 : memref<128xi32, #tpu.memory_space<vmem>>) semaphore(%arg10 : memref<!tpu.dma_semaphore, #tpu.memory_space<semaphore_mem>>)
      %dma_wait3A_307 = arith.constant 4 : i32
      %dma_wait3A_308 = arith.constant 0 : i32
      %dma_wait3A_309 = arith.constant 0 : i32
      %dma_wait3A_310 = arith.constant 0 : i32
      %dma_wait3A_311 = tpu.memref_slice %arg8[%dma_wait3A_308, %dma_wait3A_309, %dma_wait3A_310] : memref<4x128x64xf32, #tpu.memory_space<vmem>> -> memref<1x128x64xf32, #tpu.memory_space<vmem>>
      %dma_wait3A_312 = tpu.memref_squeeze %dma_wait3A_311 : memref<1x128x64xf32, #tpu.memory_space<vmem>> -> memref<128x64xf32, #tpu.memory_space<vmem>>
      %dma_wait3A_313 = arith.constant 0 : i32
      %dma_wait3A_314 = tpu.memref_slice %arg6[%rem3A_78, %dma_wait3A_307, %dma_wait3A_313] : memref<2x16x128xi32, #tpu.memory_space<vmem>> -> memref<1x1x128xi32, #tpu.memory_space<vmem>>
      %dma_wait3A_315 = tpu.memref_squeeze %dma_wait3A_314 : memref<1x1x128xi32, #tpu.memory_space<vmem>> -> memref<128xi32, #tpu.memory_space<vmem>>
      %dma_wait3A_316 = arith.constant 0 : i32
      %dma_wait3A_317 = arith.constant 0 : i32
      %dma_wait3A_318 = tpu.memref_slice %arg2[%arg0, %dma_wait3A_316, %dma_wait3A_317] : memref<2x16384x64xf32, #tpu.memory_space<hbm>> -> memref<1x16384x64xf32, #tpu.memory_space<hbm>>
      %dma_wait3A_319 = tpu.memref_squeeze %dma_wait3A_318 : memref<1x16384x64xf32, #tpu.memory_space<hbm>> -> memref<16384x64xf32, #tpu.memory_space<hbm>>
      %dma_wait3A_320 = arith.constant 0 : i32
      %dma_wait3A_321 = arith.constant 0 : i32
      %dma_wait3A_322 = tpu.memref_slice %dma_wait3A_319[%dma_wait3A_320, %dma_wait3A_321] : memref<16384x64xf32, #tpu.memory_space<hbm>> -> memref<16384x64xf32, #tpu.memory_space<hbm>>
      tpu.wait_indirect_dma semaphore(%arg10 : memref<!tpu.dma_semaphore, #tpu.memory_space<semaphore_mem>>) src(%dma_wait3A_322 : memref<16384x64xf32, #tpu.memory_space<hbm>>) dst(%dma_wait3A_312 : memref<128x64xf32, #tpu.memory_space<vmem>>)
      %dma_start3A_323 = arith.constant 0 : i32
      %dma_start3A_324 = arith.constant 4 : i32
      %dma_start3A_325 = arith.constant 0 : i32
      %dma_start3A_326 = arith.constant 0 : i32
      %dma_start3A_327 = tpu.memref_slice %arg8[%dma_start3A_323, %dma_start3A_325, %dma_start3A_326] : memref<4x128x64xf32, #tpu.memory_space<vmem>> -> memref<1x128x64xf32, #tpu.memory_space<vmem>>
      %dma_start3A_328 = tpu.memref_squeeze %dma_start3A_327 : memref<1x128x64xf32, #tpu.memory_space<vmem>> -> memref<128x64xf32, #tpu.memory_space<vmem>>
      %dma_start3A_329 = arith.constant 0 : i32
      %dma_start3A_330 = tpu.memref_slice %arg7[%rem3A_78, %dma_start3A_324, %dma_start3A_329] : memref<2x16x128xi32, #tpu.memory_space<vmem>> -> memref<1x1x128xi32, #tpu.memory_space<vmem>>
      %dma_start3A_331 = tpu.memref_squeeze %dma_start3A_330 : memref<1x1x128xi32, #tpu.memory_space<vmem>> -> memref<128xi32, #tpu.memory_space<vmem>>
      %dma_start3A_332 = arith.constant 0 : i32
      %dma_start3A_333 = arith.constant 0 : i32
      %dma_start3A_334 = tpu.memref_slice %arg9[%dma_start3A_332, %dma_start3A_333] : memref<16384x64xf32, #tpu.memory_space<vmem_shared>> -> memref<16384x64xf32, #tpu.memory_space<vmem_shared>>
      tpu.enqueue_indirect_dma source(%dma_start3A_328 : memref<128x64xf32, #tpu.memory_space<vmem>>) target(%dma_start3A_334 : memref<16384x64xf32, #tpu.memory_space<vmem_shared>>) offsets(%dma_start3A_331 : memref<128xi32, #tpu.memory_space<vmem>>) semaphore(%arg12 : memref<!tpu.dma_semaphore, #tpu.memory_space<semaphore_mem>>) {add = true}
      %dma_wait3A_335 = arith.constant 3 : i32
      %dma_wait3A_336 = arith.constant 3 : i32
      %dma_wait3A_337 = arith.constant 0 : i32
      %dma_wait3A_338 = arith.constant 0 : i32
      %dma_wait3A_339 = tpu.memref_slice %arg8[%dma_wait3A_335, %dma_wait3A_337, %dma_wait3A_338] : memref<4x128x64xf32, #tpu.memory_space<vmem>> -> memref<1x128x64xf32, #tpu.memory_space<vmem>>
      %dma_wait3A_340 = tpu.memref_squeeze %dma_wait3A_339 : memref<1x128x64xf32, #tpu.memory_space<vmem>> -> memref<128x64xf32, #tpu.memory_space<vmem>>
      %dma_wait3A_341 = arith.constant 0 : i32
      %dma_wait3A_342 = tpu.memref_slice %arg7[%rem3A_78, %dma_wait3A_336, %dma_wait3A_341] : memref<2x16x128xi32, #tpu.memory_space<vmem>> -> memref<1x1x128xi32, #tpu.memory_space<vmem>>
      %dma_wait3A_343 = tpu.memref_squeeze %dma_wait3A_342 : memref<1x1x128xi32, #tpu.memory_space<vmem>> -> memref<128xi32, #tpu.memory_space<vmem>>
      %dma_wait3A_344 = arith.constant 0 : i32
      %dma_wait3A_345 = arith.constant 0 : i32
      %dma_wait3A_346 = tpu.memref_slice %arg9[%dma_wait3A_344, %dma_wait3A_345] : memref<16384x64xf32, #tpu.memory_space<vmem_shared>> -> memref<16384x64xf32, #tpu.memory_space<vmem_shared>>
      tpu.wait_indirect_dma semaphore(%arg12 : memref<!tpu.dma_semaphore, #tpu.memory_space<semaphore_mem>>) src(%dma_wait3A_340 : memref<128x64xf32, #tpu.memory_space<vmem>>) dst(%dma_wait3A_346 : memref<16384x64xf32, #tpu.memory_space<vmem_shared>>)
      %dma_start3A_347 = arith.constant 7 : i32
      %dma_start3A_348 = arith.constant 3 : i32
      %dma_start3A_349 = arith.constant 0 : i32
      %dma_start3A_350 = arith.constant 0 : i32
      %dma_start3A_351 = tpu.memref_slice %arg8[%dma_start3A_348, %dma_start3A_349, %dma_start3A_350] : memref<4x128x64xf32, #tpu.memory_space<vmem>> -> memref<1x128x64xf32, #tpu.memory_space<vmem>>
      %dma_start3A_352 = tpu.memref_squeeze %dma_start3A_351 : memref<1x128x64xf32, #tpu.memory_space<vmem>> -> memref<128x64xf32, #tpu.memory_space<vmem>>
      %dma_start3A_353 = arith.constant 0 : i32
      %dma_start3A_354 = tpu.memref_slice %arg6[%rem3A_78, %dma_start3A_347, %dma_start3A_353] : memref<2x16x128xi32, #tpu.memory_space<vmem>> -> memref<1x1x128xi32, #tpu.memory_space<vmem>>
      %dma_start3A_355 = tpu.memref_squeeze %dma_start3A_354 : memref<1x1x128xi32, #tpu.memory_space<vmem>> -> memref<128xi32, #tpu.memory_space<vmem>>
      %dma_start3A_356 = arith.constant 0 : i32
      %dma_start3A_357 = arith.constant 0 : i32
      %dma_start3A_358 = tpu.memref_slice %arg2[%arg0, %dma_start3A_356, %dma_start3A_357] : memref<2x16384x64xf32, #tpu.memory_space<hbm>> -> memref<1x16384x64xf32, #tpu.memory_space<hbm>>
      %dma_start3A_359 = tpu.memref_squeeze %dma_start3A_358 : memref<1x16384x64xf32, #tpu.memory_space<hbm>> -> memref<16384x64xf32, #tpu.memory_space<hbm>>
      %dma_start3A_360 = arith.constant 0 : i32
      %dma_start3A_361 = arith.constant 0 : i32
      %dma_start3A_362 = tpu.memref_slice %dma_start3A_359[%dma_start3A_360, %dma_start3A_361] : memref<16384x64xf32, #tpu.memory_space<hbm>> -> memref<16384x64xf32, #tpu.memory_space<hbm>>
      tpu.enqueue_indirect_dma source(%dma_start3A_362 : memref<16384x64xf32, #tpu.memory_space<hbm>>) target(%dma_start3A_352 : memref<128x64xf32, #tpu.memory_space<vmem>>) offsets(%dma_start3A_355 : memref<128xi32, #tpu.memory_space<vmem>>) semaphore(%arg10 : memref<!tpu.dma_semaphore, #tpu.memory_space<semaphore_mem>>)
      %dma_wait3A_363 = arith.constant 5 : i32
      %dma_wait3A_364 = arith.constant 1 : i32
      %dma_wait3A_365 = arith.constant 0 : i32
      %dma_wait3A_366 = arith.constant 0 : i32
      %dma_wait3A_367 = tpu.memref_slice %arg8[%dma_wait3A_364, %dma_wait3A_365, %dma_wait3A_366] : memref<4x128x64xf32, #tpu.memory_space<vmem>> -> memref<1x128x64xf32, #tpu.memory_space<vmem>>
      %dma_wait3A_368 = tpu.memref_squeeze %dma_wait3A_367 : memref<1x128x64xf32, #tpu.memory_space<vmem>> -> memref<128x64xf32, #tpu.memory_space<vmem>>
      %dma_wait3A_369 = arith.constant 0 : i32
      %dma_wait3A_370 = tpu.memref_slice %arg6[%rem3A_78, %dma_wait3A_363, %dma_wait3A_369] : memref<2x16x128xi32, #tpu.memory_space<vmem>> -> memref<1x1x128xi32, #tpu.memory_space<vmem>>
      %dma_wait3A_371 = tpu.memref_squeeze %dma_wait3A_370 : memref<1x1x128xi32, #tpu.memory_space<vmem>> -> memref<128xi32, #tpu.memory_space<vmem>>
      %dma_wait3A_372 = arith.constant 0 : i32
      %dma_wait3A_373 = arith.constant 0 : i32
      %dma_wait3A_374 = tpu.memref_slice %arg2[%arg0, %dma_wait3A_372, %dma_wait3A_373] : memref<2x16384x64xf32, #tpu.memory_space<hbm>> -> memref<1x16384x64xf32, #tpu.memory_space<hbm>>
      %dma_wait3A_375 = tpu.memref_squeeze %dma_wait3A_374 : memref<1x16384x64xf32, #tpu.memory_space<hbm>> -> memref<16384x64xf32, #tpu.memory_space<hbm>>
      %dma_wait3A_376 = arith.constant 0 : i32
      %dma_wait3A_377 = arith.constant 0 : i32
      %dma_wait3A_378 = tpu.memref_slice %dma_wait3A_375[%dma_wait3A_376, %dma_wait3A_377] : memref<16384x64xf32, #tpu.memory_space<hbm>> -> memref<16384x64xf32, #tpu.memory_space<hbm>>
      tpu.wait_indirect_dma semaphore(%arg10 : memref<!tpu.dma_semaphore, #tpu.memory_space<semaphore_mem>>) src(%dma_wait3A_378 : memref<16384x64xf32, #tpu.memory_space<hbm>>) dst(%dma_wait3A_368 : memref<128x64xf32, #tpu.memory_space<vmem>>)
      %dma_start3A_379 = arith.constant 1 : i32
      %dma_start3A_380 = arith.constant 5 : i32
      %dma_start3A_381 = arith.constant 0 : i32
      %dma_start3A_382 = arith.constant 0 : i32
      %dma_start3A_383 = tpu.memref_slice %arg8[%dma_start3A_379, %dma_start3A_381, %dma_start3A_382] : memref<4x128x64xf32, #tpu.memory_space<vmem>> -> memref<1x128x64xf32, #tpu.memory_space<vmem>>
      %dma_start3A_384 = tpu.memref_squeeze %dma_start3A_383 : memref<1x128x64xf32, #tpu.memory_space<vmem>> -> memref<128x64xf32, #tpu.memory_space<vmem>>
      %dma_start3A_385 = arith.constant 0 : i32
      %dma_start3A_386 = tpu.memref_slice %arg7[%rem3A_78, %dma_start3A_380, %dma_start3A_385] : memref<2x16x128xi32, #tpu.memory_space<vmem>> -> memref<1x1x128xi32, #tpu.memory_space<vmem>>
      %dma_start3A_387 = tpu.memref_squeeze %dma_start3A_386 : memref<1x1x128xi32, #tpu.memory_space<vmem>> -> memref<128xi32, #tpu.memory_space<vmem>>
      %dma_start3A_388 = arith.constant 0 : i32
      %dma_start3A_389 = arith.constant 0 : i32
      %dma_start3A_390 = tpu.memref_slice %arg9[%dma_start3A_388, %dma_start3A_389] : memref<16384x64xf32, #tpu.memory_space<vmem_shared>> -> memref<16384x64xf32, #tpu.memory_space<vmem_shared>>
      tpu.enqueue_indirect_dma source(%dma_start3A_384 : memref<128x64xf32, #tpu.memory_space<vmem>>) target(%dma_start3A_390 : memref<16384x64xf32, #tpu.memory_space<vmem_shared>>) offsets(%dma_start3A_387 : memref<128xi32, #tpu.memory_space<vmem>>) semaphore(%arg12 : memref<!tpu.dma_semaphore, #tpu.memory_space<semaphore_mem>>) {add = true}
      %dma_wait3A_391 = arith.constant 0 : i32
      %dma_wait3A_392 = arith.constant 4 : i32
      %dma_wait3A_393 = arith.constant 0 : i32
      %dma_wait3A_394 = arith.constant 0 : i32
      %dma_wait3A_395 = tpu.memref_slice %arg8[%dma_wait3A_391, %dma_wait3A_393, %dma_wait3A_394] : memref<4x128x64xf32, #tpu.memory_space<vmem>> -> memref<1x128x64xf32, #tpu.memory_space<vmem>>
      %dma_wait3A_396 = tpu.memref_squeeze %dma_wait3A_395 : memref<1x128x64xf32, #tpu.memory_space<vmem>> -> memref<128x64xf32, #tpu.memory_space<vmem>>
      %dma_wait3A_397 = arith.constant 0 : i32
      %dma_wait3A_398 = tpu.memref_slice %arg7[%rem3A_78, %dma_wait3A_392, %dma_wait3A_397] : memref<2x16x128xi32, #tpu.memory_space<vmem>> -> memref<1x1x128xi32, #tpu.memory_space<vmem>>
      %dma_wait3A_399 = tpu.memref_squeeze %dma_wait3A_398 : memref<1x1x128xi32, #tpu.memory_space<vmem>> -> memref<128xi32, #tpu.memory_space<vmem>>
      %dma_wait3A_400 = arith.constant 0 : i32
      %dma_wait3A_401 = arith.constant 0 : i32
      %dma_wait3A_402 = tpu.memref_slice %arg9[%dma_wait3A_400, %dma_wait3A_401] : memref<16384x64xf32, #tpu.memory_space<vmem_shared>> -> memref<16384x64xf32, #tpu.memory_space<vmem_shared>>
      tpu.wait_indirect_dma semaphore(%arg12 : memref<!tpu.dma_semaphore, #tpu.memory_space<semaphore_mem>>) src(%dma_wait3A_396 : memref<128x64xf32, #tpu.memory_space<vmem>>) dst(%dma_wait3A_402 : memref<16384x64xf32, #tpu.memory_space<vmem_shared>>)
      %dma_start3A_403 = arith.constant 8 : i32
      %dma_start3A_404 = arith.constant 0 : i32
      %dma_start3A_405 = arith.constant 0 : i32
      %dma_start3A_406 = arith.constant 0 : i32
      %dma_start3A_407 = tpu.memref_slice %arg8[%dma_start3A_404, %dma_start3A_405, %dma_start3A_406] : memref<4x128x64xf32, #tpu.memory_space<vmem>> -> memref<1x128x64xf32, #tpu.memory_space<vmem>>
      %dma_start3A_408 = tpu.memref_squeeze %dma_start3A_407 : memref<1x128x64xf32, #tpu.memory_space<vmem>> -> memref<128x64xf32, #tpu.memory_space<vmem>>
      %dma_start3A_409 = arith.constant 0 : i32
      %dma_start3A_410 = tpu.memref_slice %arg6[%rem3A_78, %dma_start3A_403, %dma_start3A_409] : memref<2x16x128xi32, #tpu.memory_space<vmem>> -> memref<1x1x128xi32, #tpu.memory_space<vmem>>
      %dma_start3A_411 = tpu.memref_squeeze %dma_start3A_410 : memref<1x1x128xi32, #tpu.memory_space<vmem>> -> memref<128xi32, #tpu.memory_space<vmem>>
      %dma_start3A_412 = arith.constant 0 : i32
      %dma_start3A_413 = arith.constant 0 : i32
      %dma_start3A_414 = tpu.memref_slice %arg2[%arg0, %dma_start3A_412, %dma_start3A_413] : memref<2x16384x64xf32, #tpu.memory_space<hbm>> -> memref<1x16384x64xf32, #tpu.memory_space<hbm>>
      %dma_start3A_415 = tpu.memref_squeeze %dma_start3A_414 : memref<1x16384x64xf32, #tpu.memory_space<hbm>> -> memref<16384x64xf32, #tpu.memory_space<hbm>>
      %dma_start3A_416 = arith.constant 0 : i32
      %dma_start3A_417 = arith.constant 0 : i32
      %dma_start3A_418 = tpu.memref_slice %dma_start3A_415[%dma_start3A_416, %dma_start3A_417] : memref<16384x64xf32, #tpu.memory_space<hbm>> -> memref<16384x64xf32, #tpu.memory_space<hbm>>
      tpu.enqueue_indirect_dma source(%dma_start3A_418 : memref<16384x64xf32, #tpu.memory_space<hbm>>) target(%dma_start3A_408 : memref<128x64xf32, #tpu.memory_space<vmem>>) offsets(%dma_start3A_411 : memref<128xi32, #tpu.memory_space<vmem>>) semaphore(%arg10 : memref<!tpu.dma_semaphore, #tpu.memory_space<semaphore_mem>>)
      %dma_wait3A_419 = arith.constant 6 : i32
      %dma_wait3A_420 = arith.constant 2 : i32
      %dma_wait3A_421 = arith.constant 0 : i32
      %dma_wait3A_422 = arith.constant 0 : i32
      %dma_wait3A_423 = tpu.memref_slice %arg8[%dma_wait3A_420, %dma_wait3A_421, %dma_wait3A_422] : memref<4x128x64xf32, #tpu.memory_space<vmem>> -> memref<1x128x64xf32, #tpu.memory_space<vmem>>
      %dma_wait3A_424 = tpu.memref_squeeze %dma_wait3A_423 : memref<1x128x64xf32, #tpu.memory_space<vmem>> -> memref<128x64xf32, #tpu.memory_space<vmem>>
      %dma_wait3A_425 = arith.constant 0 : i32
      %dma_wait3A_426 = tpu.memref_slice %arg6[%rem3A_78, %dma_wait3A_419, %dma_wait3A_425] : memref<2x16x128xi32, #tpu.memory_space<vmem>> -> memref<1x1x128xi32, #tpu.memory_space<vmem>>
      %dma_wait3A_427 = tpu.memref_squeeze %dma_wait3A_426 : memref<1x1x128xi32, #tpu.memory_space<vmem>> -> memref<128xi32, #tpu.memory_space<vmem>>
      %dma_wait3A_428 = arith.constant 0 : i32
      %dma_wait3A_429 = arith.constant 0 : i32
      %dma_wait3A_430 = tpu.memref_slice %arg2[%arg0, %dma_wait3A_428, %dma_wait3A_429] : memref<2x16384x64xf32, #tpu.memory_space<hbm>> -> memref<1x16384x64xf32, #tpu.memory_space<hbm>>
      %dma_wait3A_431 = tpu.memref_squeeze %dma_wait3A_430 : memref<1x16384x64xf32, #tpu.memory_space<hbm>> -> memref<16384x64xf32, #tpu.memory_space<hbm>>
      %dma_wait3A_432 = arith.constant 0 : i32
      %dma_wait3A_433 = arith.constant 0 : i32
      %dma_wait3A_434 = tpu.memref_slice %dma_wait3A_431[%dma_wait3A_432, %dma_wait3A_433] : memref<16384x64xf32, #tpu.memory_space<hbm>> -> memref<16384x64xf32, #tpu.memory_space<hbm>>
      tpu.wait_indirect_dma semaphore(%arg10 : memref<!tpu.dma_semaphore, #tpu.memory_space<semaphore_mem>>) src(%dma_wait3A_434 : memref<16384x64xf32, #tpu.memory_space<hbm>>) dst(%dma_wait3A_424 : memref<128x64xf32, #tpu.memory_space<vmem>>)
      %dma_start3A_435 = arith.constant 2 : i32
      %dma_start3A_436 = arith.constant 6 : i32
      %dma_start3A_437 = arith.constant 0 : i32
      %dma_start3A_438 = arith.constant 0 : i32
      %dma_start3A_439 = tpu.memref_slice %arg8[%dma_start3A_435, %dma_start3A_437, %dma_start3A_438] : memref<4x128x64xf32, #tpu.memory_space<vmem>> -> memref<1x128x64xf32, #tpu.memory_space<vmem>>
      %dma_start3A_440 = tpu.memref_squeeze %dma_start3A_439 : memref<1x128x64xf32, #tpu.memory_space<vmem>> -> memref<128x64xf32, #tpu.memory_space<vmem>>
      %dma_start3A_441 = arith.constant 0 : i32
      %dma_start3A_442 = tpu.memref_slice %arg7[%rem3A_78, %dma_start3A_436, %dma_start3A_441] : memref<2x16x128xi32, #tpu.memory_space<vmem>> -> memref<1x1x128xi32, #tpu.memory_space<vmem>>
      %dma_start3A_443 = tpu.memref_squeeze %dma_start3A_442 : memref<1x1x128xi32, #tpu.memory_space<vmem>> -> memref<128xi32, #tpu.memory_space<vmem>>
      %dma_start3A_444 = arith.constant 0 : i32
      %dma_start3A_445 = arith.constant 0 : i32
      %dma_start3A_446 = tpu.memref_slice %arg9[%dma_start3A_444, %dma_start3A_445] : memref<16384x64xf32, #tpu.memory_space<vmem_shared>> -> memref<16384x64xf32, #tpu.memory_space<vmem_shared>>
      tpu.enqueue_indirect_dma source(%dma_start3A_440 : memref<128x64xf32, #tpu.memory_space<vmem>>) target(%dma_start3A_446 : memref<16384x64xf32, #tpu.memory_space<vmem_shared>>) offsets(%dma_start3A_443 : memref<128xi32, #tpu.memory_space<vmem>>) semaphore(%arg12 : memref<!tpu.dma_semaphore, #tpu.memory_space<semaphore_mem>>) {add = true}
      %dma_wait3A_447 = arith.constant 1 : i32
      %dma_wait3A_448 = arith.constant 5 : i32
      %dma_wait3A_449 = arith.constant 0 : i32
      %dma_wait3A_450 = arith.constant 0 : i32
      %dma_wait3A_451 = tpu.memref_slice %arg8[%dma_wait3A_447, %dma_wait3A_449, %dma_wait3A_450] : memref<4x128x64xf32, #tpu.memory_space<vmem>> -> memref<1x128x64xf32, #tpu.memory_space<vmem>>
      %dma_wait3A_452 = tpu.memref_squeeze %dma_wait3A_451 : memref<1x128x64xf32, #tpu.memory_space<vmem>> -> memref<128x64xf32, #tpu.memory_space<vmem>>
      %dma_wait3A_453 = arith.constant 0 : i32
      %dma_wait3A_454 = tpu.memref_slice %arg7[%rem3A_78, %dma_wait3A_448, %dma_wait3A_453] : memref<2x16x128xi32, #tpu.memory_space<vmem>> -> memref<1x1x128xi32, #tpu.memory_space<vmem>>
      %dma_wait3A_455 = tpu.memref_squeeze %dma_wait3A_454 : memref<1x1x128xi32, #tpu.memory_space<vmem>> -> memref<128xi32, #tpu.memory_space<vmem>>
      %dma_wait3A_456 = arith.constant 0 : i32
      %dma_wait3A_457 = arith.constant 0 : i32
      %dma_wait3A_458 = tpu.memref_slice %arg9[%dma_wait3A_456, %dma_wait3A_457] : memref<16384x64xf32, #tpu.memory_space<vmem_shared>> -> memref<16384x64xf32, #tpu.memory_space<vmem_shared>>
      tpu.wait_indirect_dma semaphore(%arg12 : memref<!tpu.dma_semaphore, #tpu.memory_space<semaphore_mem>>) src(%dma_wait3A_452 : memref<128x64xf32, #tpu.memory_space<vmem>>) dst(%dma_wait3A_458 : memref<16384x64xf32, #tpu.memory_space<vmem_shared>>)
      %dma_start3A_459 = arith.constant 9 : i32
      %dma_start3A_460 = arith.constant 1 : i32
      %dma_start3A_461 = arith.constant 0 : i32
      %dma_start3A_462 = arith.constant 0 : i32
      %dma_start3A_463 = tpu.memref_slice %arg8[%dma_start3A_460, %dma_start3A_461, %dma_start3A_462] : memref<4x128x64xf32, #tpu.memory_space<vmem>> -> memref<1x128x64xf32, #tpu.memory_space<vmem>>
      %dma_start3A_464 = tpu.memref_squeeze %dma_start3A_463 : memref<1x128x64xf32, #tpu.memory_space<vmem>> -> memref<128x64xf32, #tpu.memory_space<vmem>>
      %dma_start3A_465 = arith.constant 0 : i32
      %dma_start3A_466 = tpu.memref_slice %arg6[%rem3A_78, %dma_start3A_459, %dma_start3A_465] : memref<2x16x128xi32, #tpu.memory_space<vmem>> -> memref<1x1x128xi32, #tpu.memory_space<vmem>>
      %dma_start3A_467 = tpu.memref_squeeze %dma_start3A_466 : memref<1x1x128xi32, #tpu.memory_space<vmem>> -> memref<128xi32, #tpu.memory_space<vmem>>
      %dma_start3A_468 = arith.constant 0 : i32
      %dma_start3A_469 = arith.constant 0 : i32
      %dma_start3A_470 = tpu.memref_slice %arg2[%arg0, %dma_start3A_468, %dma_start3A_469] : memref<2x16384x64xf32, #tpu.memory_space<hbm>> -> memref<1x16384x64xf32, #tpu.memory_space<hbm>>
      %dma_start3A_471 = tpu.memref_squeeze %dma_start3A_470 : memref<1x16384x64xf32, #tpu.memory_space<hbm>> -> memref<16384x64xf32, #tpu.memory_space<hbm>>
      %dma_start3A_472 = arith.constant 0 : i32
      %dma_start3A_473 = arith.constant 0 : i32
      %dma_start3A_474 = tpu.memref_slice %dma_start3A_471[%dma_start3A_472, %dma_start3A_473] : memref<16384x64xf32, #tpu.memory_space<hbm>> -> memref<16384x64xf32, #tpu.memory_space<hbm>>
      tpu.enqueue_indirect_dma source(%dma_start3A_474 : memref<16384x64xf32, #tpu.memory_space<hbm>>) target(%dma_start3A_464 : memref<128x64xf32, #tpu.memory_space<vmem>>) offsets(%dma_start3A_467 : memref<128xi32, #tpu.memory_space<vmem>>) semaphore(%arg10 : memref<!tpu.dma_semaphore, #tpu.memory_space<semaphore_mem>>)
      %dma_wait3A_475 = arith.constant 7 : i32
      %dma_wait3A_476 = arith.constant 3 : i32
      %dma_wait3A_477 = arith.constant 0 : i32
      %dma_wait3A_478 = arith.constant 0 : i32
      %dma_wait3A_479 = tpu.memref_slice %arg8[%dma_wait3A_476, %dma_wait3A_477, %dma_wait3A_478] : memref<4x128x64xf32, #tpu.memory_space<vmem>> -> memref<1x128x64xf32, #tpu.memory_space<vmem>>
      %dma_wait3A_480 = tpu.memref_squeeze %dma_wait3A_479 : memref<1x128x64xf32, #tpu.memory_space<vmem>> -> memref<128x64xf32, #tpu.memory_space<vmem>>
      %dma_wait3A_481 = arith.constant 0 : i32
      %dma_wait3A_482 = tpu.memref_slice %arg6[%rem3A_78, %dma_wait3A_475, %dma_wait3A_481] : memref<2x16x128xi32, #tpu.memory_space<vmem>> -> memref<1x1x128xi32, #tpu.memory_space<vmem>>
      %dma_wait3A_483 = tpu.memref_squeeze %dma_wait3A_482 : memref<1x1x128xi32, #tpu.memory_space<vmem>> -> memref<128xi32, #tpu.memory_space<vmem>>
      %dma_wait3A_484 = arith.constant 0 : i32
      %dma_wait3A_485 = arith.constant 0 : i32
      %dma_wait3A_486 = tpu.memref_slice %arg2[%arg0, %dma_wait3A_484, %dma_wait3A_485] : memref<2x16384x64xf32, #tpu.memory_space<hbm>> -> memref<1x16384x64xf32, #tpu.memory_space<hbm>>
      %dma_wait3A_487 = tpu.memref_squeeze %dma_wait3A_486 : memref<1x16384x64xf32, #tpu.memory_space<hbm>> -> memref<16384x64xf32, #tpu.memory_space<hbm>>
      %dma_wait3A_488 = arith.constant 0 : i32
      %dma_wait3A_489 = arith.constant 0 : i32
      %dma_wait3A_490 = tpu.memref_slice %dma_wait3A_487[%dma_wait3A_488, %dma_wait3A_489] : memref<16384x64xf32, #tpu.memory_space<hbm>> -> memref<16384x64xf32, #tpu.memory_space<hbm>>
      tpu.wait_indirect_dma semaphore(%arg10 : memref<!tpu.dma_semaphore, #tpu.memory_space<semaphore_mem>>) src(%dma_wait3A_490 : memref<16384x64xf32, #tpu.memory_space<hbm>>) dst(%dma_wait3A_480 : memref<128x64xf32, #tpu.memory_space<vmem>>)
      %dma_start3A_491 = arith.constant 3 : i32
      %dma_start3A_492 = arith.constant 7 : i32
      %dma_start3A_493 = arith.constant 0 : i32
      %dma_start3A_494 = arith.constant 0 : i32
      %dma_start3A_495 = tpu.memref_slice %arg8[%dma_start3A_491, %dma_start3A_493, %dma_start3A_494] : memref<4x128x64xf32, #tpu.memory_space<vmem>> -> memref<1x128x64xf32, #tpu.memory_space<vmem>>
      %dma_start3A_496 = tpu.memref_squeeze %dma_start3A_495 : memref<1x128x64xf32, #tpu.memory_space<vmem>> -> memref<128x64xf32, #tpu.memory_space<vmem>>
      %dma_start3A_497 = arith.constant 0 : i32
      %dma_start3A_498 = tpu.memref_slice %arg7[%rem3A_78, %dma_start3A_492, %dma_start3A_497] : memref<2x16x128xi32, #tpu.memory_space<vmem>> -> memref<1x1x128xi32, #tpu.memory_space<vmem>>
      %dma_start3A_499 = tpu.memref_squeeze %dma_start3A_498 : memref<1x1x128xi32, #tpu.memory_space<vmem>> -> memref<128xi32, #tpu.memory_space<vmem>>
      %dma_start3A_500 = arith.constant 0 : i32
      %dma_start3A_501 = arith.constant 0 : i32
      %dma_start3A_502 = tpu.memref_slice %arg9[%dma_start3A_500, %dma_start3A_501] : memref<16384x64xf32, #tpu.memory_space<vmem_shared>> -> memref<16384x64xf32, #tpu.memory_space<vmem_shared>>
      tpu.enqueue_indirect_dma source(%dma_start3A_496 : memref<128x64xf32, #tpu.memory_space<vmem>>) target(%dma_start3A_502 : memref<16384x64xf32, #tpu.memory_space<vmem_shared>>) offsets(%dma_start3A_499 : memref<128xi32, #tpu.memory_space<vmem>>) semaphore(%arg12 : memref<!tpu.dma_semaphore, #tpu.memory_space<semaphore_mem>>) {add = true}
      %dma_wait3A_503 = arith.constant 2 : i32
      %dma_wait3A_504 = arith.constant 6 : i32
      %dma_wait3A_505 = arith.constant 0 : i32
      %dma_wait3A_506 = arith.constant 0 : i32
      %dma_wait3A_507 = tpu.memref_slice %arg8[%dma_wait3A_503, %dma_wait3A_505, %dma_wait3A_506] : memref<4x128x64xf32, #tpu.memory_space<vmem>> -> memref<1x128x64xf32, #tpu.memory_space<vmem>>
      %dma_wait3A_508 = tpu.memref_squeeze %dma_wait3A_507 : memref<1x128x64xf32, #tpu.memory_space<vmem>> -> memref<128x64xf32, #tpu.memory_space<vmem>>
      %dma_wait3A_509 = arith.constant 0 : i32
      %dma_wait3A_510 = tpu.memref_slice %arg7[%rem3A_78, %dma_wait3A_504, %dma_wait3A_509] : memref<2x16x128xi32, #tpu.memory_space<vmem>> -> memref<1x1x128xi32, #tpu.memory_space<vmem>>
      %dma_wait3A_511 = tpu.memref_squeeze %dma_wait3A_510 : memref<1x1x128xi32, #tpu.memory_space<vmem>> -> memref<128xi32, #tpu.memory_space<vmem>>
      %dma_wait3A_512 = arith.constant 0 : i32
      %dma_wait3A_513 = arith.constant 0 : i32
      %dma_wait3A_514 = tpu.memref_slice %arg9[%dma_wait3A_512, %dma_wait3A_513] : memref<16384x64xf32, #tpu.memory_space<vmem_shared>> -> memref<16384x64xf32, #tpu.memory_space<vmem_shared>>
      tpu.wait_indirect_dma semaphore(%arg12 : memref<!tpu.dma_semaphore, #tpu.memory_space<semaphore_mem>>) src(%dma_wait3A_508 : memref<128x64xf32, #tpu.memory_space<vmem>>) dst(%dma_wait3A_514 : memref<16384x64xf32, #tpu.memory_space<vmem_shared>>)
      %dma_start3A_515 = arith.constant 10 : i32
      %dma_start3A_516 = arith.constant 2 : i32
      %dma_start3A_517 = arith.constant 0 : i32
      %dma_start3A_518 = arith.constant 0 : i32
      %dma_start3A_519 = tpu.memref_slice %arg8[%dma_start3A_516, %dma_start3A_517, %dma_start3A_518] : memref<4x128x64xf32, #tpu.memory_space<vmem>> -> memref<1x128x64xf32, #tpu.memory_space<vmem>>
      %dma_start3A_520 = tpu.memref_squeeze %dma_start3A_519 : memref<1x128x64xf32, #tpu.memory_space<vmem>> -> memref<128x64xf32, #tpu.memory_space<vmem>>
      %dma_start3A_521 = arith.constant 0 : i32
      %dma_start3A_522 = tpu.memref_slice %arg6[%rem3A_78, %dma_start3A_515, %dma_start3A_521] : memref<2x16x128xi32, #tpu.memory_space<vmem>> -> memref<1x1x128xi32, #tpu.memory_space<vmem>>
      %dma_start3A_523 = tpu.memref_squeeze %dma_start3A_522 : memref<1x1x128xi32, #tpu.memory_space<vmem>> -> memref<128xi32, #tpu.memory_space<vmem>>
      %dma_start3A_524 = arith.constant 0 : i32
      %dma_start3A_525 = arith.constant 0 : i32
      %dma_start3A_526 = tpu.memref_slice %arg2[%arg0, %dma_start3A_524, %dma_start3A_525] : memref<2x16384x64xf32, #tpu.memory_space<hbm>> -> memref<1x16384x64xf32, #tpu.memory_space<hbm>>
      %dma_start3A_527 = tpu.memref_squeeze %dma_start3A_526 : memref<1x16384x64xf32, #tpu.memory_space<hbm>> -> memref<16384x64xf32, #tpu.memory_space<hbm>>
      %dma_start3A_528 = arith.constant 0 : i32
      %dma_start3A_529 = arith.constant 0 : i32
      %dma_start3A_530 = tpu.memref_slice %dma_start3A_527[%dma_start3A_528, %dma_start3A_529] : memref<16384x64xf32, #tpu.memory_space<hbm>> -> memref<16384x64xf32, #tpu.memory_space<hbm>>
      tpu.enqueue_indirect_dma source(%dma_start3A_530 : memref<16384x64xf32, #tpu.memory_space<hbm>>) target(%dma_start3A_520 : memref<128x64xf32, #tpu.memory_space<vmem>>) offsets(%dma_start3A_523 : memref<128xi32, #tpu.memory_space<vmem>>) semaphore(%arg10 : memref<!tpu.dma_semaphore, #tpu.memory_space<semaphore_mem>>)
      %dma_wait3A_531 = arith.constant 8 : i32
      %dma_wait3A_532 = arith.constant 0 : i32
      %dma_wait3A_533 = arith.constant 0 : i32
      %dma_wait3A_534 = arith.constant 0 : i32
      %dma_wait3A_535 = tpu.memref_slice %arg8[%dma_wait3A_532, %dma_wait3A_533, %dma_wait3A_534] : memref<4x128x64xf32, #tpu.memory_space<vmem>> -> memref<1x128x64xf32, #tpu.memory_space<vmem>>
      %dma_wait3A_536 = tpu.memref_squeeze %dma_wait3A_535 : memref<1x128x64xf32, #tpu.memory_space<vmem>> -> memref<128x64xf32, #tpu.memory_space<vmem>>
      %dma_wait3A_537 = arith.constant 0 : i32
      %dma_wait3A_538 = tpu.memref_slice %arg6[%rem3A_78, %dma_wait3A_531, %dma_wait3A_537] : memref<2x16x128xi32, #tpu.memory_space<vmem>> -> memref<1x1x128xi32, #tpu.memory_space<vmem>>
      %dma_wait3A_539 = tpu.memref_squeeze %dma_wait3A_538 : memref<1x1x128xi32, #tpu.memory_space<vmem>> -> memref<128xi32, #tpu.memory_space<vmem>>
      %dma_wait3A_540 = arith.constant 0 : i32
      %dma_wait3A_541 = arith.constant 0 : i32
      %dma_wait3A_542 = tpu.memref_slice %arg2[%arg0, %dma_wait3A_540, %dma_wait3A_541] : memref<2x16384x64xf32, #tpu.memory_space<hbm>> -> memref<1x16384x64xf32, #tpu.memory_space<hbm>>
      %dma_wait3A_543 = tpu.memref_squeeze %dma_wait3A_542 : memref<1x16384x64xf32, #tpu.memory_space<hbm>> -> memref<16384x64xf32, #tpu.memory_space<hbm>>
      %dma_wait3A_544 = arith.constant 0 : i32
      %dma_wait3A_545 = arith.constant 0 : i32
      %dma_wait3A_546 = tpu.memref_slice %dma_wait3A_543[%dma_wait3A_544, %dma_wait3A_545] : memref<16384x64xf32, #tpu.memory_space<hbm>> -> memref<16384x64xf32, #tpu.memory_space<hbm>>
      tpu.wait_indirect_dma semaphore(%arg10 : memref<!tpu.dma_semaphore, #tpu.memory_space<semaphore_mem>>) src(%dma_wait3A_546 : memref<16384x64xf32, #tpu.memory_space<hbm>>) dst(%dma_wait3A_536 : memref<128x64xf32, #tpu.memory_space<vmem>>)
      %dma_start3A_547 = arith.constant 0 : i32
      %dma_start3A_548 = arith.constant 8 : i32
      %dma_start3A_549 = arith.constant 0 : i32
      %dma_start3A_550 = arith.constant 0 : i32
      %dma_start3A_551 = tpu.memref_slice %arg8[%dma_start3A_547, %dma_start3A_549, %dma_start3A_550] : memref<4x128x64xf32, #tpu.memory_space<vmem>> -> memref<1x128x64xf32, #tpu.memory_space<vmem>>
      %dma_start3A_552 = tpu.memref_squeeze %dma_start3A_551 : memref<1x128x64xf32, #tpu.memory_space<vmem>> -> memref<128x64xf32, #tpu.memory_space<vmem>>
      %dma_start3A_553 = arith.constant 0 : i32
      %dma_start3A_554 = tpu.memref_slice %arg7[%rem3A_78, %dma_start3A_548, %dma_start3A_553] : memref<2x16x128xi32, #tpu.memory_space<vmem>> -> memref<1x1x128xi32, #tpu.memory_space<vmem>>
      %dma_start3A_555 = tpu.memref_squeeze %dma_start3A_554 : memref<1x1x128xi32, #tpu.memory_space<vmem>> -> memref<128xi32, #tpu.memory_space<vmem>>
      %dma_start3A_556 = arith.constant 0 : i32
      %dma_start3A_557 = arith.constant 0 : i32
      %dma_start3A_558 = tpu.memref_slice %arg9[%dma_start3A_556, %dma_start3A_557] : memref<16384x64xf32, #tpu.memory_space<vmem_shared>> -> memref<16384x64xf32, #tpu.memory_space<vmem_shared>>
      tpu.enqueue_indirect_dma source(%dma_start3A_552 : memref<128x64xf32, #tpu.memory_space<vmem>>) target(%dma_start3A_558 : memref<16384x64xf32, #tpu.memory_space<vmem_shared>>) offsets(%dma_start3A_555 : memref<128xi32, #tpu.memory_space<vmem>>) semaphore(%arg12 : memref<!tpu.dma_semaphore, #tpu.memory_space<semaphore_mem>>) {add = true}
      %dma_wait3A_559 = arith.constant 3 : i32
      %dma_wait3A_560 = arith.constant 7 : i32
      %dma_wait3A_561 = arith.constant 0 : i32
      %dma_wait3A_562 = arith.constant 0 : i32
      %dma_wait3A_563 = tpu.memref_slice %arg8[%dma_wait3A_559, %dma_wait3A_561, %dma_wait3A_562] : memref<4x128x64xf32, #tpu.memory_space<vmem>> -> memref<1x128x64xf32, #tpu.memory_space<vmem>>
      %dma_wait3A_564 = tpu.memref_squeeze %dma_wait3A_563 : memref<1x128x64xf32, #tpu.memory_space<vmem>> -> memref<128x64xf32, #tpu.memory_space<vmem>>
      %dma_wait3A_565 = arith.constant 0 : i32
      %dma_wait3A_566 = tpu.memref_slice %arg7[%rem3A_78, %dma_wait3A_560, %dma_wait3A_565] : memref<2x16x128xi32, #tpu.memory_space<vmem>> -> memref<1x1x128xi32, #tpu.memory_space<vmem>>
      %dma_wait3A_567 = tpu.memref_squeeze %dma_wait3A_566 : memref<1x1x128xi32, #tpu.memory_space<vmem>> -> memref<128xi32, #tpu.memory_space<vmem>>
      %dma_wait3A_568 = arith.constant 0 : i32
      %dma_wait3A_569 = arith.constant 0 : i32
      %dma_wait3A_570 = tpu.memref_slice %arg9[%dma_wait3A_568, %dma_wait3A_569] : memref<16384x64xf32, #tpu.memory_space<vmem_shared>> -> memref<16384x64xf32, #tpu.memory_space<vmem_shared>>
      tpu.wait_indirect_dma semaphore(%arg12 : memref<!tpu.dma_semaphore, #tpu.memory_space<semaphore_mem>>) src(%dma_wait3A_564 : memref<128x64xf32, #tpu.memory_space<vmem>>) dst(%dma_wait3A_570 : memref<16384x64xf32, #tpu.memory_space<vmem_shared>>)
      %dma_start3A_571 = arith.constant 11 : i32
      %dma_start3A_572 = arith.constant 3 : i32
      %dma_start3A_573 = arith.constant 0 : i32
      %dma_start3A_574 = arith.constant 0 : i32
      %dma_start3A_575 = tpu.memref_slice %arg8[%dma_start3A_572, %dma_start3A_573, %dma_start3A_574] : memref<4x128x64xf32, #tpu.memory_space<vmem>> -> memref<1x128x64xf32, #tpu.memory_space<vmem>>
      %dma_start3A_576 = tpu.memref_squeeze %dma_start3A_575 : memref<1x128x64xf32, #tpu.memory_space<vmem>> -> memref<128x64xf32, #tpu.memory_space<vmem>>
      %dma_start3A_577 = arith.constant 0 : i32
      %dma_start3A_578 = tpu.memref_slice %arg6[%rem3A_78, %dma_start3A_571, %dma_start3A_577] : memref<2x16x128xi32, #tpu.memory_space<vmem>> -> memref<1x1x128xi32, #tpu.memory_space<vmem>>
      %dma_start3A_579 = tpu.memref_squeeze %dma_start3A_578 : memref<1x1x128xi32, #tpu.memory_space<vmem>> -> memref<128xi32, #tpu.memory_space<vmem>>
      %dma_start3A_580 = arith.constant 0 : i32
      %dma_start3A_581 = arith.constant 0 : i32
      %dma_start3A_582 = tpu.memref_slice %arg2[%arg0, %dma_start3A_580, %dma_start3A_581] : memref<2x16384x64xf32, #tpu.memory_space<hbm>> -> memref<1x16384x64xf32, #tpu.memory_space<hbm>>
      %dma_start3A_583 = tpu.memref_squeeze %dma_start3A_582 : memref<1x16384x64xf32, #tpu.memory_space<hbm>> -> memref<16384x64xf32, #tpu.memory_space<hbm>>
      %dma_start3A_584 = arith.constant 0 : i32
      %dma_start3A_585 = arith.constant 0 : i32
      %dma_start3A_586 = tpu.memref_slice %dma_start3A_583[%dma_start3A_584, %dma_start3A_585] : memref<16384x64xf32, #tpu.memory_space<hbm>> -> memref<16384x64xf32, #tpu.memory_space<hbm>>
      tpu.enqueue_indirect_dma source(%dma_start3A_586 : memref<16384x64xf32, #tpu.memory_space<hbm>>) target(%dma_start3A_576 : memref<128x64xf32, #tpu.memory_space<vmem>>) offsets(%dma_start3A_579 : memref<128xi32, #tpu.memory_space<vmem>>) semaphore(%arg10 : memref<!tpu.dma_semaphore, #tpu.memory_space<semaphore_mem>>)
      %dma_wait3A_587 = arith.constant 9 : i32
      %dma_wait3A_588 = arith.constant 1 : i32
      %dma_wait3A_589 = arith.constant 0 : i32
      %dma_wait3A_590 = arith.constant 0 : i32
      %dma_wait3A_591 = tpu.memref_slice %arg8[%dma_wait3A_588, %dma_wait3A_589, %dma_wait3A_590] : memref<4x128x64xf32, #tpu.memory_space<vmem>> -> memref<1x128x64xf32, #tpu.memory_space<vmem>>
      %dma_wait3A_592 = tpu.memref_squeeze %dma_wait3A_591 : memref<1x128x64xf32, #tpu.memory_space<vmem>> -> memref<128x64xf32, #tpu.memory_space<vmem>>
      %dma_wait3A_593 = arith.constant 0 : i32
      %dma_wait3A_594 = tpu.memref_slice %arg6[%rem3A_78, %dma_wait3A_587, %dma_wait3A_593] : memref<2x16x128xi32, #tpu.memory_space<vmem>> -> memref<1x1x128xi32, #tpu.memory_space<vmem>>
      %dma_wait3A_595 = tpu.memref_squeeze %dma_wait3A_594 : memref<1x1x128xi32, #tpu.memory_space<vmem>> -> memref<128xi32, #tpu.memory_space<vmem>>
      %dma_wait3A_596 = arith.constant 0 : i32
      %dma_wait3A_597 = arith.constant 0 : i32
      %dma_wait3A_598 = tpu.memref_slice %arg2[%arg0, %dma_wait3A_596, %dma_wait3A_597] : memref<2x16384x64xf32, #tpu.memory_space<hbm>> -> memref<1x16384x64xf32, #tpu.memory_space<hbm>>
      %dma_wait3A_599 = tpu.memref_squeeze %dma_wait3A_598 : memref<1x16384x64xf32, #tpu.memory_space<hbm>> -> memref<16384x64xf32, #tpu.memory_space<hbm>>
      %dma_wait3A_600 = arith.constant 0 : i32
      %dma_wait3A_601 = arith.constant 0 : i32
      %dma_wait3A_602 = tpu.memref_slice %dma_wait3A_599[%dma_wait3A_600, %dma_wait3A_601] : memref<16384x64xf32, #tpu.memory_space<hbm>> -> memref<16384x64xf32, #tpu.memory_space<hbm>>
      tpu.wait_indirect_dma semaphore(%arg10 : memref<!tpu.dma_semaphore, #tpu.memory_space<semaphore_mem>>) src(%dma_wait3A_602 : memref<16384x64xf32, #tpu.memory_space<hbm>>) dst(%dma_wait3A_592 : memref<128x64xf32, #tpu.memory_space<vmem>>)
      %dma_start3A_603 = arith.constant 1 : i32
      %dma_start3A_604 = arith.constant 9 : i32
      %dma_start3A_605 = arith.constant 0 : i32
      %dma_start3A_606 = arith.constant 0 : i32
      %dma_start3A_607 = tpu.memref_slice %arg8[%dma_start3A_603, %dma_start3A_605, %dma_start3A_606] : memref<4x128x64xf32, #tpu.memory_space<vmem>> -> memref<1x128x64xf32, #tpu.memory_space<vmem>>
      %dma_start3A_608 = tpu.memref_squeeze %dma_start3A_607 : memref<1x128x64xf32, #tpu.memory_space<vmem>> -> memref<128x64xf32, #tpu.memory_space<vmem>>
      %dma_start3A_609 = arith.constant 0 : i32
      %dma_start3A_610 = tpu.memref_slice %arg7[%rem3A_78, %dma_start3A_604, %dma_start3A_609] : memref<2x16x128xi32, #tpu.memory_space<vmem>> -> memref<1x1x128xi32, #tpu.memory_space<vmem>>
      %dma_start3A_611 = tpu.memref_squeeze %dma_start3A_610 : memref<1x1x128xi32, #tpu.memory_space<vmem>> -> memref<128xi32, #tpu.memory_space<vmem>>
      %dma_start3A_612 = arith.constant 0 : i32
      %dma_start3A_613 = arith.constant 0 : i32
      %dma_start3A_614 = tpu.memref_slice %arg9[%dma_start3A_612, %dma_start3A_613] : memref<16384x64xf32, #tpu.memory_space<vmem_shared>> -> memref<16384x64xf32, #tpu.memory_space<vmem_shared>>
      tpu.enqueue_indirect_dma source(%dma_start3A_608 : memref<128x64xf32, #tpu.memory_space<vmem>>) target(%dma_start3A_614 : memref<16384x64xf32, #tpu.memory_space<vmem_shared>>) offsets(%dma_start3A_611 : memref<128xi32, #tpu.memory_space<vmem>>) semaphore(%arg12 : memref<!tpu.dma_semaphore, #tpu.memory_space<semaphore_mem>>) {add = true}
      %dma_wait3A_615 = arith.constant 0 : i32
      %dma_wait3A_616 = arith.constant 8 : i32
      %dma_wait3A_617 = arith.constant 0 : i32
      %dma_wait3A_618 = arith.constant 0 : i32
      %dma_wait3A_619 = tpu.memref_slice %arg8[%dma_wait3A_615, %dma_wait3A_617, %dma_wait3A_618] : memref<4x128x64xf32, #tpu.memory_space<vmem>> -> memref<1x128x64xf32, #tpu.memory_space<vmem>>
      %dma_wait3A_620 = tpu.memref_squeeze %dma_wait3A_619 : memref<1x128x64xf32, #tpu.memory_space<vmem>> -> memref<128x64xf32, #tpu.memory_space<vmem>>
      %dma_wait3A_621 = arith.constant 0 : i32
      %dma_wait3A_622 = tpu.memref_slice %arg7[%rem3A_78, %dma_wait3A_616, %dma_wait3A_621] : memref<2x16x128xi32, #tpu.memory_space<vmem>> -> memref<1x1x128xi32, #tpu.memory_space<vmem>>
      %dma_wait3A_623 = tpu.memref_squeeze %dma_wait3A_622 : memref<1x1x128xi32, #tpu.memory_space<vmem>> -> memref<128xi32, #tpu.memory_space<vmem>>
      %dma_wait3A_624 = arith.constant 0 : i32
      %dma_wait3A_625 = arith.constant 0 : i32
      %dma_wait3A_626 = tpu.memref_slice %arg9[%dma_wait3A_624, %dma_wait3A_625] : memref<16384x64xf32, #tpu.memory_space<vmem_shared>> -> memref<16384x64xf32, #tpu.memory_space<vmem_shared>>
      tpu.wait_indirect_dma semaphore(%arg12 : memref<!tpu.dma_semaphore, #tpu.memory_space<semaphore_mem>>) src(%dma_wait3A_620 : memref<128x64xf32, #tpu.memory_space<vmem>>) dst(%dma_wait3A_626 : memref<16384x64xf32, #tpu.memory_space<vmem_shared>>)
      %dma_start3A_627 = arith.constant 12 : i32
      %dma_start3A_628 = arith.constant 0 : i32
      %dma_start3A_629 = arith.constant 0 : i32
      %dma_start3A_630 = arith.constant 0 : i32
      %dma_start3A_631 = tpu.memref_slice %arg8[%dma_start3A_628, %dma_start3A_629, %dma_start3A_630] : memref<4x128x64xf32, #tpu.memory_space<vmem>> -> memref<1x128x64xf32, #tpu.memory_space<vmem>>
      %dma_start3A_632 = tpu.memref_squeeze %dma_start3A_631 : memref<1x128x64xf32, #tpu.memory_space<vmem>> -> memref<128x64xf32, #tpu.memory_space<vmem>>
      %dma_start3A_633 = arith.constant 0 : i32
      %dma_start3A_634 = tpu.memref_slice %arg6[%rem3A_78, %dma_start3A_627, %dma_start3A_633] : memref<2x16x128xi32, #tpu.memory_space<vmem>> -> memref<1x1x128xi32, #tpu.memory_space<vmem>>
      %dma_start3A_635 = tpu.memref_squeeze %dma_start3A_634 : memref<1x1x128xi32, #tpu.memory_space<vmem>> -> memref<128xi32, #tpu.memory_space<vmem>>
      %dma_start3A_636 = arith.constant 0 : i32
      %dma_start3A_637 = arith.constant 0 : i32
      %dma_start3A_638 = tpu.memref_slice %arg2[%arg0, %dma_start3A_636, %dma_start3A_637] : memref<2x16384x64xf32, #tpu.memory_space<hbm>> -> memref<1x16384x64xf32, #tpu.memory_space<hbm>>
      %dma_start3A_639 = tpu.memref_squeeze %dma_start3A_638 : memref<1x16384x64xf32, #tpu.memory_space<hbm>> -> memref<16384x64xf32, #tpu.memory_space<hbm>>
      %dma_start3A_640 = arith.constant 0 : i32
      %dma_start3A_641 = arith.constant 0 : i32
      %dma_start3A_642 = tpu.memref_slice %dma_start3A_639[%dma_start3A_640, %dma_start3A_641] : memref<16384x64xf32, #tpu.memory_space<hbm>> -> memref<16384x64xf32, #tpu.memory_space<hbm>>
      tpu.enqueue_indirect_dma source(%dma_start3A_642 : memref<16384x64xf32, #tpu.memory_space<hbm>>) target(%dma_start3A_632 : memref<128x64xf32, #tpu.memory_space<vmem>>) offsets(%dma_start3A_635 : memref<128xi32, #tpu.memory_space<vmem>>) semaphore(%arg10 : memref<!tpu.dma_semaphore, #tpu.memory_space<semaphore_mem>>)
      %dma_wait3A_643 = arith.constant 10 : i32
      %dma_wait3A_644 = arith.constant 2 : i32
      %dma_wait3A_645 = arith.constant 0 : i32
      %dma_wait3A_646 = arith.constant 0 : i32
      %dma_wait3A_647 = tpu.memref_slice %arg8[%dma_wait3A_644, %dma_wait3A_645, %dma_wait3A_646] : memref<4x128x64xf32, #tpu.memory_space<vmem>> -> memref<1x128x64xf32, #tpu.memory_space<vmem>>
      %dma_wait3A_648 = tpu.memref_squeeze %dma_wait3A_647 : memref<1x128x64xf32, #tpu.memory_space<vmem>> -> memref<128x64xf32, #tpu.memory_space<vmem>>
      %dma_wait3A_649 = arith.constant 0 : i32
      %dma_wait3A_650 = tpu.memref_slice %arg6[%rem3A_78, %dma_wait3A_643, %dma_wait3A_649] : memref<2x16x128xi32, #tpu.memory_space<vmem>> -> memref<1x1x128xi32, #tpu.memory_space<vmem>>
      %dma_wait3A_651 = tpu.memref_squeeze %dma_wait3A_650 : memref<1x1x128xi32, #tpu.memory_space<vmem>> -> memref<128xi32, #tpu.memory_space<vmem>>
      %dma_wait3A_652 = arith.constant 0 : i32
      %dma_wait3A_653 = arith.constant 0 : i32
      %dma_wait3A_654 = tpu.memref_slice %arg2[%arg0, %dma_wait3A_652, %dma_wait3A_653] : memref<2x16384x64xf32, #tpu.memory_space<hbm>> -> memref<1x16384x64xf32, #tpu.memory_space<hbm>>
      %dma_wait3A_655 = tpu.memref_squeeze %dma_wait3A_654 : memref<1x16384x64xf32, #tpu.memory_space<hbm>> -> memref<16384x64xf32, #tpu.memory_space<hbm>>
      %dma_wait3A_656 = arith.constant 0 : i32
      %dma_wait3A_657 = arith.constant 0 : i32
      %dma_wait3A_658 = tpu.memref_slice %dma_wait3A_655[%dma_wait3A_656, %dma_wait3A_657] : memref<16384x64xf32, #tpu.memory_space<hbm>> -> memref<16384x64xf32, #tpu.memory_space<hbm>>
      tpu.wait_indirect_dma semaphore(%arg10 : memref<!tpu.dma_semaphore, #tpu.memory_space<semaphore_mem>>) src(%dma_wait3A_658 : memref<16384x64xf32, #tpu.memory_space<hbm>>) dst(%dma_wait3A_648 : memref<128x64xf32, #tpu.memory_space<vmem>>)
      %dma_start3A_659 = arith.constant 2 : i32
      %dma_start3A_660 = arith.constant 10 : i32
      %dma_start3A_661 = arith.constant 0 : i32
      %dma_start3A_662 = arith.constant 0 : i32
      %dma_start3A_663 = tpu.memref_slice %arg8[%dma_start3A_659, %dma_start3A_661, %dma_start3A_662] : memref<4x128x64xf32, #tpu.memory_space<vmem>> -> memref<1x128x64xf32, #tpu.memory_space<vmem>>
      %dma_start3A_664 = tpu.memref_squeeze %dma_start3A_663 : memref<1x128x64xf32, #tpu.memory_space<vmem>> -> memref<128x64xf32, #tpu.memory_space<vmem>>
      %dma_start3A_665 = arith.constant 0 : i32
      %dma_start3A_666 = tpu.memref_slice %arg7[%rem3A_78, %dma_start3A_660, %dma_start3A_665] : memref<2x16x128xi32, #tpu.memory_space<vmem>> -> memref<1x1x128xi32, #tpu.memory_space<vmem>>
      %dma_start3A_667 = tpu.memref_squeeze %dma_start3A_666 : memref<1x1x128xi32, #tpu.memory_space<vmem>> -> memref<128xi32, #tpu.memory_space<vmem>>
      %dma_start3A_668 = arith.constant 0 : i32
      %dma_start3A_669 = arith.constant 0 : i32
      %dma_start3A_670 = tpu.memref_slice %arg9[%dma_start3A_668, %dma_start3A_669] : memref<16384x64xf32, #tpu.memory_space<vmem_shared>> -> memref<16384x64xf32, #tpu.memory_space<vmem_shared>>
      tpu.enqueue_indirect_dma source(%dma_start3A_664 : memref<128x64xf32, #tpu.memory_space<vmem>>) target(%dma_start3A_670 : memref<16384x64xf32, #tpu.memory_space<vmem_shared>>) offsets(%dma_start3A_667 : memref<128xi32, #tpu.memory_space<vmem>>) semaphore(%arg12 : memref<!tpu.dma_semaphore, #tpu.memory_space<semaphore_mem>>) {add = true}
      %dma_wait3A_671 = arith.constant 1 : i32
      %dma_wait3A_672 = arith.constant 9 : i32
      %dma_wait3A_673 = arith.constant 0 : i32
      %dma_wait3A_674 = arith.constant 0 : i32
      %dma_wait3A_675 = tpu.memref_slice %arg8[%dma_wait3A_671, %dma_wait3A_673, %dma_wait3A_674] : memref<4x128x64xf32, #tpu.memory_space<vmem>> -> memref<1x128x64xf32, #tpu.memory_space<vmem>>
      %dma_wait3A_676 = tpu.memref_squeeze %dma_wait3A_675 : memref<1x128x64xf32, #tpu.memory_space<vmem>> -> memref<128x64xf32, #tpu.memory_space<vmem>>
      %dma_wait3A_677 = arith.constant 0 : i32
      %dma_wait3A_678 = tpu.memref_slice %arg7[%rem3A_78, %dma_wait3A_672, %dma_wait3A_677] : memref<2x16x128xi32, #tpu.memory_space<vmem>> -> memref<1x1x128xi32, #tpu.memory_space<vmem>>
      %dma_wait3A_679 = tpu.memref_squeeze %dma_wait3A_678 : memref<1x1x128xi32, #tpu.memory_space<vmem>> -> memref<128xi32, #tpu.memory_space<vmem>>
      %dma_wait3A_680 = arith.constant 0 : i32
      %dma_wait3A_681 = arith.constant 0 : i32
      %dma_wait3A_682 = tpu.memref_slice %arg9[%dma_wait3A_680, %dma_wait3A_681] : memref<16384x64xf32, #tpu.memory_space<vmem_shared>> -> memref<16384x64xf32, #tpu.memory_space<vmem_shared>>
      tpu.wait_indirect_dma semaphore(%arg12 : memref<!tpu.dma_semaphore, #tpu.memory_space<semaphore_mem>>) src(%dma_wait3A_676 : memref<128x64xf32, #tpu.memory_space<vmem>>) dst(%dma_wait3A_682 : memref<16384x64xf32, #tpu.memory_space<vmem_shared>>)
      %dma_start3A_683 = arith.constant 13 : i32
      %dma_start3A_684 = arith.constant 1 : i32
      %dma_start3A_685 = arith.constant 0 : i32
      %dma_start3A_686 = arith.constant 0 : i32
      %dma_start3A_687 = tpu.memref_slice %arg8[%dma_start3A_684, %dma_start3A_685, %dma_start3A_686] : memref<4x128x64xf32, #tpu.memory_space<vmem>> -> memref<1x128x64xf32, #tpu.memory_space<vmem>>
      %dma_start3A_688 = tpu.memref_squeeze %dma_start3A_687 : memref<1x128x64xf32, #tpu.memory_space<vmem>> -> memref<128x64xf32, #tpu.memory_space<vmem>>
      %dma_start3A_689 = arith.constant 0 : i32
      %dma_start3A_690 = tpu.memref_slice %arg6[%rem3A_78, %dma_start3A_683, %dma_start3A_689] : memref<2x16x128xi32, #tpu.memory_space<vmem>> -> memref<1x1x128xi32, #tpu.memory_space<vmem>>
      %dma_start3A_691 = tpu.memref_squeeze %dma_start3A_690 : memref<1x1x128xi32, #tpu.memory_space<vmem>> -> memref<128xi32, #tpu.memory_space<vmem>>
      %dma_start3A_692 = arith.constant 0 : i32
      %dma_start3A_693 = arith.constant 0 : i32
      %dma_start3A_694 = tpu.memref_slice %arg2[%arg0, %dma_start3A_692, %dma_start3A_693] : memref<2x16384x64xf32, #tpu.memory_space<hbm>> -> memref<1x16384x64xf32, #tpu.memory_space<hbm>>
      %dma_start3A_695 = tpu.memref_squeeze %dma_start3A_694 : memref<1x16384x64xf32, #tpu.memory_space<hbm>> -> memref<16384x64xf32, #tpu.memory_space<hbm>>
      %dma_start3A_696 = arith.constant 0 : i32
      %dma_start3A_697 = arith.constant 0 : i32
      %dma_start3A_698 = tpu.memref_slice %dma_start3A_695[%dma_start3A_696, %dma_start3A_697] : memref<16384x64xf32, #tpu.memory_space<hbm>> -> memref<16384x64xf32, #tpu.memory_space<hbm>>
      tpu.enqueue_indirect_dma source(%dma_start3A_698 : memref<16384x64xf32, #tpu.memory_space<hbm>>) target(%dma_start3A_688 : memref<128x64xf32, #tpu.memory_space<vmem>>) offsets(%dma_start3A_691 : memref<128xi32, #tpu.memory_space<vmem>>) semaphore(%arg10 : memref<!tpu.dma_semaphore, #tpu.memory_space<semaphore_mem>>)
      %dma_wait3A_699 = arith.constant 11 : i32
      %dma_wait3A_700 = arith.constant 3 : i32
      %dma_wait3A_701 = arith.constant 0 : i32
      %dma_wait3A_702 = arith.constant 0 : i32
      %dma_wait3A_703 = tpu.memref_slice %arg8[%dma_wait3A_700, %dma_wait3A_701, %dma_wait3A_702] : memref<4x128x64xf32, #tpu.memory_space<vmem>> -> memref<1x128x64xf32, #tpu.memory_space<vmem>>
      %dma_wait3A_704 = tpu.memref_squeeze %dma_wait3A_703 : memref<1x128x64xf32, #tpu.memory_space<vmem>> -> memref<128x64xf32, #tpu.memory_space<vmem>>
      %dma_wait3A_705 = arith.constant 0 : i32
      %dma_wait3A_706 = tpu.memref_slice %arg6[%rem3A_78, %dma_wait3A_699, %dma_wait3A_705] : memref<2x16x128xi32, #tpu.memory_space<vmem>> -> memref<1x1x128xi32, #tpu.memory_space<vmem>>
      %dma_wait3A_707 = tpu.memref_squeeze %dma_wait3A_706 : memref<1x1x128xi32, #tpu.memory_space<vmem>> -> memref<128xi32, #tpu.memory_space<vmem>>
      %dma_wait3A_708 = arith.constant 0 : i32
      %dma_wait3A_709 = arith.constant 0 : i32
      %dma_wait3A_710 = tpu.memref_slice %arg2[%arg0, %dma_wait3A_708, %dma_wait3A_709] : memref<2x16384x64xf32, #tpu.memory_space<hbm>> -> memref<1x16384x64xf32, #tpu.memory_space<hbm>>
      %dma_wait3A_711 = tpu.memref_squeeze %dma_wait3A_710 : memref<1x16384x64xf32, #tpu.memory_space<hbm>> -> memref<16384x64xf32, #tpu.memory_space<hbm>>
      %dma_wait3A_712 = arith.constant 0 : i32
      %dma_wait3A_713 = arith.constant 0 : i32
      %dma_wait3A_714 = tpu.memref_slice %dma_wait3A_711[%dma_wait3A_712, %dma_wait3A_713] : memref<16384x64xf32, #tpu.memory_space<hbm>> -> memref<16384x64xf32, #tpu.memory_space<hbm>>
      tpu.wait_indirect_dma semaphore(%arg10 : memref<!tpu.dma_semaphore, #tpu.memory_space<semaphore_mem>>) src(%dma_wait3A_714 : memref<16384x64xf32, #tpu.memory_space<hbm>>) dst(%dma_wait3A_704 : memref<128x64xf32, #tpu.memory_space<vmem>>)
      %dma_start3A_715 = arith.constant 3 : i32
      %dma_start3A_716 = arith.constant 11 : i32
      %dma_start3A_717 = arith.constant 0 : i32
      %dma_start3A_718 = arith.constant 0 : i32
      %dma_start3A_719 = tpu.memref_slice %arg8[%dma_start3A_715, %dma_start3A_717, %dma_start3A_718] : memref<4x128x64xf32, #tpu.memory_space<vmem>> -> memref<1x128x64xf32, #tpu.memory_space<vmem>>
      %dma_start3A_720 = tpu.memref_squeeze %dma_start3A_719 : memref<1x128x64xf32, #tpu.memory_space<vmem>> -> memref<128x64xf32, #tpu.memory_space<vmem>>
      %dma_start3A_721 = arith.constant 0 : i32
      %dma_start3A_722 = tpu.memref_slice %arg7[%rem3A_78, %dma_start3A_716, %dma_start3A_721] : memref<2x16x128xi32, #tpu.memory_space<vmem>> -> memref<1x1x128xi32, #tpu.memory_space<vmem>>
      %dma_start3A_723 = tpu.memref_squeeze %dma_start3A_722 : memref<1x1x128xi32, #tpu.memory_space<vmem>> -> memref<128xi32, #tpu.memory_space<vmem>>
      %dma_start3A_724 = arith.constant 0 : i32
      %dma_start3A_725 = arith.constant 0 : i32
      %dma_start3A_726 = tpu.memref_slice %arg9[%dma_start3A_724, %dma_start3A_725] : memref<16384x64xf32, #tpu.memory_space<vmem_shared>> -> memref<16384x64xf32, #tpu.memory_space<vmem_shared>>
      tpu.enqueue_indirect_dma source(%dma_start3A_720 : memref<128x64xf32, #tpu.memory_space<vmem>>) target(%dma_start3A_726 : memref<16384x64xf32, #tpu.memory_space<vmem_shared>>) offsets(%dma_start3A_723 : memref<128xi32, #tpu.memory_space<vmem>>) semaphore(%arg12 : memref<!tpu.dma_semaphore, #tpu.memory_space<semaphore_mem>>) {add = true}
      %dma_wait3A_727 = arith.constant 2 : i32
      %dma_wait3A_728 = arith.constant 10 : i32
      %dma_wait3A_729 = arith.constant 0 : i32
      %dma_wait3A_730 = arith.constant 0 : i32
      %dma_wait3A_731 = tpu.memref_slice %arg8[%dma_wait3A_727, %dma_wait3A_729, %dma_wait3A_730] : memref<4x128x64xf32, #tpu.memory_space<vmem>> -> memref<1x128x64xf32, #tpu.memory_space<vmem>>
      %dma_wait3A_732 = tpu.memref_squeeze %dma_wait3A_731 : memref<1x128x64xf32, #tpu.memory_space<vmem>> -> memref<128x64xf32, #tpu.memory_space<vmem>>
      %dma_wait3A_733 = arith.constant 0 : i32
      %dma_wait3A_734 = tpu.memref_slice %arg7[%rem3A_78, %dma_wait3A_728, %dma_wait3A_733] : memref<2x16x128xi32, #tpu.memory_space<vmem>> -> memref<1x1x128xi32, #tpu.memory_space<vmem>>
      %dma_wait3A_735 = tpu.memref_squeeze %dma_wait3A_734 : memref<1x1x128xi32, #tpu.memory_space<vmem>> -> memref<128xi32, #tpu.memory_space<vmem>>
      %dma_wait3A_736 = arith.constant 0 : i32
      %dma_wait3A_737 = arith.constant 0 : i32
      %dma_wait3A_738 = tpu.memref_slice %arg9[%dma_wait3A_736, %dma_wait3A_737] : memref<16384x64xf32, #tpu.memory_space<vmem_shared>> -> memref<16384x64xf32, #tpu.memory_space<vmem_shared>>
      tpu.wait_indirect_dma semaphore(%arg12 : memref<!tpu.dma_semaphore, #tpu.memory_space<semaphore_mem>>) src(%dma_wait3A_732 : memref<128x64xf32, #tpu.memory_space<vmem>>) dst(%dma_wait3A_738 : memref<16384x64xf32, #tpu.memory_space<vmem_shared>>)
      %dma_start3A_739 = arith.constant 14 : i32
      %dma_start3A_740 = arith.constant 2 : i32
      %dma_start3A_741 = arith.constant 0 : i32
      %dma_start3A_742 = arith.constant 0 : i32
      %dma_start3A_743 = tpu.memref_slice %arg8[%dma_start3A_740, %dma_start3A_741, %dma_start3A_742] : memref<4x128x64xf32, #tpu.memory_space<vmem>> -> memref<1x128x64xf32, #tpu.memory_space<vmem>>
      %dma_start3A_744 = tpu.memref_squeeze %dma_start3A_743 : memref<1x128x64xf32, #tpu.memory_space<vmem>> -> memref<128x64xf32, #tpu.memory_space<vmem>>
      %dma_start3A_745 = arith.constant 0 : i32
      %dma_start3A_746 = tpu.memref_slice %arg6[%rem3A_78, %dma_start3A_739, %dma_start3A_745] : memref<2x16x128xi32, #tpu.memory_space<vmem>> -> memref<1x1x128xi32, #tpu.memory_space<vmem>>
      %dma_start3A_747 = tpu.memref_squeeze %dma_start3A_746 : memref<1x1x128xi32, #tpu.memory_space<vmem>> -> memref<128xi32, #tpu.memory_space<vmem>>
      %dma_start3A_748 = arith.constant 0 : i32
      %dma_start3A_749 = arith.constant 0 : i32
      %dma_start3A_750 = tpu.memref_slice %arg2[%arg0, %dma_start3A_748, %dma_start3A_749] : memref<2x16384x64xf32, #tpu.memory_space<hbm>> -> memref<1x16384x64xf32, #tpu.memory_space<hbm>>
      %dma_start3A_751 = tpu.memref_squeeze %dma_start3A_750 : memref<1x16384x64xf32, #tpu.memory_space<hbm>> -> memref<16384x64xf32, #tpu.memory_space<hbm>>
      %dma_start3A_752 = arith.constant 0 : i32
      %dma_start3A_753 = arith.constant 0 : i32
      %dma_start3A_754 = tpu.memref_slice %dma_start3A_751[%dma_start3A_752, %dma_start3A_753] : memref<16384x64xf32, #tpu.memory_space<hbm>> -> memref<16384x64xf32, #tpu.memory_space<hbm>>
      tpu.enqueue_indirect_dma source(%dma_start3A_754 : memref<16384x64xf32, #tpu.memory_space<hbm>>) target(%dma_start3A_744 : memref<128x64xf32, #tpu.memory_space<vmem>>) offsets(%dma_start3A_747 : memref<128xi32, #tpu.memory_space<vmem>>) semaphore(%arg10 : memref<!tpu.dma_semaphore, #tpu.memory_space<semaphore_mem>>)
      %dma_wait3A_755 = arith.constant 12 : i32
      %dma_wait3A_756 = arith.constant 0 : i32
      %dma_wait3A_757 = arith.constant 0 : i32
      %dma_wait3A_758 = arith.constant 0 : i32
      %dma_wait3A_759 = tpu.memref_slice %arg8[%dma_wait3A_756, %dma_wait3A_757, %dma_wait3A_758] : memref<4x128x64xf32, #tpu.memory_space<vmem>> -> memref<1x128x64xf32, #tpu.memory_space<vmem>>
      %dma_wait3A_760 = tpu.memref_squeeze %dma_wait3A_759 : memref<1x128x64xf32, #tpu.memory_space<vmem>> -> memref<128x64xf32, #tpu.memory_space<vmem>>
      %dma_wait3A_761 = arith.constant 0 : i32
      %dma_wait3A_762 = tpu.memref_slice %arg6[%rem3A_78, %dma_wait3A_755, %dma_wait3A_761] : memref<2x16x128xi32, #tpu.memory_space<vmem>> -> memref<1x1x128xi32, #tpu.memory_space<vmem>>
      %dma_wait3A_763 = tpu.memref_squeeze %dma_wait3A_762 : memref<1x1x128xi32, #tpu.memory_space<vmem>> -> memref<128xi32, #tpu.memory_space<vmem>>
      %dma_wait3A_764 = arith.constant 0 : i32
      %dma_wait3A_765 = arith.constant 0 : i32
      %dma_wait3A_766 = tpu.memref_slice %arg2[%arg0, %dma_wait3A_764, %dma_wait3A_765] : memref<2x16384x64xf32, #tpu.memory_space<hbm>> -> memref<1x16384x64xf32, #tpu.memory_space<hbm>>
      %dma_wait3A_767 = tpu.memref_squeeze %dma_wait3A_766 : memref<1x16384x64xf32, #tpu.memory_space<hbm>> -> memref<16384x64xf32, #tpu.memory_space<hbm>>
      %dma_wait3A_768 = arith.constant 0 : i32
      %dma_wait3A_769 = arith.constant 0 : i32
      %dma_wait3A_770 = tpu.memref_slice %dma_wait3A_767[%dma_wait3A_768, %dma_wait3A_769] : memref<16384x64xf32, #tpu.memory_space<hbm>> -> memref<16384x64xf32, #tpu.memory_space<hbm>>
      tpu.wait_indirect_dma semaphore(%arg10 : memref<!tpu.dma_semaphore, #tpu.memory_space<semaphore_mem>>) src(%dma_wait3A_770 : memref<16384x64xf32, #tpu.memory_space<hbm>>) dst(%dma_wait3A_760 : memref<128x64xf32, #tpu.memory_space<vmem>>)
      %dma_start3A_771 = arith.constant 0 : i32
      %dma_start3A_772 = arith.constant 12 : i32
      %dma_start3A_773 = arith.constant 0 : i32
      %dma_start3A_774 = arith.constant 0 : i32
      %dma_start3A_775 = tpu.memref_slice %arg8[%dma_start3A_771, %dma_start3A_773, %dma_start3A_774] : memref<4x128x64xf32, #tpu.memory_space<vmem>> -> memref<1x128x64xf32, #tpu.memory_space<vmem>>
      %dma_start3A_776 = tpu.memref_squeeze %dma_start3A_775 : memref<1x128x64xf32, #tpu.memory_space<vmem>> -> memref<128x64xf32, #tpu.memory_space<vmem>>
      %dma_start3A_777 = arith.constant 0 : i32
      %dma_start3A_778 = tpu.memref_slice %arg7[%rem3A_78, %dma_start3A_772, %dma_start3A_777] : memref<2x16x128xi32, #tpu.memory_space<vmem>> -> memref<1x1x128xi32, #tpu.memory_space<vmem>>
      %dma_start3A_779 = tpu.memref_squeeze %dma_start3A_778 : memref<1x1x128xi32, #tpu.memory_space<vmem>> -> memref<128xi32, #tpu.memory_space<vmem>>
      %dma_start3A_780 = arith.constant 0 : i32
      %dma_start3A_781 = arith.constant 0 : i32
      %dma_start3A_782 = tpu.memref_slice %arg9[%dma_start3A_780, %dma_start3A_781] : memref<16384x64xf32, #tpu.memory_space<vmem_shared>> -> memref<16384x64xf32, #tpu.memory_space<vmem_shared>>
      tpu.enqueue_indirect_dma source(%dma_start3A_776 : memref<128x64xf32, #tpu.memory_space<vmem>>) target(%dma_start3A_782 : memref<16384x64xf32, #tpu.memory_space<vmem_shared>>) offsets(%dma_start3A_779 : memref<128xi32, #tpu.memory_space<vmem>>) semaphore(%arg12 : memref<!tpu.dma_semaphore, #tpu.memory_space<semaphore_mem>>) {add = true}
      %dma_wait3A_783 = arith.constant 3 : i32
      %dma_wait3A_784 = arith.constant 11 : i32
      %dma_wait3A_785 = arith.constant 0 : i32
      %dma_wait3A_786 = arith.constant 0 : i32
      %dma_wait3A_787 = tpu.memref_slice %arg8[%dma_wait3A_783, %dma_wait3A_785, %dma_wait3A_786] : memref<4x128x64xf32, #tpu.memory_space<vmem>> -> memref<1x128x64xf32, #tpu.memory_space<vmem>>
      %dma_wait3A_788 = tpu.memref_squeeze %dma_wait3A_787 : memref<1x128x64xf32, #tpu.memory_space<vmem>> -> memref<128x64xf32, #tpu.memory_space<vmem>>
      %dma_wait3A_789 = arith.constant 0 : i32
      %dma_wait3A_790 = tpu.memref_slice %arg7[%rem3A_78, %dma_wait3A_784, %dma_wait3A_789] : memref<2x16x128xi32, #tpu.memory_space<vmem>> -> memref<1x1x128xi32, #tpu.memory_space<vmem>>
      %dma_wait3A_791 = tpu.memref_squeeze %dma_wait3A_790 : memref<1x1x128xi32, #tpu.memory_space<vmem>> -> memref<128xi32, #tpu.memory_space<vmem>>
      %dma_wait3A_792 = arith.constant 0 : i32
      %dma_wait3A_793 = arith.constant 0 : i32
      %dma_wait3A_794 = tpu.memref_slice %arg9[%dma_wait3A_792, %dma_wait3A_793] : memref<16384x64xf32, #tpu.memory_space<vmem_shared>> -> memref<16384x64xf32, #tpu.memory_space<vmem_shared>>
      tpu.wait_indirect_dma semaphore(%arg12 : memref<!tpu.dma_semaphore, #tpu.memory_space<semaphore_mem>>) src(%dma_wait3A_788 : memref<128x64xf32, #tpu.memory_space<vmem>>) dst(%dma_wait3A_794 : memref<16384x64xf32, #tpu.memory_space<vmem_shared>>)
      %dma_start3A_795 = arith.constant 15 : i32
      %dma_start3A_796 = arith.constant 3 : i32
      %dma_start3A_797 = arith.constant 0 : i32
      %dma_start3A_798 = arith.constant 0 : i32
      %dma_start3A_799 = tpu.memref_slice %arg8[%dma_start3A_796, %dma_start3A_797, %dma_start3A_798] : memref<4x128x64xf32, #tpu.memory_space<vmem>> -> memref<1x128x64xf32, #tpu.memory_space<vmem>>
      %dma_start3A_800 = tpu.memref_squeeze %dma_start3A_799 : memref<1x128x64xf32, #tpu.memory_space<vmem>> -> memref<128x64xf32, #tpu.memory_space<vmem>>
      %dma_start3A_801 = arith.constant 0 : i32
      %dma_start3A_802 = tpu.memref_slice %arg6[%rem3A_78, %dma_start3A_795, %dma_start3A_801] : memref<2x16x128xi32, #tpu.memory_space<vmem>> -> memref<1x1x128xi32, #tpu.memory_space<vmem>>
      %dma_start3A_803 = tpu.memref_squeeze %dma_start3A_802 : memref<1x1x128xi32, #tpu.memory_space<vmem>> -> memref<128xi32, #tpu.memory_space<vmem>>
      %dma_start3A_804 = arith.constant 0 : i32
      %dma_start3A_805 = arith.constant 0 : i32
      %dma_start3A_806 = tpu.memref_slice %arg2[%arg0, %dma_start3A_804, %dma_start3A_805] : memref<2x16384x64xf32, #tpu.memory_space<hbm>> -> memref<1x16384x64xf32, #tpu.memory_space<hbm>>
      %dma_start3A_807 = tpu.memref_squeeze %dma_start3A_806 : memref<1x16384x64xf32, #tpu.memory_space<hbm>> -> memref<16384x64xf32, #tpu.memory_space<hbm>>
      %dma_start3A_808 = arith.constant 0 : i32
      %dma_start3A_809 = arith.constant 0 : i32
      %dma_start3A_810 = tpu.memref_slice %dma_start3A_807[%dma_start3A_808, %dma_start3A_809] : memref<16384x64xf32, #tpu.memory_space<hbm>> -> memref<16384x64xf32, #tpu.memory_space<hbm>>
      tpu.enqueue_indirect_dma source(%dma_start3A_810 : memref<16384x64xf32, #tpu.memory_space<hbm>>) target(%dma_start3A_800 : memref<128x64xf32, #tpu.memory_space<vmem>>) offsets(%dma_start3A_803 : memref<128xi32, #tpu.memory_space<vmem>>) semaphore(%arg10 : memref<!tpu.dma_semaphore, #tpu.memory_space<semaphore_mem>>)
      %dma_wait3A_811 = arith.constant 13 : i32
      %dma_wait3A_812 = arith.constant 1 : i32
      %dma_wait3A_813 = arith.constant 0 : i32
      %dma_wait3A_814 = arith.constant 0 : i32
      %dma_wait3A_815 = tpu.memref_slice %arg8[%dma_wait3A_812, %dma_wait3A_813, %dma_wait3A_814] : memref<4x128x64xf32, #tpu.memory_space<vmem>> -> memref<1x128x64xf32, #tpu.memory_space<vmem>>
      %dma_wait3A_816 = tpu.memref_squeeze %dma_wait3A_815 : memref<1x128x64xf32, #tpu.memory_space<vmem>> -> memref<128x64xf32, #tpu.memory_space<vmem>>
      %dma_wait3A_817 = arith.constant 0 : i32
      %dma_wait3A_818 = tpu.memref_slice %arg6[%rem3A_78, %dma_wait3A_811, %dma_wait3A_817] : memref<2x16x128xi32, #tpu.memory_space<vmem>> -> memref<1x1x128xi32, #tpu.memory_space<vmem>>
      %dma_wait3A_819 = tpu.memref_squeeze %dma_wait3A_818 : memref<1x1x128xi32, #tpu.memory_space<vmem>> -> memref<128xi32, #tpu.memory_space<vmem>>
      %dma_wait3A_820 = arith.constant 0 : i32
      %dma_wait3A_821 = arith.constant 0 : i32
      %dma_wait3A_822 = tpu.memref_slice %arg2[%arg0, %dma_wait3A_820, %dma_wait3A_821] : memref<2x16384x64xf32, #tpu.memory_space<hbm>> -> memref<1x16384x64xf32, #tpu.memory_space<hbm>>
      %dma_wait3A_823 = tpu.memref_squeeze %dma_wait3A_822 : memref<1x16384x64xf32, #tpu.memory_space<hbm>> -> memref<16384x64xf32, #tpu.memory_space<hbm>>
      %dma_wait3A_824 = arith.constant 0 : i32
      %dma_wait3A_825 = arith.constant 0 : i32
      %dma_wait3A_826 = tpu.memref_slice %dma_wait3A_823[%dma_wait3A_824, %dma_wait3A_825] : memref<16384x64xf32, #tpu.memory_space<hbm>> -> memref<16384x64xf32, #tpu.memory_space<hbm>>
      tpu.wait_indirect_dma semaphore(%arg10 : memref<!tpu.dma_semaphore, #tpu.memory_space<semaphore_mem>>) src(%dma_wait3A_826 : memref<16384x64xf32, #tpu.memory_space<hbm>>) dst(%dma_wait3A_816 : memref<128x64xf32, #tpu.memory_space<vmem>>)
      %dma_start3A_827 = arith.constant 1 : i32
      %dma_start3A_828 = arith.constant 13 : i32
      %dma_start3A_829 = arith.constant 0 : i32
      %dma_start3A_830 = arith.constant 0 : i32
      %dma_start3A_831 = tpu.memref_slice %arg8[%dma_start3A_827, %dma_start3A_829, %dma_start3A_830] : memref<4x128x64xf32, #tpu.memory_space<vmem>> -> memref<1x128x64xf32, #tpu.memory_space<vmem>>
      %dma_start3A_832 = tpu.memref_squeeze %dma_start3A_831 : memref<1x128x64xf32, #tpu.memory_space<vmem>> -> memref<128x64xf32, #tpu.memory_space<vmem>>
      %dma_start3A_833 = arith.constant 0 : i32
      %dma_start3A_834 = tpu.memref_slice %arg7[%rem3A_78, %dma_start3A_828, %dma_start3A_833] : memref<2x16x128xi32, #tpu.memory_space<vmem>> -> memref<1x1x128xi32, #tpu.memory_space<vmem>>
      %dma_start3A_835 = tpu.memref_squeeze %dma_start3A_834 : memref<1x1x128xi32, #tpu.memory_space<vmem>> -> memref<128xi32, #tpu.memory_space<vmem>>
      %dma_start3A_836 = arith.constant 0 : i32
      %dma_start3A_837 = arith.constant 0 : i32
      %dma_start3A_838 = tpu.memref_slice %arg9[%dma_start3A_836, %dma_start3A_837] : memref<16384x64xf32, #tpu.memory_space<vmem_shared>> -> memref<16384x64xf32, #tpu.memory_space<vmem_shared>>
      tpu.enqueue_indirect_dma source(%dma_start3A_832 : memref<128x64xf32, #tpu.memory_space<vmem>>) target(%dma_start3A_838 : memref<16384x64xf32, #tpu.memory_space<vmem_shared>>) offsets(%dma_start3A_835 : memref<128xi32, #tpu.memory_space<vmem>>) semaphore(%arg12 : memref<!tpu.dma_semaphore, #tpu.memory_space<semaphore_mem>>) {add = true}
      %dma_wait3A_839 = arith.constant 0 : i32
      %dma_wait3A_840 = arith.constant 12 : i32
      %dma_wait3A_841 = arith.constant 0 : i32
      %dma_wait3A_842 = arith.constant 0 : i32
      %dma_wait3A_843 = tpu.memref_slice %arg8[%dma_wait3A_839, %dma_wait3A_841, %dma_wait3A_842] : memref<4x128x64xf32, #tpu.memory_space<vmem>> -> memref<1x128x64xf32, #tpu.memory_space<vmem>>
      %dma_wait3A_844 = tpu.memref_squeeze %dma_wait3A_843 : memref<1x128x64xf32, #tpu.memory_space<vmem>> -> memref<128x64xf32, #tpu.memory_space<vmem>>
      %dma_wait3A_845 = arith.constant 0 : i32
      %dma_wait3A_846 = tpu.memref_slice %arg7[%rem3A_78, %dma_wait3A_840, %dma_wait3A_845] : memref<2x16x128xi32, #tpu.memory_space<vmem>> -> memref<1x1x128xi32, #tpu.memory_space<vmem>>
      %dma_wait3A_847 = tpu.memref_squeeze %dma_wait3A_846 : memref<1x1x128xi32, #tpu.memory_space<vmem>> -> memref<128xi32, #tpu.memory_space<vmem>>
      %dma_wait3A_848 = arith.constant 0 : i32
      %dma_wait3A_849 = arith.constant 0 : i32
      %dma_wait3A_850 = tpu.memref_slice %arg9[%dma_wait3A_848, %dma_wait3A_849] : memref<16384x64xf32, #tpu.memory_space<vmem_shared>> -> memref<16384x64xf32, #tpu.memory_space<vmem_shared>>
      tpu.wait_indirect_dma semaphore(%arg12 : memref<!tpu.dma_semaphore, #tpu.memory_space<semaphore_mem>>) src(%dma_wait3A_844 : memref<128x64xf32, #tpu.memory_space<vmem>>) dst(%dma_wait3A_850 : memref<16384x64xf32, #tpu.memory_space<vmem_shared>>)
      %lt3A = arith.constant 15 : i32
      %lt3A_851 = arith.cmpi slt, %scan3A_77, %lt3A : i32
      %convert_element_type3A = arith.extui %lt3A_851 : i1 to i32
      %cond3A = arith.constant 0 : i32
      %cond3A_852 = arith.constant 0 : i32
      %cond3A_853 = arith.cmpi ne, %convert_element_type3A, %cond3A_852 : i32
      scf.if %cond3A_853 {
        %dma_wait3A_957 = arith.constant 0 : i32
        %dma_wait3A_958 = arith.constant 0 : i32
        %dma_wait3A_959 = tpu.memref_slice %arg6[%sub3A_79, %dma_wait3A_957, %dma_wait3A_958] : memref<2x16x128xi32, #tpu.memory_space<vmem>> -> memref<1x16x128xi32, #tpu.memory_space<vmem>>
        %dma_wait3A_960 = tpu.memref_squeeze %dma_wait3A_959 : memref<1x16x128xi32, #tpu.memory_space<vmem>> -> memref<16x128xi32, #tpu.memory_space<vmem>>
        %dma_wait3A_961 = arith.constant 0 : i32
        %dma_wait3A_962 = tpu.memref_slice %arg3[%mul3A_0, %dma_wait3A_961] : memref<4096x128xi32, #tpu.memory_space<hbm>> -> memref<16x128xi32, #tpu.memory_space<hbm>>
        %dma_wait3A_963 = arith.constant 0 : i32
        %dma_wait3A_964 = arith.constant 0 : i32
        %dma_wait3A_965 = tpu.memref_slice %arg6[%sub3A_79, %dma_wait3A_963, %dma_wait3A_964] : memref<2x16x128xi32, #tpu.memory_space<vmem>> -> memref<1x16x128xi32, #tpu.memory_space<vmem>>
        %dma_wait3A_966 = tpu.memref_squeeze %dma_wait3A_965 : memref<1x16x128xi32, #tpu.memory_space<vmem>> -> memref<16x128xi32, #tpu.memory_space<vmem>>
        %dma_wait3A_967 = arith.constant 0 : i32
        %dma_wait3A_968 = tpu.memref_slice %arg3[%mul3A_0, %dma_wait3A_967] : memref<4096x128xi32, #tpu.memory_space<hbm>> -> memref<16x128xi32, #tpu.memory_space<hbm>>
        tpu.wait_dma2 semaphore(%arg11 : memref<!tpu.dma_semaphore, #tpu.memory_space<semaphore_mem>>) src(%dma_wait3A_968 : memref<16x128xi32, #tpu.memory_space<hbm>>) dst(%dma_wait3A_966 : memref<16x128xi32, #tpu.memory_space<vmem>>)
        %dma_wait3A_969 = arith.constant 0 : i32
        %dma_wait3A_970 = arith.constant 0 : i32
        %dma_wait3A_971 = tpu.memref_slice %arg7[%sub3A_79, %dma_wait3A_969, %dma_wait3A_970] : memref<2x16x128xi32, #tpu.memory_space<vmem>> -> memref<1x16x128xi32, #tpu.memory_space<vmem>>
        %dma_wait3A_972 = tpu.memref_squeeze %dma_wait3A_971 : memref<1x16x128xi32, #tpu.memory_space<vmem>> -> memref<16x128xi32, #tpu.memory_space<vmem>>
        %dma_wait3A_973 = arith.constant 0 : i32
        %dma_wait3A_974 = tpu.memref_slice %arg4[%mul3A_0, %dma_wait3A_973] : memref<4096x128xi32, #tpu.memory_space<hbm>> -> memref<16x128xi32, #tpu.memory_space<hbm>>
        %dma_wait3A_975 = arith.constant 0 : i32
        %dma_wait3A_976 = arith.constant 0 : i32
        %dma_wait3A_977 = tpu.memref_slice %arg7[%sub3A_79, %dma_wait3A_975, %dma_wait3A_976] : memref<2x16x128xi32, #tpu.memory_space<vmem>> -> memref<1x16x128xi32, #tpu.memory_space<vmem>>
        %dma_wait3A_978 = tpu.memref_squeeze %dma_wait3A_977 : memref<1x16x128xi32, #tpu.memory_space<vmem>> -> memref<16x128xi32, #tpu.memory_space<vmem>>
        %dma_wait3A_979 = arith.constant 0 : i32
        %dma_wait3A_980 = tpu.memref_slice %arg4[%mul3A_0, %dma_wait3A_979] : memref<4096x128xi32, #tpu.memory_space<hbm>> -> memref<16x128xi32, #tpu.memory_space<hbm>>
        tpu.wait_dma2 semaphore(%arg11 : memref<!tpu.dma_semaphore, #tpu.memory_space<semaphore_mem>>) src(%dma_wait3A_980 : memref<16x128xi32, #tpu.memory_space<hbm>>) dst(%dma_wait3A_978 : memref<16x128xi32, #tpu.memory_space<vmem>>)
        %dma_start3A_981 = arith.constant 0 : i32
        %dma_start3A_982 = arith.constant 0 : i32
        %dma_start3A_983 = arith.constant 0 : i32
        %dma_start3A_984 = tpu.memref_slice %arg8[%cond3A, %dma_start3A_982, %dma_start3A_983] : memref<4x128x64xf32, #tpu.memory_space<vmem>> -> memref<1x128x64xf32, #tpu.memory_space<vmem>>
        %dma_start3A_985 = tpu.memref_squeeze %dma_start3A_984 : memref<1x128x64xf32, #tpu.memory_space<vmem>> -> memref<128x64xf32, #tpu.memory_space<vmem>>
        %dma_start3A_986 = arith.constant 0 : i32
        %dma_start3A_987 = tpu.memref_slice %arg6[%sub3A_79, %dma_start3A_981, %dma_start3A_986] : memref<2x16x128xi32, #tpu.memory_space<vmem>> -> memref<1x1x128xi32, #tpu.memory_space<vmem>>
        %dma_start3A_988 = tpu.memref_squeeze %dma_start3A_987 : memref<1x1x128xi32, #tpu.memory_space<vmem>> -> memref<128xi32, #tpu.memory_space<vmem>>
        %dma_start3A_989 = arith.constant 0 : i32
        %dma_start3A_990 = arith.constant 0 : i32
        %dma_start3A_991 = tpu.memref_slice %arg2[%arg0, %dma_start3A_989, %dma_start3A_990] : memref<2x16384x64xf32, #tpu.memory_space<hbm>> -> memref<1x16384x64xf32, #tpu.memory_space<hbm>>
        %dma_start3A_992 = tpu.memref_squeeze %dma_start3A_991 : memref<1x16384x64xf32, #tpu.memory_space<hbm>> -> memref<16384x64xf32, #tpu.memory_space<hbm>>
        %dma_start3A_993 = arith.constant 0 : i32
        %dma_start3A_994 = arith.constant 0 : i32
        %dma_start3A_995 = tpu.memref_slice %dma_start3A_992[%dma_start3A_993, %dma_start3A_994] : memref<16384x64xf32, #tpu.memory_space<hbm>> -> memref<16384x64xf32, #tpu.memory_space<hbm>>
        tpu.enqueue_indirect_dma source(%dma_start3A_995 : memref<16384x64xf32, #tpu.memory_space<hbm>>) target(%dma_start3A_985 : memref<128x64xf32, #tpu.memory_space<vmem>>) offsets(%dma_start3A_988 : memref<128xi32, #tpu.memory_space<vmem>>) semaphore(%arg10 : memref<!tpu.dma_semaphore, #tpu.memory_space<semaphore_mem>>)
      } else {
      }
      %dma_wait3A_854 = arith.constant 14 : i32
      %dma_wait3A_855 = arith.constant 2 : i32
      %dma_wait3A_856 = arith.constant 0 : i32
      %dma_wait3A_857 = arith.constant 0 : i32
      %dma_wait3A_858 = tpu.memref_slice %arg8[%dma_wait3A_855, %dma_wait3A_856, %dma_wait3A_857] : memref<4x128x64xf32, #tpu.memory_space<vmem>> -> memref<1x128x64xf32, #tpu.memory_space<vmem>>
      %dma_wait3A_859 = tpu.memref_squeeze %dma_wait3A_858 : memref<1x128x64xf32, #tpu.memory_space<vmem>> -> memref<128x64xf32, #tpu.memory_space<vmem>>
      %dma_wait3A_860 = arith.constant 0 : i32
      %dma_wait3A_861 = tpu.memref_slice %arg6[%rem3A_78, %dma_wait3A_854, %dma_wait3A_860] : memref<2x16x128xi32, #tpu.memory_space<vmem>> -> memref<1x1x128xi32, #tpu.memory_space<vmem>>
      %dma_wait3A_862 = tpu.memref_squeeze %dma_wait3A_861 : memref<1x1x128xi32, #tpu.memory_space<vmem>> -> memref<128xi32, #tpu.memory_space<vmem>>
      %dma_wait3A_863 = arith.constant 0 : i32
      %dma_wait3A_864 = arith.constant 0 : i32
      %dma_wait3A_865 = tpu.memref_slice %arg2[%arg0, %dma_wait3A_863, %dma_wait3A_864] : memref<2x16384x64xf32, #tpu.memory_space<hbm>> -> memref<1x16384x64xf32, #tpu.memory_space<hbm>>
      %dma_wait3A_866 = tpu.memref_squeeze %dma_wait3A_865 : memref<1x16384x64xf32, #tpu.memory_space<hbm>> -> memref<16384x64xf32, #tpu.memory_space<hbm>>
      %dma_wait3A_867 = arith.constant 0 : i32
      %dma_wait3A_868 = arith.constant 0 : i32
      %dma_wait3A_869 = tpu.memref_slice %dma_wait3A_866[%dma_wait3A_867, %dma_wait3A_868] : memref<16384x64xf32, #tpu.memory_space<hbm>> -> memref<16384x64xf32, #tpu.memory_space<hbm>>
      tpu.wait_indirect_dma semaphore(%arg10 : memref<!tpu.dma_semaphore, #tpu.memory_space<semaphore_mem>>) src(%dma_wait3A_869 : memref<16384x64xf32, #tpu.memory_space<hbm>>) dst(%dma_wait3A_859 : memref<128x64xf32, #tpu.memory_space<vmem>>)
      %dma_start3A_870 = arith.constant 2 : i32
      %dma_start3A_871 = arith.constant 14 : i32
      %dma_start3A_872 = arith.constant 0 : i32
      %dma_start3A_873 = arith.constant 0 : i32
      %dma_start3A_874 = tpu.memref_slice %arg8[%dma_start3A_870, %dma_start3A_872, %dma_start3A_873] : memref<4x128x64xf32, #tpu.memory_space<vmem>> -> memref<1x128x64xf32, #tpu.memory_space<vmem>>
      %dma_start3A_875 = tpu.memref_squeeze %dma_start3A_874 : memref<1x128x64xf32, #tpu.memory_space<vmem>> -> memref<128x64xf32, #tpu.memory_space<vmem>>
      %dma_start3A_876 = arith.constant 0 : i32
      %dma_start3A_877 = tpu.memref_slice %arg7[%rem3A_78, %dma_start3A_871, %dma_start3A_876] : memref<2x16x128xi32, #tpu.memory_space<vmem>> -> memref<1x1x128xi32, #tpu.memory_space<vmem>>
      %dma_start3A_878 = tpu.memref_squeeze %dma_start3A_877 : memref<1x1x128xi32, #tpu.memory_space<vmem>> -> memref<128xi32, #tpu.memory_space<vmem>>
      %dma_start3A_879 = arith.constant 0 : i32
      %dma_start3A_880 = arith.constant 0 : i32
      %dma_start3A_881 = tpu.memref_slice %arg9[%dma_start3A_879, %dma_start3A_880] : memref<16384x64xf32, #tpu.memory_space<vmem_shared>> -> memref<16384x64xf32, #tpu.memory_space<vmem_shared>>
      tpu.enqueue_indirect_dma source(%dma_start3A_875 : memref<128x64xf32, #tpu.memory_space<vmem>>) target(%dma_start3A_881 : memref<16384x64xf32, #tpu.memory_space<vmem_shared>>) offsets(%dma_start3A_878 : memref<128xi32, #tpu.memory_space<vmem>>) semaphore(%arg12 : memref<!tpu.dma_semaphore, #tpu.memory_space<semaphore_mem>>) {add = true}
      %dma_wait3A_882 = arith.constant 1 : i32
      %dma_wait3A_883 = arith.constant 13 : i32
      %dma_wait3A_884 = arith.constant 0 : i32
      %dma_wait3A_885 = arith.constant 0 : i32
      %dma_wait3A_886 = tpu.memref_slice %arg8[%dma_wait3A_882, %dma_wait3A_884, %dma_wait3A_885] : memref<4x128x64xf32, #tpu.memory_space<vmem>> -> memref<1x128x64xf32, #tpu.memory_space<vmem>>
      %dma_wait3A_887 = tpu.memref_squeeze %dma_wait3A_886 : memref<1x128x64xf32, #tpu.memory_space<vmem>> -> memref<128x64xf32, #tpu.memory_space<vmem>>
      %dma_wait3A_888 = arith.constant 0 : i32
      %dma_wait3A_889 = tpu.memref_slice %arg7[%rem3A_78, %dma_wait3A_883, %dma_wait3A_888] : memref<2x16x128xi32, #tpu.memory_space<vmem>> -> memref<1x1x128xi32, #tpu.memory_space<vmem>>
      %dma_wait3A_890 = tpu.memref_squeeze %dma_wait3A_889 : memref<1x1x128xi32, #tpu.memory_space<vmem>> -> memref<128xi32, #tpu.memory_space<vmem>>
      %dma_wait3A_891 = arith.constant 0 : i32
      %dma_wait3A_892 = arith.constant 0 : i32
      %dma_wait3A_893 = tpu.memref_slice %arg9[%dma_wait3A_891, %dma_wait3A_892] : memref<16384x64xf32, #tpu.memory_space<vmem_shared>> -> memref<16384x64xf32, #tpu.memory_space<vmem_shared>>
      tpu.wait_indirect_dma semaphore(%arg12 : memref<!tpu.dma_semaphore, #tpu.memory_space<semaphore_mem>>) src(%dma_wait3A_887 : memref<128x64xf32, #tpu.memory_space<vmem>>) dst(%dma_wait3A_893 : memref<16384x64xf32, #tpu.memory_space<vmem_shared>>)
      %lt3A_894 = arith.constant 15 : i32
      %lt3A_895 = arith.cmpi slt, %scan3A_77, %lt3A_894 : i32
      %convert_element_type3A_896 = arith.extui %lt3A_895 : i1 to i32
      %cond3A_897 = arith.constant 1 : i32
      %cond3A_898 = arith.constant 0 : i32
      %cond3A_899 = arith.cmpi ne, %convert_element_type3A_896, %cond3A_898 : i32
      scf.if %cond3A_899 {
        %dma_start3A_957 = arith.constant 1 : i32
        %dma_start3A_958 = arith.constant 0 : i32
        %dma_start3A_959 = arith.constant 0 : i32
        %dma_start3A_960 = tpu.memref_slice %arg8[%cond3A_897, %dma_start3A_958, %dma_start3A_959] : memref<4x128x64xf32, #tpu.memory_space<vmem>> -> memref<1x128x64xf32, #tpu.memory_space<vmem>>
        %dma_start3A_961 = tpu.memref_squeeze %dma_start3A_960 : memref<1x128x64xf32, #tpu.memory_space<vmem>> -> memref<128x64xf32, #tpu.memory_space<vmem>>
        %dma_start3A_962 = arith.constant 0 : i32
        %dma_start3A_963 = tpu.memref_slice %arg6[%sub3A_79, %dma_start3A_957, %dma_start3A_962] : memref<2x16x128xi32, #tpu.memory_space<vmem>> -> memref<1x1x128xi32, #tpu.memory_space<vmem>>
        %dma_start3A_964 = tpu.memref_squeeze %dma_start3A_963 : memref<1x1x128xi32, #tpu.memory_space<vmem>> -> memref<128xi32, #tpu.memory_space<vmem>>
        %dma_start3A_965 = arith.constant 0 : i32
        %dma_start3A_966 = arith.constant 0 : i32
        %dma_start3A_967 = tpu.memref_slice %arg2[%arg0, %dma_start3A_965, %dma_start3A_966] : memref<2x16384x64xf32, #tpu.memory_space<hbm>> -> memref<1x16384x64xf32, #tpu.memory_space<hbm>>
        %dma_start3A_968 = tpu.memref_squeeze %dma_start3A_967 : memref<1x16384x64xf32, #tpu.memory_space<hbm>> -> memref<16384x64xf32, #tpu.memory_space<hbm>>
        %dma_start3A_969 = arith.constant 0 : i32
        %dma_start3A_970 = arith.constant 0 : i32
        %dma_start3A_971 = tpu.memref_slice %dma_start3A_968[%dma_start3A_969, %dma_start3A_970] : memref<16384x64xf32, #tpu.memory_space<hbm>> -> memref<16384x64xf32, #tpu.memory_space<hbm>>
        tpu.enqueue_indirect_dma source(%dma_start3A_971 : memref<16384x64xf32, #tpu.memory_space<hbm>>) target(%dma_start3A_961 : memref<128x64xf32, #tpu.memory_space<vmem>>) offsets(%dma_start3A_964 : memref<128xi32, #tpu.memory_space<vmem>>) semaphore(%arg10 : memref<!tpu.dma_semaphore, #tpu.memory_space<semaphore_mem>>)
      } else {
      }
      %dma_wait3A_900 = arith.constant 15 : i32
      %dma_wait3A_901 = arith.constant 3 : i32
      %dma_wait3A_902 = arith.constant 0 : i32
      %dma_wait3A_903 = arith.constant 0 : i32
      %dma_wait3A_904 = tpu.memref_slice %arg8[%dma_wait3A_901, %dma_wait3A_902, %dma_wait3A_903] : memref<4x128x64xf32, #tpu.memory_space<vmem>> -> memref<1x128x64xf32, #tpu.memory_space<vmem>>
      %dma_wait3A_905 = tpu.memref_squeeze %dma_wait3A_904 : memref<1x128x64xf32, #tpu.memory_space<vmem>> -> memref<128x64xf32, #tpu.memory_space<vmem>>
      %dma_wait3A_906 = arith.constant 0 : i32
      %dma_wait3A_907 = tpu.memref_slice %arg6[%rem3A_78, %dma_wait3A_900, %dma_wait3A_906] : memref<2x16x128xi32, #tpu.memory_space<vmem>> -> memref<1x1x128xi32, #tpu.memory_space<vmem>>
      %dma_wait3A_908 = tpu.memref_squeeze %dma_wait3A_907 : memref<1x1x128xi32, #tpu.memory_space<vmem>> -> memref<128xi32, #tpu.memory_space<vmem>>
      %dma_wait3A_909 = arith.constant 0 : i32
      %dma_wait3A_910 = arith.constant 0 : i32
      %dma_wait3A_911 = tpu.memref_slice %arg2[%arg0, %dma_wait3A_909, %dma_wait3A_910] : memref<2x16384x64xf32, #tpu.memory_space<hbm>> -> memref<1x16384x64xf32, #tpu.memory_space<hbm>>
      %dma_wait3A_912 = tpu.memref_squeeze %dma_wait3A_911 : memref<1x16384x64xf32, #tpu.memory_space<hbm>> -> memref<16384x64xf32, #tpu.memory_space<hbm>>
      %dma_wait3A_913 = arith.constant 0 : i32
      %dma_wait3A_914 = arith.constant 0 : i32
      %dma_wait3A_915 = tpu.memref_slice %dma_wait3A_912[%dma_wait3A_913, %dma_wait3A_914] : memref<16384x64xf32, #tpu.memory_space<hbm>> -> memref<16384x64xf32, #tpu.memory_space<hbm>>
      tpu.wait_indirect_dma semaphore(%arg10 : memref<!tpu.dma_semaphore, #tpu.memory_space<semaphore_mem>>) src(%dma_wait3A_915 : memref<16384x64xf32, #tpu.memory_space<hbm>>) dst(%dma_wait3A_905 : memref<128x64xf32, #tpu.memory_space<vmem>>)
      %dma_start3A_916 = arith.constant 3 : i32
      %dma_start3A_917 = arith.constant 15 : i32
      %dma_start3A_918 = arith.constant 0 : i32
      %dma_start3A_919 = arith.constant 0 : i32
      %dma_start3A_920 = tpu.memref_slice %arg8[%dma_start3A_916, %dma_start3A_918, %dma_start3A_919] : memref<4x128x64xf32, #tpu.memory_space<vmem>> -> memref<1x128x64xf32, #tpu.memory_space<vmem>>
      %dma_start3A_921 = tpu.memref_squeeze %dma_start3A_920 : memref<1x128x64xf32, #tpu.memory_space<vmem>> -> memref<128x64xf32, #tpu.memory_space<vmem>>
      %dma_start3A_922 = arith.constant 0 : i32
      %dma_start3A_923 = tpu.memref_slice %arg7[%rem3A_78, %dma_start3A_917, %dma_start3A_922] : memref<2x16x128xi32, #tpu.memory_space<vmem>> -> memref<1x1x128xi32, #tpu.memory_space<vmem>>
      %dma_start3A_924 = tpu.memref_squeeze %dma_start3A_923 : memref<1x1x128xi32, #tpu.memory_space<vmem>> -> memref<128xi32, #tpu.memory_space<vmem>>
      %dma_start3A_925 = arith.constant 0 : i32
      %dma_start3A_926 = arith.constant 0 : i32
      %dma_start3A_927 = tpu.memref_slice %arg9[%dma_start3A_925, %dma_start3A_926] : memref<16384x64xf32, #tpu.memory_space<vmem_shared>> -> memref<16384x64xf32, #tpu.memory_space<vmem_shared>>
      tpu.enqueue_indirect_dma source(%dma_start3A_921 : memref<128x64xf32, #tpu.memory_space<vmem>>) target(%dma_start3A_927 : memref<16384x64xf32, #tpu.memory_space<vmem_shared>>) offsets(%dma_start3A_924 : memref<128xi32, #tpu.memory_space<vmem>>) semaphore(%arg12 : memref<!tpu.dma_semaphore, #tpu.memory_space<semaphore_mem>>) {add = true}
      %dma_wait3A_928 = arith.constant 2 : i32
      %dma_wait3A_929 = arith.constant 14 : i32
      %dma_wait3A_930 = arith.constant 0 : i32
      %dma_wait3A_931 = arith.constant 0 : i32
      %dma_wait3A_932 = tpu.memref_slice %arg8[%dma_wait3A_928, %dma_wait3A_930, %dma_wait3A_931] : memref<4x128x64xf32, #tpu.memory_space<vmem>> -> memref<1x128x64xf32, #tpu.memory_space<vmem>>
      %dma_wait3A_933 = tpu.memref_squeeze %dma_wait3A_932 : memref<1x128x64xf32, #tpu.memory_space<vmem>> -> memref<128x64xf32, #tpu.memory_space<vmem>>
      %dma_wait3A_934 = arith.constant 0 : i32
      %dma_wait3A_935 = tpu.memref_slice %arg7[%rem3A_78, %dma_wait3A_929, %dma_wait3A_934] : memref<2x16x128xi32, #tpu.memory_space<vmem>> -> memref<1x1x128xi32, #tpu.memory_space<vmem>>
      %dma_wait3A_936 = tpu.memref_squeeze %dma_wait3A_935 : memref<1x1x128xi32, #tpu.memory_space<vmem>> -> memref<128xi32, #tpu.memory_space<vmem>>
      %dma_wait3A_937 = arith.constant 0 : i32
      %dma_wait3A_938 = arith.constant 0 : i32
      %dma_wait3A_939 = tpu.memref_slice %arg9[%dma_wait3A_937, %dma_wait3A_938] : memref<16384x64xf32, #tpu.memory_space<vmem_shared>> -> memref<16384x64xf32, #tpu.memory_space<vmem_shared>>
      tpu.wait_indirect_dma semaphore(%arg12 : memref<!tpu.dma_semaphore, #tpu.memory_space<semaphore_mem>>) src(%dma_wait3A_933 : memref<128x64xf32, #tpu.memory_space<vmem>>) dst(%dma_wait3A_939 : memref<16384x64xf32, #tpu.memory_space<vmem_shared>>)
      %dma_wait3A_940 = arith.constant 3 : i32
      %dma_wait3A_941 = arith.constant 15 : i32
      %dma_wait3A_942 = arith.constant 0 : i32
      %dma_wait3A_943 = arith.constant 0 : i32
      %dma_wait3A_944 = tpu.memref_slice %arg8[%dma_wait3A_940, %dma_wait3A_942, %dma_wait3A_943] : memref<4x128x64xf32, #tpu.memory_space<vmem>> -> memref<1x128x64xf32, #tpu.memory_space<vmem>>
      %dma_wait3A_945 = tpu.memref_squeeze %dma_wait3A_944 : memref<1x128x64xf32, #tpu.memory_space<vmem>> -> memref<128x64xf32, #tpu.memory_space<vmem>>
      %dma_wait3A_946 = arith.constant 0 : i32
      %dma_wait3A_947 = tpu.memref_slice %arg7[%rem3A_78, %dma_wait3A_941, %dma_wait3A_946] : memref<2x16x128xi32, #tpu.memory_space<vmem>> -> memref<1x1x128xi32, #tpu.memory_space<vmem>>
      %dma_wait3A_948 = tpu.memref_squeeze %dma_wait3A_947 : memref<1x1x128xi32, #tpu.memory_space<vmem>> -> memref<128xi32, #tpu.memory_space<vmem>>
      %dma_wait3A_949 = arith.constant 0 : i32
      %dma_wait3A_950 = arith.constant 0 : i32
      %dma_wait3A_951 = tpu.memref_slice %arg9[%dma_wait3A_949, %dma_wait3A_950] : memref<16384x64xf32, #tpu.memory_space<vmem_shared>> -> memref<16384x64xf32, #tpu.memory_space<vmem_shared>>
      tpu.wait_indirect_dma semaphore(%arg12 : memref<!tpu.dma_semaphore, #tpu.memory_space<semaphore_mem>>) src(%dma_wait3A_945 : memref<128x64xf32, #tpu.memory_space<vmem>>) dst(%dma_wait3A_951 : memref<16384x64xf32, #tpu.memory_space<vmem_shared>>)
      %lt3A_952 = arith.constant 14 : i32
      %lt3A_953 = arith.cmpi slt, %scan3A_77, %lt3A_952 : i32
      %convert_element_type3A_954 = arith.extui %lt3A_953 : i1 to i32
      %cond3A_955 = arith.constant 0 : i32
      %cond3A_956 = arith.cmpi ne, %convert_element_type3A_954, %cond3A_955 : i32
      scf.if %cond3A_956 {
        %add3A_957 = arith.constant 2 : i32
        %add3A_958 = arith.addi %scan3A_77, %add3A_957 : i32
        %mul3A_959 = arith.constant 16 : i32
        %mul3A_960 = arith.muli %add3A_958, %mul3A_959 : i32
        %add3A_961 = arith.addi %mul3A_0, %mul3A_960 : i32
        %dma_start3A_962 = arith.constant 0 : i32
        %dma_start3A_963 = arith.constant 0 : i32
        %dma_start3A_964 = tpu.memref_slice %arg6[%rem3A_78, %dma_start3A_962, %dma_start3A_963] : memref<2x16x128xi32, #tpu.memory_space<vmem>> -> memref<1x16x128xi32, #tpu.memory_space<vmem>>
        %dma_start3A_965 = tpu.memref_squeeze %dma_start3A_964 : memref<1x16x128xi32, #tpu.memory_space<vmem>> -> memref<16x128xi32, #tpu.memory_space<vmem>>
        %dma_start3A_966 = arith.constant 0 : i32
        %dma_start3A_967 = tpu.memref_slice %arg3[%add3A_961, %dma_start3A_966] : memref<4096x128xi32, #tpu.memory_space<hbm>> -> memref<16x128xi32, #tpu.memory_space<hbm>>
        %dma_start3A_968 = arith.constant 0 : i32
        %dma_start3A_969 = arith.constant 0 : i32
        %dma_start3A_970 = tpu.memref_slice %arg6[%rem3A_78, %dma_start3A_968, %dma_start3A_969] : memref<2x16x128xi32, #tpu.memory_space<vmem>> -> memref<1x16x128xi32, #tpu.memory_space<vmem>>
        %dma_start3A_971 = tpu.memref_squeeze %dma_start3A_970 : memref<1x16x128xi32, #tpu.memory_space<vmem>> -> memref<16x128xi32, #tpu.memory_space<vmem>>
        %dma_start3A_972 = arith.constant 0 : i32
        %dma_start3A_973 = tpu.memref_slice %arg3[%add3A_961, %dma_start3A_972] : memref<4096x128xi32, #tpu.memory_space<hbm>> -> memref<16x128xi32, #tpu.memory_space<hbm>>
        tpu.enqueue_dma source(%dma_start3A_973 : memref<16x128xi32, #tpu.memory_space<hbm>>) target(%dma_start3A_971 : memref<16x128xi32, #tpu.memory_space<vmem>>) target_semaphore(%arg11 : memref<!tpu.dma_semaphore, #tpu.memory_space<semaphore_mem>>)
        %dma_start3A_974 = arith.constant 0 : i32
        %dma_start3A_975 = arith.constant 0 : i32
        %dma_start3A_976 = tpu.memref_slice %arg7[%rem3A_78, %dma_start3A_974, %dma_start3A_975] : memref<2x16x128xi32, #tpu.memory_space<vmem>> -> memref<1x16x128xi32, #tpu.memory_space<vmem>>
        %dma_start3A_977 = tpu.memref_squeeze %dma_start3A_976 : memref<1x16x128xi32, #tpu.memory_space<vmem>> -> memref<16x128xi32, #tpu.memory_space<vmem>>
        %dma_start3A_978 = arith.constant 0 : i32
        %dma_start3A_979 = tpu.memref_slice %arg4[%add3A_961, %dma_start3A_978] : memref<4096x128xi32, #tpu.memory_space<hbm>> -> memref<16x128xi32, #tpu.memory_space<hbm>>
        %dma_start3A_980 = arith.constant 0 : i32
        %dma_start3A_981 = arith.constant 0 : i32
        %dma_start3A_982 = tpu.memref_slice %arg7[%rem3A_78, %dma_start3A_980, %dma_start3A_981] : memref<2x16x128xi32, #tpu.memory_space<vmem>> -> memref<1x16x128xi32, #tpu.memory_space<vmem>>
        %dma_start3A_983 = tpu.memref_squeeze %dma_start3A_982 : memref<1x16x128xi32, #tpu.memory_space<vmem>> -> memref<16x128xi32, #tpu.memory_space<vmem>>
        %dma_start3A_984 = arith.constant 0 : i32
        %dma_start3A_985 = tpu.memref_slice %arg4[%add3A_961, %dma_start3A_984] : memref<4096x128xi32, #tpu.memory_space<hbm>> -> memref<16x128xi32, #tpu.memory_space<hbm>>
        tpu.enqueue_dma source(%dma_start3A_985 : memref<16x128xi32, #tpu.memory_space<hbm>>) target(%dma_start3A_983 : memref<16x128xi32, #tpu.memory_space<vmem>>) target_semaphore(%arg11 : memref<!tpu.dma_semaphore, #tpu.memory_space<semaphore_mem>>)
      } else {
      }
    }
    %scan3A_71 = arith.constant 16 : i32
    %barrier3A_72 = arith.constant 0 : index
    tpu.barrier barrier_id(%barrier3A_72)
    %mul3A_73 = arith.constant 1024 : i32
    %mul3A_74 = arith.muli %arg1, %mul3A_73 : i32
    %mul3A_75 = arith.constant 1024 : i32
    %mul3A_76 = arith.muli %arg1, %mul3A_75 : i32
    "tpu.region"() ({
      %run_scoped3A_77 = tpu.sem_alloc : memref<!tpu.dma_semaphore, #tpu.memory_space<semaphore_mem>>
      %dma_start3A_78 = arith.constant 0 : i32
      %dma_start3A_79 = tpu.memref_slice %arg5[%arg0, %mul3A_76, %dma_start3A_78] : memref<2x16384x64xf32, #tpu.memory_space<hbm>> -> memref<1x1024x64xf32, #tpu.memory_space<hbm>>
      %dma_start3A_80 = tpu.memref_squeeze %dma_start3A_79 : memref<1x1024x64xf32, #tpu.memory_space<hbm>> -> memref<1024x64xf32, #tpu.memory_space<hbm>>
      %dma_start3A_81 = arith.constant 0 : i32
      %dma_start3A_82 = tpu.memref_slice %arg9[%mul3A_74, %dma_start3A_81] : memref<16384x64xf32, #tpu.memory_space<vmem_shared>> -> memref<1024x64xf32, #tpu.memory_space<vmem_shared>>
      tpu.enqueue_dma source(%dma_start3A_82 : memref<1024x64xf32, #tpu.memory_space<vmem_shared>>) target(%dma_start3A_80 : memref<1024x64xf32, #tpu.memory_space<hbm>>) target_semaphore(%run_scoped3A_77 : memref<!tpu.dma_semaphore, #tpu.memory_space<semaphore_mem>>)
      %dma_wait3A = arith.constant 0 : i32
      %dma_wait3A_83 = tpu.memref_slice %arg5[%arg0, %mul3A_76, %dma_wait3A] : memref<2x16384x64xf32, #tpu.memory_space<hbm>> -> memref<1x1024x64xf32, #tpu.memory_space<hbm>>
      %dma_wait3A_84 = tpu.memref_squeeze %dma_wait3A_83 : memref<1x1024x64xf32, #tpu.memory_space<hbm>> -> memref<1024x64xf32, #tpu.memory_space<hbm>>
      %dma_wait3A_85 = arith.constant 0 : i32
      %dma_wait3A_86 = tpu.memref_slice %arg9[%mul3A_74, %dma_wait3A_85] : memref<16384x64xf32, #tpu.memory_space<vmem_shared>> -> memref<1024x64xf32, #tpu.memory_space<vmem_shared>>
      tpu.wait_dma2 semaphore(%run_scoped3A_77 : memref<!tpu.dma_semaphore, #tpu.memory_space<semaphore_mem>>) src(%dma_wait3A_86 : memref<1024x64xf32, #tpu.memory_space<vmem_shared>>) dst(%dma_wait3A_84 : memref<1024x64xf32, #tpu.memory_space<hbm>>)
      tpu.yield
    }) : () -> ()
    return
  }
}

#map = affine_map<(d0, d1) -> (0, 0)>
#map1 = affine_map<(d0, d1) -> (0)>
module attributes {stable_mosaic.version = 14 : i64} {
  func.func @k(%arg0: i32, %arg1: i32, %arg2: memref<4096x128xi32, #tpu.memory_space<hbm>>, %arg3: memref<16384xf32, #tpu.memory_space<hbm>>, %arg4: memref<32x16384xf32, #tpu.memory_space<hbm>>, %arg5: memref<32x128xi32, #tpu.memory_space<vmem>>, %arg6: memref<16384xf32, #tpu.memory_space<vmem>>) attributes {dimension_semantics = [#tpu.dimension_semantics<core_parallel>, #tpu.dimension_semantics<subcore_parallel>], iteration_bounds = array<i64: 2, 16>, scalar_prefetch = 0 : i64, scratch_operands = 2 : i64, tpu.core_type = #tpu.core_type<sc_vector_subcore>, window_params = [{transform_indices = #map}, {transform_indices = #map1}, {transform_indices = #map}]} {
    %mul3A = arith.constant 16 : i32
    %mul3A_0 = arith.muli %arg0, %mul3A : i32
    %add3A = arith.addi %mul3A_0, %arg1 : i32
    %mul3A_1 = arith.constant 128 : i32
    %mul3A_2 = arith.muli %add3A, %mul3A_1 : i32
    "tpu.region"() ({
      %run_scoped3A = tpu.sem_alloc : memref<!tpu.dma_semaphore, #tpu.memory_space<semaphore_mem>>
      tpu.enqueue_dma source(%arg3 : memref<16384xf32, #tpu.memory_space<hbm>>) target(%arg6 : memref<16384xf32, #tpu.memory_space<vmem>>) target_semaphore(%run_scoped3A : memref<!tpu.dma_semaphore, #tpu.memory_space<semaphore_mem>>)
      tpu.wait_dma2 semaphore(%run_scoped3A : memref<!tpu.dma_semaphore, #tpu.memory_space<semaphore_mem>>) src(%arg3 : memref<16384xf32, #tpu.memory_space<hbm>>) dst(%arg6 : memref<16384xf32, #tpu.memory_space<vmem>>)
      tpu.yield
    }) : () -> ()
    %broadcast_in_dim3A = arith.constant 1.000000e+00 : f32
    %broadcast_in_dim3A_3 = vector.broadcast %broadcast_in_dim3A : f32 to vector<16xf32>
    %add3A_4 = arith.constant 0 : i32
    %add3A_5 = arith.addi %mul3A_2, %add3A_4 : i32
    "tpu.region"() ({
      %run_scoped3A = tpu.sem_alloc : memref<!tpu.dma_semaphore, #tpu.memory_space<semaphore_mem>>
      %dma_start3A = arith.constant 0 : i32
      %dma_start3A_34 = tpu.memref_slice %arg2[%add3A_5, %dma_start3A] : memref<4096x128xi32, #tpu.memory_space<hbm>> -> memref<32x128xi32, #tpu.memory_space<hbm>>
      %dma_start3A_35 = arith.constant 0 : i32
      %dma_start3A_36 = tpu.memref_slice %arg2[%add3A_5, %dma_start3A_35] : memref<4096x128xi32, #tpu.memory_space<hbm>> -> memref<32x128xi32, #tpu.memory_space<hbm>>
      tpu.enqueue_dma source(%dma_start3A_36 : memref<32x128xi32, #tpu.memory_space<hbm>>) target(%arg5 : memref<32x128xi32, #tpu.memory_space<vmem>>) target_semaphore(%run_scoped3A : memref<!tpu.dma_semaphore, #tpu.memory_space<semaphore_mem>>)
      %dma_wait3A = arith.constant 0 : i32
      %dma_wait3A_37 = tpu.memref_slice %arg2[%add3A_5, %dma_wait3A] : memref<4096x128xi32, #tpu.memory_space<hbm>> -> memref<32x128xi32, #tpu.memory_space<hbm>>
      %dma_wait3A_38 = arith.constant 0 : i32
      %dma_wait3A_39 = tpu.memref_slice %arg2[%add3A_5, %dma_wait3A_38] : memref<4096x128xi32, #tpu.memory_space<hbm>> -> memref<32x128xi32, #tpu.memory_space<hbm>>
      tpu.wait_dma2 semaphore(%run_scoped3A : memref<!tpu.dma_semaphore, #tpu.memory_space<semaphore_mem>>) src(%dma_wait3A_39 : memref<32x128xi32, #tpu.memory_space<hbm>>) dst(%arg5 : memref<32x128xi32, #tpu.memory_space<vmem>>)
      tpu.yield
    }) : () -> ()
    %scan3A = arith.constant 0 : i32
    %scan3A_6 = arith.constant 256 : i32
    %scan3A_7 = arith.addi %scan3A, %scan3A_6 : i32
    %scan3A_8 = arith.constant 1 : i32
    scf.for %scan3A_34 = %scan3A to %scan3A_7 step %scan3A_8  : i32 {
      %jit3A = arith.constant 8 : i32
      %div3A = arith.divsi %scan3A_34, %jit3A : i32
      %sign3A = arith.constant 0 : i32
      %sign3A_35 = arith.cmpi sgt, %scan3A_34, %sign3A : i32
      %sign3A_36 = arith.extui %sign3A_35 : i1 to i32
      %sign3A_37 = arith.constant 0 : i32
      %sign3A_38 = arith.cmpi slt, %scan3A_34, %sign3A_37 : i32
      %sign3A_39 = arith.extui %sign3A_38 : i1 to i32
      %sign3A_40 = arith.subi %sign3A_36, %sign3A_39 : i32
      %sign3A_41 = arith.constant 0 : i32
      %sign3A_42 = arith.cmpi sgt, %jit3A, %sign3A_41 : i32
      %sign3A_43 = arith.extui %sign3A_42 : i1 to i32
      %sign3A_44 = arith.constant 0 : i32
      %sign3A_45 = arith.cmpi slt, %jit3A, %sign3A_44 : i32
      %sign3A_46 = arith.extui %sign3A_45 : i1 to i32
      %sign3A_47 = arith.subi %sign3A_43, %sign3A_46 : i32
      %ne3A = arith.cmpi ne, %sign3A_40, %sign3A_47 : i32
      %rem3A = arith.remsi %scan3A_34, %jit3A : i32
      %ne3A_48 = arith.constant 0 : i32
      %ne3A_49 = arith.cmpi ne, %rem3A, %ne3A_48 : i32
      %and3A = arith.andi %ne3A, %ne3A_49 : i1
      %sub3A = arith.constant 1 : i32
      %sub3A_50 = arith.subi %div3A, %sub3A : i32
      %select_n3A = arith.select %and3A, %sub3A_50, %div3A : i32
      %jit3A_51 = arith.constant 8 : i32
      %eq3A = arith.constant 0 : i32
      %eq3A_52 = arith.cmpi eq, %jit3A_51, %eq3A : i32
      %jit3A_53 = arith.constant 1 : i32
      %select_n3A_54 = arith.select %eq3A_52, %jit3A_53, %jit3A_51 : i32
      %rem3A_55 = arith.remsi %scan3A_34, %select_n3A_54 : i32
      %ne3A_56 = arith.constant 0 : i32
      %ne3A_57 = arith.cmpi ne, %rem3A_55, %ne3A_56 : i32
      %lt3A = arith.constant 0 : i32
      %lt3A_58 = arith.cmpi slt, %rem3A_55, %lt3A : i32
      %lt3A_59 = arith.constant 0 : i32
      %lt3A_60 = arith.cmpi slt, %select_n3A_54, %lt3A_59 : i32
      %ne3A_61 = arith.xori %lt3A_58, %lt3A_60 : i1
      %and3A_62 = arith.andi %ne3A_61, %ne3A_57 : i1
      %add3A_63 = arith.addi %rem3A_55, %select_n3A_54 : i32
      %select_n3A_64 = arith.select %and3A_62, %add3A_63, %rem3A_55 : i32
      %mul3A_65 = arith.constant 16 : i32
      %mul3A_66 = arith.muli %select_n3A_64, %mul3A_65 : i32
      %get3A = arith.index_cast %select_n3A : i32 to index
      %get3A_67 = arith.index_cast %mul3A_66 : i32 to index
      %get3A_68 = tpu.vector_load %arg5[%get3A, %get3A_67] {strides = array<i32>} : memref<32x128xi32, #tpu.memory_space<vmem>>, vector<16xi32>,
      tpu.vector_store_idx %arg6[%get3A_68], %broadcast_in_dim3A_3 {add = true} : memref<16384xf32, #tpu.memory_space<vmem>>[vector<16xi32>], vector<16xf32>,
    }
    %scan3A_9 = arith.constant 256 : i32
    %add3A_10 = arith.constant 32 : i32
    %add3A_11 = arith.addi %mul3A_2, %add3A_10 : i32
    "tpu.region"() ({
      %run_scoped3A = tpu.sem_alloc : memref<!tpu.dma_semaphore, #tpu.memory_space<semaphore_mem>>
      %dma_start3A = arith.constant 0 : i32
      %dma_start3A_34 = tpu.memref_slice %arg2[%add3A_11, %dma_start3A] : memref<4096x128xi32, #tpu.memory_space<hbm>> -> memref<32x128xi32, #tpu.memory_space<hbm>>
      %dma_start3A_35 = arith.constant 0 : i32
      %dma_start3A_36 = tpu.memref_slice %arg2[%add3A_11, %dma_start3A_35] : memref<4096x128xi32, #tpu.memory_space<hbm>> -> memref<32x128xi32, #tpu.memory_space<hbm>>
      tpu.enqueue_dma source(%dma_start3A_36 : memref<32x128xi32, #tpu.memory_space<hbm>>) target(%arg5 : memref<32x128xi32, #tpu.memory_space<vmem>>) target_semaphore(%run_scoped3A : memref<!tpu.dma_semaphore, #tpu.memory_space<semaphore_mem>>)
      %dma_wait3A = arith.constant 0 : i32
      %dma_wait3A_37 = tpu.memref_slice %arg2[%add3A_11, %dma_wait3A] : memref<4096x128xi32, #tpu.memory_space<hbm>> -> memref<32x128xi32, #tpu.memory_space<hbm>>
      %dma_wait3A_38 = arith.constant 0 : i32
      %dma_wait3A_39 = tpu.memref_slice %arg2[%add3A_11, %dma_wait3A_38] : memref<4096x128xi32, #tpu.memory_space<hbm>> -> memref<32x128xi32, #tpu.memory_space<hbm>>
      tpu.wait_dma2 semaphore(%run_scoped3A : memref<!tpu.dma_semaphore, #tpu.memory_space<semaphore_mem>>) src(%dma_wait3A_39 : memref<32x128xi32, #tpu.memory_space<hbm>>) dst(%arg5 : memref<32x128xi32, #tpu.memory_space<vmem>>)
      tpu.yield
    }) : () -> ()
    %scan3A_12 = arith.constant 0 : i32
    %scan3A_13 = arith.constant 256 : i32
    %scan3A_14 = arith.addi %scan3A_12, %scan3A_13 : i32
    %scan3A_15 = arith.constant 1 : i32
    scf.for %scan3A_34 = %scan3A_12 to %scan3A_14 step %scan3A_15  : i32 {
      %jit3A = arith.constant 8 : i32
      %div3A = arith.divsi %scan3A_34, %jit3A : i32
      %sign3A = arith.constant 0 : i32
      %sign3A_35 = arith.cmpi sgt, %scan3A_34, %sign3A : i32
      %sign3A_36 = arith.extui %sign3A_35 : i1 to i32
      %sign3A_37 = arith.constant 0 : i32
      %sign3A_38 = arith.cmpi slt, %scan3A_34, %sign3A_37 : i32
      %sign3A_39 = arith.extui %sign3A_38 : i1 to i32
      %sign3A_40 = arith.subi %sign3A_36, %sign3A_39 : i32
      %sign3A_41 = arith.constant 0 : i32
      %sign3A_42 = arith.cmpi sgt, %jit3A, %sign3A_41 : i32
      %sign3A_43 = arith.extui %sign3A_42 : i1 to i32
      %sign3A_44 = arith.constant 0 : i32
      %sign3A_45 = arith.cmpi slt, %jit3A, %sign3A_44 : i32
      %sign3A_46 = arith.extui %sign3A_45 : i1 to i32
      %sign3A_47 = arith.subi %sign3A_43, %sign3A_46 : i32
      %ne3A = arith.cmpi ne, %sign3A_40, %sign3A_47 : i32
      %rem3A = arith.remsi %scan3A_34, %jit3A : i32
      %ne3A_48 = arith.constant 0 : i32
      %ne3A_49 = arith.cmpi ne, %rem3A, %ne3A_48 : i32
      %and3A = arith.andi %ne3A, %ne3A_49 : i1
      %sub3A = arith.constant 1 : i32
      %sub3A_50 = arith.subi %div3A, %sub3A : i32
      %select_n3A = arith.select %and3A, %sub3A_50, %div3A : i32
      %jit3A_51 = arith.constant 8 : i32
      %eq3A = arith.constant 0 : i32
      %eq3A_52 = arith.cmpi eq, %jit3A_51, %eq3A : i32
      %jit3A_53 = arith.constant 1 : i32
      %select_n3A_54 = arith.select %eq3A_52, %jit3A_53, %jit3A_51 : i32
      %rem3A_55 = arith.remsi %scan3A_34, %select_n3A_54 : i32
      %ne3A_56 = arith.constant 0 : i32
      %ne3A_57 = arith.cmpi ne, %rem3A_55, %ne3A_56 : i32
      %lt3A = arith.constant 0 : i32
      %lt3A_58 = arith.cmpi slt, %rem3A_55, %lt3A : i32
      %lt3A_59 = arith.constant 0 : i32
      %lt3A_60 = arith.cmpi slt, %select_n3A_54, %lt3A_59 : i32
      %ne3A_61 = arith.xori %lt3A_58, %lt3A_60 : i1
      %and3A_62 = arith.andi %ne3A_61, %ne3A_57 : i1
      %add3A_63 = arith.addi %rem3A_55, %select_n3A_54 : i32
      %select_n3A_64 = arith.select %and3A_62, %add3A_63, %rem3A_55 : i32
      %mul3A_65 = arith.constant 16 : i32
      %mul3A_66 = arith.muli %select_n3A_64, %mul3A_65 : i32
      %get3A = arith.index_cast %select_n3A : i32 to index
      %get3A_67 = arith.index_cast %mul3A_66 : i32 to index
      %get3A_68 = tpu.vector_load %arg5[%get3A, %get3A_67] {strides = array<i32>} : memref<32x128xi32, #tpu.memory_space<vmem>>, vector<16xi32>,
      tpu.vector_store_idx %arg6[%get3A_68], %broadcast_in_dim3A_3 {add = true} : memref<16384xf32, #tpu.memory_space<vmem>>[vector<16xi32>], vector<16xf32>,
    }
    %scan3A_16 = arith.constant 256 : i32
    %add3A_17 = arith.constant 64 : i32
    %add3A_18 = arith.addi %mul3A_2, %add3A_17 : i32
    "tpu.region"() ({
      %run_scoped3A = tpu.sem_alloc : memref<!tpu.dma_semaphore, #tpu.memory_space<semaphore_mem>>
      %dma_start3A = arith.constant 0 : i32
      %dma_start3A_34 = tpu.memref_slice %arg2[%add3A_18, %dma_start3A] : memref<4096x128xi32, #tpu.memory_space<hbm>> -> memref<32x128xi32, #tpu.memory_space<hbm>>
      %dma_start3A_35 = arith.constant 0 : i32
      %dma_start3A_36 = tpu.memref_slice %arg2[%add3A_18, %dma_start3A_35] : memref<4096x128xi32, #tpu.memory_space<hbm>> -> memref<32x128xi32, #tpu.memory_space<hbm>>
      tpu.enqueue_dma source(%dma_start3A_36 : memref<32x128xi32, #tpu.memory_space<hbm>>) target(%arg5 : memref<32x128xi32, #tpu.memory_space<vmem>>) target_semaphore(%run_scoped3A : memref<!tpu.dma_semaphore, #tpu.memory_space<semaphore_mem>>)
      %dma_wait3A = arith.constant 0 : i32
      %dma_wait3A_37 = tpu.memref_slice %arg2[%add3A_18, %dma_wait3A] : memref<4096x128xi32, #tpu.memory_space<hbm>> -> memref<32x128xi32, #tpu.memory_space<hbm>>
      %dma_wait3A_38 = arith.constant 0 : i32
      %dma_wait3A_39 = tpu.memref_slice %arg2[%add3A_18, %dma_wait3A_38] : memref<4096x128xi32, #tpu.memory_space<hbm>> -> memref<32x128xi32, #tpu.memory_space<hbm>>
      tpu.wait_dma2 semaphore(%run_scoped3A : memref<!tpu.dma_semaphore, #tpu.memory_space<semaphore_mem>>) src(%dma_wait3A_39 : memref<32x128xi32, #tpu.memory_space<hbm>>) dst(%arg5 : memref<32x128xi32, #tpu.memory_space<vmem>>)
      tpu.yield
    }) : () -> ()
    %scan3A_19 = arith.constant 0 : i32
    %scan3A_20 = arith.constant 256 : i32
    %scan3A_21 = arith.addi %scan3A_19, %scan3A_20 : i32
    %scan3A_22 = arith.constant 1 : i32
    scf.for %scan3A_34 = %scan3A_19 to %scan3A_21 step %scan3A_22  : i32 {
      %jit3A = arith.constant 8 : i32
      %div3A = arith.divsi %scan3A_34, %jit3A : i32
      %sign3A = arith.constant 0 : i32
      %sign3A_35 = arith.cmpi sgt, %scan3A_34, %sign3A : i32
      %sign3A_36 = arith.extui %sign3A_35 : i1 to i32
      %sign3A_37 = arith.constant 0 : i32
      %sign3A_38 = arith.cmpi slt, %scan3A_34, %sign3A_37 : i32
      %sign3A_39 = arith.extui %sign3A_38 : i1 to i32
      %sign3A_40 = arith.subi %sign3A_36, %sign3A_39 : i32
      %sign3A_41 = arith.constant 0 : i32
      %sign3A_42 = arith.cmpi sgt, %jit3A, %sign3A_41 : i32
      %sign3A_43 = arith.extui %sign3A_42 : i1 to i32
      %sign3A_44 = arith.constant 0 : i32
      %sign3A_45 = arith.cmpi slt, %jit3A, %sign3A_44 : i32
      %sign3A_46 = arith.extui %sign3A_45 : i1 to i32
      %sign3A_47 = arith.subi %sign3A_43, %sign3A_46 : i32
      %ne3A = arith.cmpi ne, %sign3A_40, %sign3A_47 : i32
      %rem3A = arith.remsi %scan3A_34, %jit3A : i32
      %ne3A_48 = arith.constant 0 : i32
      %ne3A_49 = arith.cmpi ne, %rem3A, %ne3A_48 : i32
      %and3A = arith.andi %ne3A, %ne3A_49 : i1
      %sub3A = arith.constant 1 : i32
      %sub3A_50 = arith.subi %div3A, %sub3A : i32
      %select_n3A = arith.select %and3A, %sub3A_50, %div3A : i32
      %jit3A_51 = arith.constant 8 : i32
      %eq3A = arith.constant 0 : i32
      %eq3A_52 = arith.cmpi eq, %jit3A_51, %eq3A : i32
      %jit3A_53 = arith.constant 1 : i32
      %select_n3A_54 = arith.select %eq3A_52, %jit3A_53, %jit3A_51 : i32
      %rem3A_55 = arith.remsi %scan3A_34, %select_n3A_54 : i32
      %ne3A_56 = arith.constant 0 : i32
      %ne3A_57 = arith.cmpi ne, %rem3A_55, %ne3A_56 : i32
      %lt3A = arith.constant 0 : i32
      %lt3A_58 = arith.cmpi slt, %rem3A_55, %lt3A : i32
      %lt3A_59 = arith.constant 0 : i32
      %lt3A_60 = arith.cmpi slt, %select_n3A_54, %lt3A_59 : i32
      %ne3A_61 = arith.xori %lt3A_58, %lt3A_60 : i1
      %and3A_62 = arith.andi %ne3A_61, %ne3A_57 : i1
      %add3A_63 = arith.addi %rem3A_55, %select_n3A_54 : i32
      %select_n3A_64 = arith.select %and3A_62, %add3A_63, %rem3A_55 : i32
      %mul3A_65 = arith.constant 16 : i32
      %mul3A_66 = arith.muli %select_n3A_64, %mul3A_65 : i32
      %get3A = arith.index_cast %select_n3A : i32 to index
      %get3A_67 = arith.index_cast %mul3A_66 : i32 to index
      %get3A_68 = tpu.vector_load %arg5[%get3A, %get3A_67] {strides = array<i32>} : memref<32x128xi32, #tpu.memory_space<vmem>>, vector<16xi32>,
      tpu.vector_store_idx %arg6[%get3A_68], %broadcast_in_dim3A_3 {add = true} : memref<16384xf32, #tpu.memory_space<vmem>>[vector<16xi32>], vector<16xf32>,
    }
    %scan3A_23 = arith.constant 256 : i32
    %add3A_24 = arith.constant 96 : i32
    %add3A_25 = arith.addi %mul3A_2, %add3A_24 : i32
    "tpu.region"() ({
      %run_scoped3A = tpu.sem_alloc : memref<!tpu.dma_semaphore, #tpu.memory_space<semaphore_mem>>
      %dma_start3A = arith.constant 0 : i32
      %dma_start3A_34 = tpu.memref_slice %arg2[%add3A_25, %dma_start3A] : memref<4096x128xi32, #tpu.memory_space<hbm>> -> memref<32x128xi32, #tpu.memory_space<hbm>>
      %dma_start3A_35 = arith.constant 0 : i32
      %dma_start3A_36 = tpu.memref_slice %arg2[%add3A_25, %dma_start3A_35] : memref<4096x128xi32, #tpu.memory_space<hbm>> -> memref<32x128xi32, #tpu.memory_space<hbm>>
      tpu.enqueue_dma source(%dma_start3A_36 : memref<32x128xi32, #tpu.memory_space<hbm>>) target(%arg5 : memref<32x128xi32, #tpu.memory_space<vmem>>) target_semaphore(%run_scoped3A : memref<!tpu.dma_semaphore, #tpu.memory_space<semaphore_mem>>)
      %dma_wait3A = arith.constant 0 : i32
      %dma_wait3A_37 = tpu.memref_slice %arg2[%add3A_25, %dma_wait3A] : memref<4096x128xi32, #tpu.memory_space<hbm>> -> memref<32x128xi32, #tpu.memory_space<hbm>>
      %dma_wait3A_38 = arith.constant 0 : i32
      %dma_wait3A_39 = tpu.memref_slice %arg2[%add3A_25, %dma_wait3A_38] : memref<4096x128xi32, #tpu.memory_space<hbm>> -> memref<32x128xi32, #tpu.memory_space<hbm>>
      tpu.wait_dma2 semaphore(%run_scoped3A : memref<!tpu.dma_semaphore, #tpu.memory_space<semaphore_mem>>) src(%dma_wait3A_39 : memref<32x128xi32, #tpu.memory_space<hbm>>) dst(%arg5 : memref<32x128xi32, #tpu.memory_space<vmem>>)
      tpu.yield
    }) : () -> ()
    %scan3A_26 = arith.constant 0 : i32
    %scan3A_27 = arith.constant 256 : i32
    %scan3A_28 = arith.addi %scan3A_26, %scan3A_27 : i32
    %scan3A_29 = arith.constant 1 : i32
    scf.for %scan3A_34 = %scan3A_26 to %scan3A_28 step %scan3A_29  : i32 {
      %jit3A = arith.constant 8 : i32
      %div3A = arith.divsi %scan3A_34, %jit3A : i32
      %sign3A = arith.constant 0 : i32
      %sign3A_35 = arith.cmpi sgt, %scan3A_34, %sign3A : i32
      %sign3A_36 = arith.extui %sign3A_35 : i1 to i32
      %sign3A_37 = arith.constant 0 : i32
      %sign3A_38 = arith.cmpi slt, %scan3A_34, %sign3A_37 : i32
      %sign3A_39 = arith.extui %sign3A_38 : i1 to i32
      %sign3A_40 = arith.subi %sign3A_36, %sign3A_39 : i32
      %sign3A_41 = arith.constant 0 : i32
      %sign3A_42 = arith.cmpi sgt, %jit3A, %sign3A_41 : i32
      %sign3A_43 = arith.extui %sign3A_42 : i1 to i32
      %sign3A_44 = arith.constant 0 : i32
      %sign3A_45 = arith.cmpi slt, %jit3A, %sign3A_44 : i32
      %sign3A_46 = arith.extui %sign3A_45 : i1 to i32
      %sign3A_47 = arith.subi %sign3A_43, %sign3A_46 : i32
      %ne3A = arith.cmpi ne, %sign3A_40, %sign3A_47 : i32
      %rem3A = arith.remsi %scan3A_34, %jit3A : i32
      %ne3A_48 = arith.constant 0 : i32
      %ne3A_49 = arith.cmpi ne, %rem3A, %ne3A_48 : i32
      %and3A = arith.andi %ne3A, %ne3A_49 : i1
      %sub3A = arith.constant 1 : i32
      %sub3A_50 = arith.subi %div3A, %sub3A : i32
      %select_n3A = arith.select %and3A, %sub3A_50, %div3A : i32
      %jit3A_51 = arith.constant 8 : i32
      %eq3A = arith.constant 0 : i32
      %eq3A_52 = arith.cmpi eq, %jit3A_51, %eq3A : i32
      %jit3A_53 = arith.constant 1 : i32
      %select_n3A_54 = arith.select %eq3A_52, %jit3A_53, %jit3A_51 : i32
      %rem3A_55 = arith.remsi %scan3A_34, %select_n3A_54 : i32
      %ne3A_56 = arith.constant 0 : i32
      %ne3A_57 = arith.cmpi ne, %rem3A_55, %ne3A_56 : i32
      %lt3A = arith.constant 0 : i32
      %lt3A_58 = arith.cmpi slt, %rem3A_55, %lt3A : i32
      %lt3A_59 = arith.constant 0 : i32
      %lt3A_60 = arith.cmpi slt, %select_n3A_54, %lt3A_59 : i32
      %ne3A_61 = arith.xori %lt3A_58, %lt3A_60 : i1
      %and3A_62 = arith.andi %ne3A_61, %ne3A_57 : i1
      %add3A_63 = arith.addi %rem3A_55, %select_n3A_54 : i32
      %select_n3A_64 = arith.select %and3A_62, %add3A_63, %rem3A_55 : i32
      %mul3A_65 = arith.constant 16 : i32
      %mul3A_66 = arith.muli %select_n3A_64, %mul3A_65 : i32
      %get3A = arith.index_cast %select_n3A : i32 to index
      %get3A_67 = arith.index_cast %mul3A_66 : i32 to index
      %get3A_68 = tpu.vector_load %arg5[%get3A, %get3A_67] {strides = array<i32>} : memref<32x128xi32, #tpu.memory_space<vmem>>, vector<16xi32>,
      tpu.vector_store_idx %arg6[%get3A_68], %broadcast_in_dim3A_3 {add = true} : memref<16384xf32, #tpu.memory_space<vmem>>[vector<16xi32>], vector<16xf32>,
    }
    %scan3A_30 = arith.constant 256 : i32
    %mul3A_31 = arith.constant 16 : i32
    %mul3A_32 = arith.muli %arg0, %mul3A_31 : i32
    %add3A_33 = arith.addi %mul3A_32, %arg1 : i32
    "tpu.region"() ({
      %run_scoped3A = tpu.sem_alloc : memref<!tpu.dma_semaphore, #tpu.memory_space<semaphore_mem>>
      %dma_start3A = arith.constant 0 : i32
      %dma_start3A_34 = tpu.memref_slice %arg4[%add3A_33, %dma_start3A] : memref<32x16384xf32, #tpu.memory_space<hbm>> -> memref<1x16384xf32, #tpu.memory_space<hbm>>
      %dma_start3A_35 = tpu.memref_squeeze %dma_start3A_34 : memref<1x16384xf32, #tpu.memory_space<hbm>> -> memref<16384xf32, #tpu.memory_space<hbm>>
      %dma_start3A_36 = arith.constant 0 : i32
      %dma_start3A_37 = tpu.memref_slice %arg4[%add3A_33, %dma_start3A_36] : memref<32x16384xf32, #tpu.memory_space<hbm>> -> memref<1x16384xf32, #tpu.memory_space<hbm>>
      %dma_start3A_38 = tpu.memref_squeeze %dma_start3A_37 : memref<1x16384xf32, #tpu.memory_space<hbm>> -> memref<16384xf32, #tpu.memory_space<hbm>>
      tpu.enqueue_dma source(%arg6 : memref<16384xf32, #tpu.memory_space<vmem>>) target(%dma_start3A_38 : memref<16384xf32, #tpu.memory_space<hbm>>) target_semaphore(%run_scoped3A : memref<!tpu.dma_semaphore, #tpu.memory_space<semaphore_mem>>)
      %dma_wait3A = arith.constant 0 : i32
      %dma_wait3A_39 = tpu.memref_slice %arg4[%add3A_33, %dma_wait3A] : memref<32x16384xf32, #tpu.memory_space<hbm>> -> memref<1x16384xf32, #tpu.memory_space<hbm>>
      %dma_wait3A_40 = tpu.memref_squeeze %dma_wait3A_39 : memref<1x16384xf32, #tpu.memory_space<hbm>> -> memref<16384xf32, #tpu.memory_space<hbm>>
      %dma_wait3A_41 = arith.constant 0 : i32
      %dma_wait3A_42 = tpu.memref_slice %arg4[%add3A_33, %dma_wait3A_41] : memref<32x16384xf32, #tpu.memory_space<hbm>> -> memref<1x16384xf32, #tpu.memory_space<hbm>>
      %dma_wait3A_43 = tpu.memref_squeeze %dma_wait3A_42 : memref<1x16384xf32, #tpu.memory_space<hbm>> -> memref<16384xf32, #tpu.memory_space<hbm>>
      tpu.wait_dma2 semaphore(%run_scoped3A : memref<!tpu.dma_semaphore, #tpu.memory_space<semaphore_mem>>) src(%arg6 : memref<16384xf32, #tpu.memory_space<vmem>>) dst(%dma_wait3A_43 : memref<16384xf32, #tpu.memory_space<hbm>>)
      tpu.yield
    }) : () -> ()
    return
  }
}

module attributes {stable_mosaic.version = 14 : i64} {
  func.func @body(%arg0: i32, %arg1: memref<32x1024xf32, #tpu.memory_space<vmem>>, %arg2: memref<1024x1xf32, #tpu.memory_space<vmem>>) attributes {dimension_semantics = [#tpu.dimension_semantics<arbitrary>], iteration_bounds = array<i64: 16>, scalar_prefetch = 0 : i64, scratch_operands = 0 : i64, tpu.core_type = #tpu.core_type<tc>, window_params = [{transform_indices = @transform_0, window_bounds = array<i64: 32, 1024>}, {transform_indices = @transform_1, window_bounds = array<i64: 1024, 1>}]} {
    %broadcast_in_dim3A = arith.constant 1.000000e+00 : f32
    %broadcast_in_dim3A_0 = vector.broadcast %broadcast_in_dim3A : f32 to vector<32x1xf32>
    %get3A = arith.constant 0 : index
    %get3A_1 = arith.constant 0 : index
    %get3A_2 = vector.load %arg1[%get3A, %get3A_1] : memref<32x1024xf32, #tpu.memory_space<vmem>>, vector<32x1024xf32>
    %dot_general3A = arith.constant dense<0.000000e+00> : vector<1024x1xf32>
    %dot_general3A_3 = tpu.matmul %get3A_2, %broadcast_in_dim3A_0, %dot_general3A {dimension_numbers = #tpu.dot_dimension_numbers<[0], [0], [1], [1], [0, 1, 1, 1], [], []>, transpose_lhs_hint = false} : vector<32x1024xf32>, vector<32x1xf32>, vector<1024x1xf32> -> vector<1024x1xf32>
    %add3A = arith.constant 1.000000e+00 : f32
    %add3A_4 = vector.broadcast %add3A : f32 to vector<1024x1xf32>
    %add3A_5 = arith.addf %add3A_4, %dot_general3A_3 : vector<1024x1xf32>
    %rsqrt3A = math.rsqrt %add3A_5 : vector<1024x1xf32>
    %swap3A = arith.constant 0 : index
    %swap3A_6 = arith.constant 0 : index
    %swap3A_7 = vector.load %arg2[%swap3A, %swap3A_6] : memref<1024x1xf32, #tpu.memory_space<vmem>>, vector<1024x1xf32>
    tpu.vector_store %arg2[%swap3A, %swap3A_6], %rsqrt3A {strides = array<i32>} : memref<1024x1xf32, #tpu.memory_space<vmem>>, vector<1024x1xf32>,
    return
  }
  func.func @transform_0(%arg0: i32) -> (i32, i32) {
    %c0_i32 = arith.constant 0 : i32
    %c0_i32_0 = arith.constant 0 : i32
    return %c0_i32, %arg0 : i32, i32
  }
  func.func @transform_1(%arg0: i32) -> (i32, i32) {
    %c0_i32 = arith.constant 0 : i32
    %c0_i32_0 = arith.constant 0 : i32
    return %arg0, %c0_i32 : i32, i32
  }
}

module attributes {stable_mosaic.version = 14 : i64} {
  func.func @body(%arg0: i32, %arg1: memref<2x1024x64xf32, #tpu.memory_space<vmem>>, %arg2: memref<128x128xf32, #tpu.memory_space<vmem>>, %arg3: memref<1024x1xf32, #tpu.memory_space<vmem>>, %arg4: memref<1x128xf32, #tpu.memory_space<vmem>>, %arg5: memref<1024x1xf32, #tpu.memory_space<vmem>>, %arg6: memref<2x1024x64xf32, #tpu.memory_space<vmem>>) attributes {dimension_semantics = [#tpu.dimension_semantics<arbitrary>], iteration_bounds = array<i64: 16>, scalar_prefetch = 0 : i64, scratch_operands = 0 : i64, tpu.core_type = #tpu.core_type<tc>, window_params = [{transform_indices = @transform_0, window_bounds = array<i64: 2, 1024, 64>}, {pipeline_mode = #tpu.pipeline_mode<synchronous>, transform_indices = @transform_1, window_bounds = array<i64: 128, 128>}, {transform_indices = @transform_2, window_bounds = array<i64: 1024, 1>}, {pipeline_mode = #tpu.pipeline_mode<synchronous>, transform_indices = @transform_3, window_bounds = array<i64: 1, 128>}, {transform_indices = @transform_4, window_bounds = array<i64: 1024, 1>}, {transform_indices = @transform_5, window_bounds = array<i64: 2, 1024, 64>}]} {
    %get3A = arith.constant 0 : index
    %get3A_0 = arith.constant 0 : index
    %get3A_1 = arith.constant 0 : index
    %get3A_2 = vector.load %arg1[%get3A, %get3A_0, %get3A_1] : memref<2x1024x64xf32, #tpu.memory_space<vmem>>, vector<1x1024x64xf32>
    %get3A_3 = vector.shape_cast %get3A_2 : vector<1x1024x64xf32> to vector<1024x64xf32>
    %get3A_4 = arith.constant 0 : index
    %get3A_5 = arith.constant 0 : index
    %get3A_6 = vector.load %arg2[%get3A_4, %get3A_5] : memref<128x128xf32, #tpu.memory_space<vmem>>, vector<64x128xf32>
    %dot_general3A = arith.constant dense<0.000000e+00> : vector<1024x128xf32>
    %dot_general3A_7 = tpu.matmul %get3A_3, %get3A_6, %dot_general3A {dimension_numbers = #tpu.dot_dimension_numbers<[1], [0], [0], [1], [0, 0, 1, 1], [], []>, transpose_lhs_hint = false} : vector<1024x64xf32>, vector<64x128xf32>, vector<1024x128xf32> -> vector<1024x128xf32>
    %get3A_8 = arith.constant 1 : index
    %get3A_9 = arith.constant 0 : index
    %get3A_10 = arith.constant 0 : index
    %get3A_11 = vector.load %arg1[%get3A_8, %get3A_9, %get3A_10] : memref<2x1024x64xf32, #tpu.memory_space<vmem>>, vector<1x1024x64xf32>
    %get3A_12 = vector.shape_cast %get3A_11 : vector<1x1024x64xf32> to vector<1024x64xf32>
    %get3A_13 = arith.constant 64 : index
    %get3A_14 = arith.constant 0 : index
    %get3A_15 = vector.load %arg2[%get3A_13, %get3A_14] : memref<128x128xf32, #tpu.memory_space<vmem>>, vector<64x128xf32>
    %dot_general3A_16 = arith.constant dense<0.000000e+00> : vector<1024x128xf32>
    %dot_general3A_17 = tpu.matmul %get3A_12, %get3A_15, %dot_general3A_16 {dimension_numbers = #tpu.dot_dimension_numbers<[1], [0], [0], [1], [0, 0, 1, 1], [], []>, transpose_lhs_hint = false} : vector<1024x64xf32>, vector<64x128xf32>, vector<1024x128xf32> -> vector<1024x128xf32>
    %add3A = arith.addf %dot_general3A_7, %dot_general3A_17 : vector<1024x128xf32>
    %get3A_18 = arith.constant 0 : index
    %get3A_19 = arith.constant 0 : index
    %get3A_20 = vector.load %arg4[%get3A_18, %get3A_19] : memref<1x128xf32, #tpu.memory_space<vmem>>, vector<1x128xf32>
    %get3A_21 = arith.constant 0 : index
    %get3A_22 = arith.constant 0 : index
    %get3A_23 = vector.load %arg2[%get3A_21, %get3A_22] : memref<128x128xf32, #tpu.memory_space<vmem>>, vector<128x128xf32>
    %dot_general3A_24 = arith.constant dense<0.000000e+00> : vector<1x128xf32>
    %dot_general3A_25 = tpu.matmul %get3A_20, %get3A_23, %dot_general3A_24 {dimension_numbers = #tpu.dot_dimension_numbers<[1], [0], [0], [1], [0, 0, 1, 1], [], []>, transpose_lhs_hint = false} : vector<1x128xf32>, vector<128x128xf32>, vector<1x128xf32> -> vector<1x128xf32>
    %get3A_26 = arith.constant 0 : index
    %get3A_27 = arith.constant 0 : index
    %get3A_28 = vector.load %arg5[%get3A_26, %get3A_27] : memref<1024x1xf32, #tpu.memory_space<vmem>>, vector<1024x1xf32>
    %get3A_29 = arith.constant 0 : index
    %get3A_30 = arith.constant 0 : index
    %get3A_31 = vector.load %arg3[%get3A_29, %get3A_30] : memref<1024x1xf32, #tpu.memory_space<vmem>>, vector<1024x1xf32>
    %mul3A = vector.broadcast %get3A_31 : vector<1024x1xf32> to vector<1024x128xf32>
    %mul3A_32 = arith.mulf %mul3A, %add3A : vector<1024x128xf32>
    %add3A_33 = vector.broadcast %dot_general3A_25 : vector<1x128xf32> to vector<1024x128xf32>
    %add3A_34 = arith.addf %mul3A_32, %add3A_33 : vector<1024x128xf32>
    %mul3A_35 = vector.broadcast %get3A_28 : vector<1024x1xf32> to vector<1024x128xf32>
    %mul3A_36 = arith.mulf %mul3A_35, %add3A_34 : vector<1024x128xf32>
    %slice3A = vector.extract_strided_slice %mul3A_36 {offsets = [0, 0], sizes = [1024, 64], strides = [1, 1]} : vector<1024x128xf32> to vector<1024x64xf32>
    %swap3A = arith.constant 0 : index
    %swap3A_37 = arith.constant 0 : index
    %swap3A_38 = arith.constant 0 : index
    %swap3A_39 = vector.load %arg6[%swap3A, %swap3A_37, %swap3A_38] : memref<2x1024x64xf32, #tpu.memory_space<vmem>>, vector<1x1024x64xf32>
    %swap3A_40 = vector.shape_cast %swap3A_39 : vector<1x1024x64xf32> to vector<1024x64xf32>
    %swap3A_41 = vector.shape_cast %slice3A : vector<1024x64xf32> to vector<1x1024x64xf32>
    tpu.vector_store %arg6[%swap3A, %swap3A_37, %swap3A_38], %swap3A_41 {strides = array<i32>} : memref<2x1024x64xf32, #tpu.memory_space<vmem>>, vector<1x1024x64xf32>,
    %slice3A_42 = vector.extract_strided_slice %mul3A_36 {offsets = [0, 64], sizes = [1024, 64], strides = [1, 1]} : vector<1024x128xf32> to vector<1024x64xf32>
    %swap3A_43 = arith.constant 1 : index
    %swap3A_44 = arith.constant 0 : index
    %swap3A_45 = arith.constant 0 : index
    %swap3A_46 = vector.load %arg6[%swap3A_43, %swap3A_44, %swap3A_45] : memref<2x1024x64xf32, #tpu.memory_space<vmem>>, vector<1x1024x64xf32>
    %swap3A_47 = vector.shape_cast %swap3A_46 : vector<1x1024x64xf32> to vector<1024x64xf32>
    %swap3A_48 = vector.shape_cast %slice3A_42 : vector<1024x64xf32> to vector<1x1024x64xf32>
    tpu.vector_store %arg6[%swap3A_43, %swap3A_44, %swap3A_45], %swap3A_48 {strides = array<i32>} : memref<2x1024x64xf32, #tpu.memory_space<vmem>>, vector<1x1024x64xf32>,
    return
  }
  func.func @transform_0(%arg0: i32) -> (i32, i32, i32) {
    %c0_i32 = arith.constant 0 : i32
    %c0_i32_0 = arith.constant 0 : i32
    %c0_i32_1 = arith.constant 0 : i32
    return %c0_i32, %arg0, %c0_i32_0 : i32, i32, i32
  }
  func.func @transform_1(%arg0: i32) -> (i32, i32) {
    %c0_i32 = arith.constant 0 : i32
    %c0_i32_0 = arith.constant 0 : i32
    %c0_i32_1 = arith.constant 0 : i32
    return %c0_i32, %c0_i32_0 : i32, i32
  }
  func.func @transform_2(%arg0: i32) -> (i32, i32) {
    %c0_i32 = arith.constant 0 : i32
    %c0_i32_0 = arith.constant 0 : i32
    return %arg0, %c0_i32 : i32, i32
  }
  func.func @transform_3(%arg0: i32) -> (i32, i32) {
    %c0_i32 = arith.constant 0 : i32
    %c0_i32_0 = arith.constant 0 : i32
    %c0_i32_1 = arith.constant 0 : i32
    return %c0_i32, %c0_i32_0 : i32, i32
  }
  func.func @transform_4(%arg0: i32) -> (i32, i32) {
    %c0_i32 = arith.constant 0 : i32
    %c0_i32_0 = arith.constant 0 : i32
    return %arg0, %c0_i32 : i32, i32
  }
  func.func @transform_5(%arg0: i32) -> (i32, i32, i32) {
    %c0_i32 = arith.constant 0 : i32
    %c0_i32_0 = arith.constant 0 : i32
    %c0_i32_1 = arith.constant 0 : i32
    return %c0_i32, %arg0, %c0_i32_0 : i32, i32, i32
  }
}

module attributes {stable_mosaic.version = 14 : i64} {
  func.func @body(%arg0: i32, %arg1: i32, %arg2: memref<1x1024x64xf32, #tpu.memory_space<vmem>>, %arg3: memref<1x1024x64xf32, #tpu.memory_space<vmem>>, %arg4: memref<1x2048x64xf32, #tpu.memory_space<vmem>>, %arg5: memref<1x2048x64xf32, #tpu.memory_space<vmem>>, %arg6: memref<1024x1xf32, #tpu.memory_space<vmem>>, %arg7: memref<2048x1xf32, #tpu.memory_space<vmem>>, %arg8: memref<1x128xf32, #tpu.memory_space<vmem>>, %arg9: memref<1024x2048xf32, #tpu.memory_space<vmem>>) attributes {dimension_semantics = [#tpu.dimension_semantics<arbitrary>, #tpu.dimension_semantics<arbitrary>], iteration_bounds = array<i64: 4, 6>, scalar_prefetch = 0 : i64, scratch_operands = 0 : i64, tpu.core_type = #tpu.core_type<tc>, window_params = [{transform_indices = @transform_0, window_bounds = array<i64: 1, 1024, 64>}, {transform_indices = @transform_1, window_bounds = array<i64: 1, 1024, 64>}, {transform_indices = @transform_2, window_bounds = array<i64: 1, 2048, 64>}, {transform_indices = @transform_3, window_bounds = array<i64: 1, 2048, 64>}, {transform_indices = @transform_4, window_bounds = array<i64: 1024, 1>}, {transform_indices = @transform_5, window_bounds = array<i64: 2048, 1>}, {pipeline_mode = #tpu.pipeline_mode<synchronous>, transform_indices = @transform_6, window_bounds = array<i64: 1, 128>}, {transform_indices = @transform_7, window_bounds = array<i64: 1024, 2048>}]} {
    %get3A = arith.constant 0 : index
    %get3A_0 = arith.constant 0 : index
    %get3A_1 = vector.load %arg6[%get3A, %get3A_0] : memref<1024x1xf32, #tpu.memory_space<vmem>>, vector<1024x1xf32>
    %get3A_2 = arith.constant 0 : index
    %get3A_3 = arith.constant 0 : index
    %get3A_4 = vector.load %arg7[%get3A_2, %get3A_3] : memref<2048x1xf32, #tpu.memory_space<vmem>>, vector<2048x1xf32>
    %get3A_5 = arith.constant 0 : index
    %get3A_6 = arith.constant 0 : index
    %get3A_7 = arith.constant 0 : index
    %get3A_8 = vector.load %arg2[%get3A_5, %get3A_6, %get3A_7] : memref<1x1024x64xf32, #tpu.memory_space<vmem>>, vector<1x1024x64xf32>
    %get3A_9 = vector.shape_cast %get3A_8 : vector<1x1024x64xf32> to vector<1024x64xf32>
    %mul3A = vector.broadcast %get3A_1 : vector<1024x1xf32> to vector<1024x64xf32>
    %mul3A_10 = arith.mulf %mul3A, %get3A_9 : vector<1024x64xf32>
    %get3A_11 = arith.constant 0 : index
    %get3A_12 = arith.constant 0 : index
    %get3A_13 = vector.load %arg8[%get3A_11, %get3A_12] : memref<1x128xf32, #tpu.memory_space<vmem>>, vector<1x64xf32>
    %add3A = vector.broadcast %get3A_13 : vector<1x64xf32> to vector<1024x64xf32>
    %add3A_14 = arith.addf %mul3A_10, %add3A : vector<1024x64xf32>
    %get3A_15 = arith.constant 0 : index
    %get3A_16 = arith.constant 0 : index
    %get3A_17 = arith.constant 0 : index
    %get3A_18 = vector.load %arg3[%get3A_15, %get3A_16, %get3A_17] : memref<1x1024x64xf32, #tpu.memory_space<vmem>>, vector<1x1024x64xf32>
    %get3A_19 = vector.shape_cast %get3A_18 : vector<1x1024x64xf32> to vector<1024x64xf32>
    %mul3A_20 = vector.broadcast %get3A_1 : vector<1024x1xf32> to vector<1024x64xf32>
    %mul3A_21 = arith.mulf %mul3A_20, %get3A_19 : vector<1024x64xf32>
    %get3A_22 = arith.constant 0 : index
    %get3A_23 = arith.constant 64 : index
    %get3A_24 = vector.load %arg8[%get3A_22, %get3A_23] : memref<1x128xf32, #tpu.memory_space<vmem>>, vector<1x64xf32>
    %add3A_25 = vector.broadcast %get3A_24 : vector<1x64xf32> to vector<1024x64xf32>
    %add3A_26 = arith.addf %mul3A_21, %add3A_25 : vector<1024x64xf32>
    %get3A_27 = arith.constant 0 : index
    %get3A_28 = arith.constant 0 : index
    %get3A_29 = arith.constant 0 : index
    %get3A_30 = vector.load %arg4[%get3A_27, %get3A_28, %get3A_29] : memref<1x2048x64xf32, #tpu.memory_space<vmem>>, vector<1x2048x64xf32>
    %get3A_31 = vector.shape_cast %get3A_30 : vector<1x2048x64xf32> to vector<2048x64xf32>
    %mul3A_32 = vector.broadcast %get3A_4 : vector<2048x1xf32> to vector<2048x64xf32>
    %mul3A_33 = arith.mulf %mul3A_32, %get3A_31 : vector<2048x64xf32>
    %get3A_34 = arith.constant 0 : index
    %get3A_35 = arith.constant 0 : index
    %get3A_36 = vector.load %arg8[%get3A_34, %get3A_35] : memref<1x128xf32, #tpu.memory_space<vmem>>, vector<1x64xf32>
    %add3A_37 = vector.broadcast %get3A_36 : vector<1x64xf32> to vector<2048x64xf32>
    %add3A_38 = arith.addf %mul3A_33, %add3A_37 : vector<2048x64xf32>
    %get3A_39 = arith.constant 0 : index
    %get3A_40 = arith.constant 0 : index
    %get3A_41 = arith.constant 0 : index
    %get3A_42 = vector.load %arg5[%get3A_39, %get3A_40, %get3A_41] : memref<1x2048x64xf32, #tpu.memory_space<vmem>>, vector<1x2048x64xf32>
    %get3A_43 = vector.shape_cast %get3A_42 : vector<1x2048x64xf32> to vector<2048x64xf32>
    %mul3A_44 = vector.broadcast %get3A_4 : vector<2048x1xf32> to vector<2048x64xf32>
    %mul3A_45 = arith.mulf %mul3A_44, %get3A_43 : vector<2048x64xf32>
    %get3A_46 = arith.constant 0 : index
    %get3A_47 = arith.constant 64 : index
    %get3A_48 = vector.load %arg8[%get3A_46, %get3A_47] : memref<1x128xf32, #tpu.memory_space<vmem>>, vector<1x64xf32>
    %add3A_49 = vector.broadcast %get3A_48 : vector<1x64xf32> to vector<2048x64xf32>
    %add3A_50 = arith.addf %mul3A_45, %add3A_49 : vector<2048x64xf32>
    %dot_general3A = arith.constant dense<0.000000e+00> : vector<1024x2048xf32>
    %dot_general3A_51 = tpu.matmul %add3A_14, %add3A_38, %dot_general3A {dimension_numbers = #tpu.dot_dimension_numbers<[1], [1], [0], [0], [0, 0, 1, 0], [], []>, transpose_lhs_hint = false} : vector<1024x64xf32>, vector<2048x64xf32>, vector<1024x2048xf32> -> vector<1024x2048xf32>
    %dot_general3A_52 = arith.constant dense<0.000000e+00> : vector<1024x2048xf32>
    %dot_general3A_53 = tpu.matmul %add3A_26, %add3A_50, %dot_general3A_52 {dimension_numbers = #tpu.dot_dimension_numbers<[1], [1], [0], [0], [0, 0, 1, 0], [], []>, transpose_lhs_hint = false} : vector<1024x64xf32>, vector<2048x64xf32>, vector<1024x2048xf32> -> vector<1024x2048xf32>
    %add3A_54 = arith.addf %dot_general3A_51, %dot_general3A_53 : vector<1024x2048xf32>
    %swap3A = arith.constant 0 : index
    %swap3A_55 = arith.constant 0 : index
    %swap3A_56 = vector.load %arg9[%swap3A, %swap3A_55] : memref<1024x2048xf32, #tpu.memory_space<vmem>>, vector<1024x2048xf32>
    tpu.vector_store %arg9[%swap3A, %swap3A_55], %add3A_54 {strides = array<i32>} : memref<1024x2048xf32, #tpu.memory_space<vmem>>, vector<1024x2048xf32>,
    return
  }
  func.func @transform_0(%arg0: i32, %arg1: i32) -> (i32, i32, i32) {
    %c0_i32 = arith.constant 0 : i32
    %c0_i32_0 = arith.constant 0 : i32
    %c0_i32_1 = arith.constant 0 : i32
    return %c0_i32, %arg0, %c0_i32_0 : i32, i32, i32
  }
  func.func @transform_1(%arg0: i32, %arg1: i32) -> (i32, i32, i32) {
    %c1_i32 = arith.constant 1 : i32
    %c0_i32 = arith.constant 0 : i32
    %c0_i32_0 = arith.constant 0 : i32
    return %c1_i32, %arg0, %c0_i32 : i32, i32, i32
  }
  func.func @transform_2(%arg0: i32, %arg1: i32) -> (i32, i32, i32) {
    %add3A = arith.constant 2 : i32
    %add3A_0 = arith.addi %add3A, %arg1 : i32
    %c0_i32 = arith.constant 0 : i32
    %c0_i32_1 = arith.constant 0 : i32
    %c0_i32_2 = arith.constant 0 : i32
    return %c0_i32, %add3A_0, %c0_i32_1 : i32, i32, i32
  }
  func.func @transform_3(%arg0: i32, %arg1: i32) -> (i32, i32, i32) {
    %add3A = arith.constant 2 : i32
    %add3A_0 = arith.addi %add3A, %arg1 : i32
    %c1_i32 = arith.constant 1 : i32
    %c0_i32 = arith.constant 0 : i32
    %c0_i32_1 = arith.constant 0 : i32
    return %c1_i32, %add3A_0, %c0_i32 : i32, i32, i32
  }
  func.func @transform_4(%arg0: i32, %arg1: i32) -> (i32, i32) {
    %c0_i32 = arith.constant 0 : i32
    %c0_i32_0 = arith.constant 0 : i32
    return %arg0, %c0_i32 : i32, i32
  }
  func.func @transform_5(%arg0: i32, %arg1: i32) -> (i32, i32) {
    %add3A = arith.constant 2 : i32
    %add3A_0 = arith.addi %add3A, %arg1 : i32
    %c0_i32 = arith.constant 0 : i32
    %c0_i32_1 = arith.constant 0 : i32
    return %add3A_0, %c0_i32 : i32, i32
  }
  func.func @transform_6(%arg0: i32, %arg1: i32) -> (i32, i32) {
    %c0_i32 = arith.constant 0 : i32
    %c0_i32_0 = arith.constant 0 : i32
    %c0_i32_1 = arith.constant 0 : i32
    return %c0_i32, %c0_i32_0 : i32, i32
  }
  func.func @transform_7(%arg0: i32, %arg1: i32) -> (i32, i32) {
    %c0_i32 = arith.constant 0 : i32
    return %arg0, %arg1 : i32, i32
  }
}

</mosaic_0001>

<sc_bundles>
// kernel: closed_call.19.cloned.1.call-start
scs
__scs_entry_jumppad:
0x0: {  	(pc) =	sbr.rel $0x88, $3  }
0x1: {  	(tag) =	ssettag $0x0;
	lr =	simm.s32 $0x1  }
0x2: {  	[smem:$0x3F9A] =	sst lr;
	_ =	strace $0xD0000000  }
0x3: {  	_ = 	snop  }
0x4: {  	_ = 	snop  }
0x5: {  	_ = 	snop  }
0x6: {  	_ = 	snop  }
0x7: {  	_ = 	snop  }
__scs_overlays_trampoline_lowered:
0x8: {  	[smem:$0x3FA9] =	sst s0  }
0x9: {  	[smem:$0x3FAA] =	sst s1  }
0xa: {  	[smem:$0x3FAB] =	sst s2  }
0xb: {  	[smem:$0x3FAC] =	sst s3  }
0xc: {  	[smem:$0x3FAD] =	sst s4  }
0xd: {  	[smem:$0x3FAE] =	sst s5  }
0xe: {  	[smem:$0x3FAF] =	sst s6  }
0xf: {  	[smem:$0x3FB0] =	sst s7  }
0x10: {  	[smem:$0x3FB1] =	sst s8  }
0x11: {  	[smem:$0x3FB2] =	sst s9;
	s0 =	simm.s32 @!p0 $0x0  }
0x12: {  	s1 =	sld [smem:$0x3F98];
	s0 =	simm.s32 @p0 $0x1  }
0x13: {  	[smem:$0x3FB3] =	sst s0;
	s0 =	simm.s32 @!p1 $0x0  }
0x14: {  	s2 =	sld [smem:$0x3F97];
	s0 =	simm.s32 @p1 $0x1  }
0x15: {  	[smem:$0x3FB4] =	sst s0;
	s0 =	simm.s32 @!p2 $0x0  }
0x16: {  	s3 =	sld [smem:$0x3FDB];
	s0 =	simm.s32 @p2 $0x1  }
0x17: {  	s4 =	simm.s32 $0x1BF5;
	[smem:$0x3FB6] =	sst s0  }
0x18: {  	s0 =	sld [smem:$0x3F99];
	_ =	swait.ge [sflag:s4], $0x0  }
0x19: {  	s7 =	sld [smem:$0x3F9A]  }
0x1a: {  	s8 =	sadd.s32 $0xFFFFE003, lr  }
0x1b: {  	s9 =	sadd.s32 $0xFFFFFEF7, lr;
	s5 =	simm.s32 $0xFFFFFFFF;
	p2 =	slt.u32 s8, $0xFFFFF086  }
0x1c: {  	p1 =	slt.u32 s9, $0xF7A;
	s5 =	simm.s32 @!p2 $0x0  }
0x1d: {  	s5 =	simm.s32 @p1 $0x1;
	p0 =	seq.s32 s7, s2  }
0x1e: {  	s7 =	smul.u32 @!p0 $0xF7A, s2;
	p2 =	seq.s32 @!p0 s5, $0x0  }
0x1f: {  	s9 =	smul.u32 $0xF7A, s1;
	s8 =	simm.s32 @!p0 $0x1BF5;
	p2 =	por !p2, p0  }
0x20: {  	[sflag:s8] =	ssyncset.s32 @!p0 $0xFFFFF086;
	s6 =	sadd.s32 @!p0 s3, s7;
	s7 =	simm.s32 @!p0 $0x108  }
0x21: {  	s3 =	sadd.s32 s3, s9;
	s6 =	sadd.s32 @!p0 $0x88, s6;
	s7 =	simm.s32 @p2 $0x1082  }
0x22: {  	[simem:s7], [sflag:s8] =	dma.local @!p0 [hbm:s6], $0xF7A  }
0x23: {  	s9 =	sor.u32 $0xD0000000, s2;
	s6 =	simm.s32 $0x108;
	_ =	swait.ge @!p0 [sflag:s8], $0x0  }
0x24: {  	s3 =	sadd.s32 $0x88, s3;
	s6 =	simm.s32 @!p1 $0x1082;
	[sflag:s4] =	ssyncset.s32 $0xFFFFF086  }
0x25: {  	[simem:s6], [sflag:s4] =	dma.local [hbm:s3], $0xF7A  }
0x26: {  	[smem:$0x3F9A] =	sst s1;
	(tag) =	ssettag s2;
	_ =	strace s9  }
0x27: {  	s1 =	sld [smem:$0x3FAA]  }
0x28: {  	s2 =	sld [smem:$0x3FAB]  }
0x29: {  	s4 =	sld [smem:$0x3FAD]  }
0x2a: {  	p0 =	seq.s32 s5, $0x0;
	s5 =	sld [smem:$0x3FAE]  }
0x2b: {  	s6 =	sld [smem:$0x3FAF]  }
0x2c: {  	s7 =	sld [smem:$0x3FB0]  }
0x2d: {  	s3 =	simm.s32 $0x108;
	s8 =	sld [smem:$0x3FB1]  }
0x2e: {  	s3 =	simm.s32 @!p0 $0x1082;
	s9 =	sld [smem:$0x3FB2]  }
0x2f: {  	lr =	sadd.s32 s0, s3;
	s0 =	sld [smem:$0x3FA9]  }
0x30: {  	s3 =	sld [smem:$0x3FAC]  }
0x31: {  	[smem:$0x3FB5] =	sst s10  }
0x32: {  	s10 =	sld [smem:$0x3FB3];
	_ =	sdelay $0x3  }
0x33: {  	p0 =	seq.s32 s10, $0x1;
	s10 =	sld [smem:$0x3FB5];
	_ =	sdelay $0x3  }
0x34: {  	[smem:$0x3FB5] =	sst s10  }
0x35: {  	s10 =	sld [smem:$0x3FB4];
	_ =	sdelay $0x3  }
0x36: {  	p1 =	seq.s32 s10, $0x1;
	s10 =	sld [smem:$0x3FB5];
	_ =	sdelay $0x3  }
0x37: {  	[smem:$0x3FB5] =	sst s10  }
0x38: {  	s10 =	sld [smem:$0x3FB6]  }
0x39: {  	_ = 	snop;
	(pc) =	sbr.ind lr, $3  }
0x3a: {  	_ = 	snop  }
0x3b: {  	_ = 	snop  }
0x3c: {  	p2 =	seq.s32 s10, $0x1;
	s10 =	sld [smem:$0x3FB5]  }
0x3d: {  	_ =	shalt  }
0x3e: {  	_ =	shalt  }
0x3f: {  	_ =	shalt  }
0x40: {  	_ =	shalt  }
0x41: {  	_ =	shalt  }
0x42: {  	_ =	shalt  }
0x43: {  	_ =	shalt  }
0x44: {  	_ =	shalt  }
0x45: {  	_ =	shalt  }
0x46: {  	_ =	shalt  }
0x47: {  	_ =	shalt  }
0x48: {  	_ =	shalt  }
0x49: {  	_ =	shalt  }
0x4a: {  	_ =	shalt  }
0x4b: {  	_ =	shalt  }
0x4c: {  	_ =	shalt  }
0x4d: {  	_ =	shalt  }
0x4e: {  	_ =	shalt  }
0x4f: {  	_ =	shalt  }
0x50: {  	_ =	shalt  }
0x51: {  	_ =	shalt  }
0x52: {  	_ =	shalt  }
0x53: {  	_ =	shalt  }
0x54: {  	_ =	shalt  }
0x55: {  	_ =	shalt  }
0x56: {  	_ =	shalt  }
0x57: {  	_ =	shalt  }
0x58: {  	_ =	shalt  }
0x59: {  	_ =	shalt  }
0x5a: {  	_ =	shalt  }
0x5b: {  	_ =	shalt  }
0x5c: {  	_ =	shalt  }
0x5d: {  	_ =	shalt  }
0x5e: {  	_ =	shalt  }
0x5f: {  	_ =	shalt  }
0x60: {  	_ =	shalt  }
0x61: {  	_ =	shalt  }
0x62: {  	_ =	shalt  }
0x63: {  	_ =	shalt  }
0x64: {  	_ =	shalt  }
0x65: {  	_ =	shalt  }
0x66: {  	_ =	shalt  }
0x67: {  	_ =	shalt  }
0x68: {  	_ =	shalt  }
0x69: {  	_ =	shalt  }
0x6a: {  	_ =	shalt  }
0x6b: {  	_ =	shalt  }
0x6c: {  	_ =	shalt  }
0x6d: {  	_ =	shalt  }
0x6e: {  	_ =	shalt  }
0x6f: {  	_ =	shalt  }
0x70: {  	_ =	shalt  }
0x71: {  	_ =	shalt  }
0x72: {  	_ =	shalt  }
0x73: {  	_ =	shalt  }
0x74: {  	_ =	shalt  }
0x75: {  	_ =	shalt  }
0x76: {  	_ =	shalt  }
0x77: {  	_ =	shalt  }
0x78: {  	_ =	shalt  }
0x79: {  	_ =	shalt  }
0x7a: {  	_ =	shalt  }
0x7b: {  	_ =	shalt  }
0x7c: {  	_ =	shalt  }
0x7d: {  	_ =	shalt  }
0x7e: {  	_ =	shalt  }
0x7f: {  	_ =	shalt  }
0x80: {  	_ =	shalt  }
0x81: {  	_ =	shalt  }
0x82: {  	_ =	shalt  }
0x83: {  	_ =	shalt  }
0x84: {  	_ =	shalt  }
0x85: {  	_ =	shalt  }
0x86: {  	_ =	shalt  }
0x87: {  	_ =	shalt  }
.Lfunc_end0:
.L_simem_size_0:
called_computation_lowered:
.L_overlay_start_0:
0x88: {  	s2 =	sld [smem:$0x3FD9]  }
0x89: {  	s3 =	sld [smem:$0x3FFE];
	_ =	sdelay $0x1  }
0x8a: {  	s1 =	srdreg.scid  }
0x8b: {  	s0 =	sand.u32 $0x1, s1  }
0x8c: {  	s17 =	sshll.u32 s0, $0xA;
	s2 =	sadd.s32 s3, s2  }
0x8d: {  	s2 =	sadd.s32 s2, s17  }
0x8e: {  	[smem:$0x3FC1] =	sst s2  }
0x8f: {  	_ = 	snop  }
0x90: {  	s2 =	sld [smem:$0x3FD0];
	(tm) =	ssettm $0x1  }
0x91: {  	s18 =	sld [smem:$0x3FFB];
	_ =	sdelay $0x3  }
0x92: {  	_ =	strace s18  }
0x93: {  	s3 =	sld [smem:$0x3FFC];
	_ =	sdelay $0x3  }
0x94: {  	_ =	strace s3  }
0x95: {  	s3 =	sld [smem:$0x3FFD];
	_ =	sdelay $0x3  }
0x96: {  	_ =	strace s3  }
0x97: {  	_ =	strace $0x8FFFFFFF  }
0x98: {  	s19 =	sld [smem:$0x3FDB];
	_ =	sdelay $0x1  }
0x99: {  	s4 =	simm.s32 $_scs_section_size  }
0x9a: {  	s5 =	simm.s32 $_size__tile_overlayer_lowered;
	s6 =	simm.s32 $_tile_overlayer_lowered  }
0x9b: {  	s22 =	simm.s32 $0x1BFF;
	s21 =	sshll.u32 s6, $0x1;
	s3 =	sadd.s32 s4, s19  }
0x9c: {  	s7 =	simm.s32 $0x0;
	s20 =	sshll.u32 s5, $0x1;
	s5 =	sadd.s32 s21, s3  }
0x9d: {  	[timem:s7], [sflag:s22] =	dma.local [hbm:s5], s20  }
0x9e: {  	_ =	swait.ge [sflag:s22], s20  }
0x9f: {  	s4 =	ssub.s32 $0x0, s20;
	[sflag:s22] =	ssyncset.done $0x0  }
0xa0: {  	[sflag:s22] =	ssyncadd.s32 s4;
	_ =	sdelay $0x1  }
0xa1: {  	s23 =	simm.s32 $0x1B8B  }
0xa2: {  	_ =	swait.ge [sflag:s23], $0x1  }
0xa3: {  	[sflag:s23] =	ssyncset.done $0x0  }
0xa4: {  	s25 =	simm.s32 $0x1B8E;
	s24 =	sld [smem:$0x3FFE];
	[sflag:s23] =	ssyncadd.s32 $0xFFFFFFFF  }
0xa5: {  	s26 =	simm.s32 $execute0_lowered;
	[smem:$0x3FD2] =	sst s25  }
0xa6: {  	s5 =	sshll.u32 s26, $0x1;
	_ =	strace $0x80000049;
	[dreg:$0x1] =	wrdreg $0xFFFFFFFF  }
0xa7: {  	s28 =	simm.s32 $_size_execute0_lowered;
	s3 =	sadd.s32 s3, s5;
	[dreg:$0x0] =	wrdreg $0x0  }
0xa8: {  	s5 =	sshll.u32 s28, $0x1;
	[dreg:$0x2] =	wrdreg s3  }
0xa9: {  	[dreg:$0x3] =	wrdreg s5  }
0xaa: {  	[dreg:$0x4] =	wrdreg $0xC0  }
0xab: {  	_ =	task [dreg:s7], $0x5FFFF  }
0xac: {  	[dreg:$0x1] =	wrdreg $0xFFFFFFFF  }
0xad: {  	[dreg:$0x0] =	wrdreg $0x60  }
0xae: {  	[dreg:$0x2] =	wrdreg s24  }
0xaf: {  	[dreg:$0x3] =	wrdreg s2  }
0xb0: {  	[dreg:$0x4] =	wrdreg $0xA0000  }
0xb1: {  	[dreg:$0x5] =	wrdreg $0x9  }
0xb2: {  	_ =	task.clear_ibuf [dreg:s7], $0x6FFFF;
	_ =	strace $0x90000049  }
0xb3: {  	s29 =	simm.s32 $0x9;
	_ =	strace $0x8000004B  }
0xb4: {  	_ =	swait.ge [sflag:s29], $0x1  }
0xb5: {  	[sflag:s29] =	ssyncadd.s32 $0xFFFFFFFF  }
0xb6: {  	_ =	strace $0x9000004B  }
0xb7: {  	_ =	sfence  }
0xb8: {  	s30 =	sld [smem:$0x0];
	_ =	sdelay $0x2  }
0xb9: {  	s31 =	sshll.u32 s1, $0xD;
	s1 =	sshrl.u32 s1, $0x2  }
0xba: {  	s3 =	sand.u32 $0x4000, s31;
	s1 =	sadd.s32 s1, s30  }
0xbb: {  	s0 =	sor.u32 s3, s0;
	s1 =	sshll.u32 s1, $0x11  }
0xbc: {  	s0 =	sor.u32 s1, s0  }
0xbd: {  	s0 =	sadd.s32 $0x8F2B, s0  }
0xbe: {  	[sflag:s0] =	ssyncadd.remote.s32 $0x1  }
0xbf: {  	_ =	sfence.sel $0xFFFF  }
0xc0: {  	[dreg:$0x0] =	wrdreg $0xFFFFFFFF;
	(pc) =	sbr.abs _section_cstart, $3  }
0xc1: {  	[dreg:$0x1] =	wrdreg $0xFFFFFFFF  }
0xc2: {  	_ =	task.clear_ibuf [dreg:s7], $0x2FFFF;
	_ =	strace $0x9FFFFFFF  }
0xc3: {  	(tm) =	ssettm $0x7FFFFFFF  }
tec
execute0_lowered:
.L_overlay_start_1:
0x0: {  	(tag) =	ssettag $0x1  }
0x1: {  	s0 =	rddreg [dreg:$0x0]  }
0x2: {  	s3 =	rddreg [dreg:$0x1]  }
0x3: {  	s1 =	rddreg [dreg:$0x2];
	s4 =	srdreg.scid;
	s2 =	simm.s32 $0x0  }
0x4: {  	s12 =	stileid.u32;
	s16 =	simm.s32 $0x4;
	s20 =	simm.s32 $0x80  }
0x5: {  	s21 =	simm.s32 $0x2000;
	s22 =	simm.s32 $0x4000;
	s28 =	simm.s32 $0x0  }
0x6: {  	s5 =	sand.u32 $0x1, s4;
	[smem:$0x7FF] =	sst s2;
	s9 =	sadd.s32 $0x12A00, s0  }
0x7: {  	s8 =	sshll.u32 s12, $0x10;
	s11 =	sshll.u32 s12, $0xC;
	s23 =	sshll.u32 s12, $0xD  }
0x8: {  	s24 =	sshll.u32 s12, $0x6;
	s4 =	sshll.u32 s5, $0x11;
	_ =	strace $0x8000004A  }
0x9: {  	s6 =	ssub.s32 $0x2, s5;
	s14 =	sadd.s32 s8, s1;
	s5 =	sshll.u32 s5, $0x14  }
0xa: {  	s25 =	sadd.s32 s9, s11;
	s26 =	sor.u32 $0x100, s11;
	s4 =	sadd.s32 s4, s0  }
0xb: {  	s0 =	sadd.s32 $0x2A00, s0;
	s7 =	sshrl.u32 s6, $0x1;
	s5 =	sor.u32 s8, s5  }
0xc: {  	s9 =	sadd.s32 s9, s26;
	[dreg:$0x5] =	wrdreg s25;
	s13 =	sadd.s32 $0x200, s25  }
0xd: {  	s15 =	sshrl.u32 s14, $0x3;
	s25 =	simm.s32 $0x8000;
	s10 =	ssub.s32 s6, s7  }
0xe: {  	s29 =	sadd.s32 s0, s11;
	[dreg:$0x7] =	wrdreg s9;
	s0 =	sadd.s32 s0, s26  }
0xf: {  	s4 =	sadd.s32 $0x63400, s4;
	s5 =	sshrl.u32 s5, $0x3;
	[dreg:$0x8] =	wrdreg s0  }
0x10: {  	s26 =	simm.s32 $0x3;
	s6 =	sadd.s32 s23, s4;
	[dreg:$0x6] =	wrdreg s29  }
0x11: {  	s30 =	sadd.s32 s3, s5;
	s31 =	smax.u32 s10, $0x1;
	[dreg:$0x4] =	wrdreg s6  }
0x12: {  	s18 =	sadd.s32 $0x200, s29;
	s23 =	simm.s32 $0x6000;
	[dreg:$0x9] =	wrdreg s30  }
0x13: {  	s6 =	sor.u32 $0x1C04, s24;
	[dreg:$0xa] =	wrdreg s31;
	s24 =	simm.s32 $0x1  }
.LBB2_1:
0x14: {  	s0 =	rddreg [dreg:$0x4]  }
0x15: {  	[spmem:s15], [sflag:s6] =	dma.local [hbm:s0], $0x2000  }
0x16: {  	_ =	swait.ge [sflag:s16], $0x2000  }
0x17: {  	[sflag:s16] =	ssyncset.done $0x0  }
0x18: {  	s8 =	rddreg [dreg:$0x5];
	[sflag:s16] =	ssyncadd.s32 $0xFFFFE000  }
0x19: {  	[tilespmem:s2], [sflag:$0x4] =	stream.linear.gather [hbm4b:s8+s2], $0x800, $0x38;
	[tilespmem:$0x1A000] =	vst v63  }
0x1a: {  	_ =	swait.ge [sflag:s16], $0x800  }
0x1b: {  	[sflag:s16] =	ssyncset.done $0x0  }
0x1c: {  	s3 =	simm.s32 $0x1000;
	s9 =	rddreg [dreg:$0x6];
	[sflag:s16] =	ssyncadd.s32 $0xFFFFF800  }
0x1d: {  	[tilespmem:s3], [sflag:$0x4] =	stream.linear.gather [hbm4b:s9+s2], $0x800, $0x38;
	[tilespmem:$0x1A000] =	vst v63  }
0x1e: {  	_ =	swait.ge [sflag:s16], $0x800  }
0x1f: {  	[sflag:s16] =	ssyncset.done $0x0  }
0x20: {  	s11 =	simm.s32 $0x800;
	s10 =	rddreg [dreg:$0x7];
	[sflag:s16] =	ssyncadd.s32 $0xFFFFF800  }
0x21: {  	[tilespmem:s11], [sflag:$0x2] =	stream.linear.gather [hbm4b:s10+s2], $0x800, $0x38;
	[tilespmem:$0x1A000] =	vst v63  }
0x22: {  	s14 =	simm.s32 $0x1800;
	s12 =	rddreg [dreg:$0x8]  }
0x23: {  	[tilespmem:s14], [sflag:$0x2] =	stream.linear.gather [hbm4b:s12+s2], $0x800, $0x38;
	[tilespmem:$0x1A000] =	vst v63  }
0x24: {  	s5 =	sand.u32 $0x1, s2  }
0x25: {  	[tilespmem:s21], [sflag:$0x1] =	stream.indirect.gather [hbm4b:s4+s20], $0x40, s2, s20, $0xb8;
	[tilespmem:$0x1A000] =	vst v63  }
0x26: {  	s3 =	sshll.u32 s5, $0xB  }
0x27: {  	[tilespmem:s22], [sflag:$0x1] =	stream.indirect.gather [hbm4b:s4+s20], $0x40, s20, s20, $0xb8;
	[tilespmem:$0x1A000] =	vst v63  }
0x28: {  	s17 =	sor.u32 $0x100, s3;
	[bflag:$0x0] =	sbarrier.arrive $0xFFFF  }
0x29: {  	[tilespmem:s23], [sflag:$0x1] =	stream.indirect.gather [hbm4b:s4+s20], $0x40, s17, s20, $0xb8;
	[tilespmem:$0x1A000] =	vst v63  }
0x2a: {  	_ =	swait.ge [sflag:s24], $0x2000  }
0x2b: {  	[sflag:s24] =	ssyncset.done $0x0  }
0x2c: {  	s0 =	sor.u32 $0x1000, s3;
	[sflag:s24] =	ssyncadd.s32 $0xFFFFE000  }
0x2d: {  	[spmem:s1] =	stream.indirect.scatter.add.f32 [tilespmem:s21], [sflag:$0x3], $0x40, s0, s20, $0xb8;
	[tilespmem:$0x1A000] =	vst v63  }
0x2e: {  	s9 =	sor.u32 $0x180, s3  }
0x2f: {  	[tilespmem:s25], [sflag:$0x1] =	stream.indirect.gather [hbm4b:s4+s20], $0x40, s9, s20, $0xb8;
	[tilespmem:$0x1A000] =	vst v63  }
0x30: {  	_ =	swait.ge [sflag:s24], $0x2000  }
0x31: {  	[sflag:s24] =	ssyncset.done $0x0  }
0x32: {  	s19 =	sor.u32 $0x1080, s3;
	[sflag:s24] =	ssyncadd.s32 $0xFFFFE000  }
0x33: {  	[spmem:s1] =	stream.indirect.scatter.add.f32 [tilespmem:s22], [sflag:$0x3], $0x40, s19, s20, $0xb8;
	[tilespmem:$0x1A000] =	vst v63  }
0x34: {  	_ =	swait.ge [sflag:s26], $0x2000  }
0x35: {  	[sflag:s26] =	ssyncset.done $0x0  }
0x36: {  	s7 =	sor.u32 $0x200, s3;
	[sflag:s26] =	ssyncadd.s32 $0xFFFFE000  }
0x37: {  	[tilespmem:s21], [sflag:$0x1] =	stream.indirect.gather [hbm4b:s4+s20], $0x40, s7, s20, $0xb8;
	[tilespmem:$0x1A000] =	vst v63  }
0x38: {  	_ =	swait.ge [sflag:s24], $0x2000  }
0x39: {  	[sflag:s24] =	ssyncset.done $0x0  }
0x3a: {  	s8 =	sor.u32 $0x1100, s3;
	[sflag:s24] =	ssyncadd.s32 $0xFFFFE000  }
0x3b: {  	[spmem:s1] =	stream.indirect.scatter.add.f32 [tilespmem:s23], [sflag:$0x3], $0x40, s8, s20, $0xb8;
	[tilespmem:$0x1A000] =	vst v63  }
0x3c: {  	_ =	swait.ge [sflag:s26], $0x2000  }
0x3d: {  	[sflag:s26] =	ssyncset.done $0x0  }
0x3e: {  	s10 =	sor.u32 $0x280, s3;
	[sflag:s26] =	ssyncadd.s32 $0xFFFFE000  }
0x3f: {  	[tilespmem:s22], [sflag:$0x1] =	stream.indirect.gather [hbm4b:s4+s20], $0x40, s10, s20, $0xb8;
	[tilespmem:$0x1A000] =	vst v63  }
0x40: {  	_ =	swait.ge [sflag:s24], $0x2000  }
0x41: {  	[sflag:s24] =	ssyncset.done $0x0  }
0x42: {  	s11 =	sor.u32 $0x1180, s3;
	[sflag:s24] =	ssyncadd.s32 $0xFFFFE000  }
0x43: {  	[spmem:s1] =	stream.indirect.scatter.add.f32 [tilespmem:s25], [sflag:$0x3], $0x40, s11, s20, $0xb8;
	[tilespmem:$0x1A000] =	vst v63  }
0x44: {  	_ =	swait.ge [sflag:s26], $0x2000  }
0x45: {  	[sflag:s26] =	ssyncset.done $0x0  }
0x46: {  	s12 =	sor.u32 $0x300, s3;
	[sflag:s26] =	ssyncadd.s32 $0xFFFFE000  }
0x47: {  	[tilespmem:s23], [sflag:$0x1] =	stream.indirect.gather [hbm4b:s4+s20], $0x40, s12, s20, $0xb8;
	[tilespmem:$0x1A000] =	vst v63  }
0x48: {  	_ =	swait.ge [sflag:s24], $0x2000  }
0x49: {  	[sflag:s24] =	ssyncset.done $0x0  }
0x4a: {  	s14 =	sor.u32 $0x1200, s3;
	[sflag:s24] =	ssyncadd.s32 $0xFFFFE000  }
0x4b: {  	[spmem:s1] =	stream.indirect.scatter.add.f32 [tilespmem:s21], [sflag:$0x3], $0x40, s14, s20, $0xb8;
	[tilespmem:$0x1A000] =	vst v63  }
0x4c: {  	_ =	swait.ge [sflag:s26], $0x2000  }
0x4d: {  	[sflag:s26] =	ssyncset.done $0x0  }
0x4e: {  	s17 =	sor.u32 $0x380, s3;
	[sflag:s26] =	ssyncadd.s32 $0xFFFFE000  }
0x4f: {  	[tilespmem:s25], [sflag:$0x1] =	stream.indirect.gather [hbm4b:s4+s20], $0x40, s17, s20, $0xb8;
	[tilespmem:$0x1A000] =	vst v63  }
0x50: {  	_ =	swait.ge [sflag:s24], $0x2000  }
0x51: {  	[sflag:s24] =	ssyncset.done $0x0  }
0x52: {  	s19 =	sor.u32 $0x1280, s3;
	[sflag:s24] =	ssyncadd.s32 $0xFFFFE000  }
0x53: {  	[spmem:s1] =	stream.indirect.scatter.add.f32 [tilespmem:s22], [sflag:$0x3], $0x40, s19, s20, $0xb8;
	[tilespmem:$0x1A000] =	vst v63  }
0x54: {  	_ =	swait.ge [sflag:s26], $0x2000  }
0x55: {  	[sflag:s26] =	ssyncset.done $0x0  }
0x56: {  	s7 =	sor.u32 $0x400, s3;
	[sflag:s26] =	ssyncadd.s32 $0xFFFFE000  }
0x57: {  	[tilespmem:s21], [sflag:$0x1] =	stream.indirect.gather [hbm4b:s4+s20], $0x40, s7, s20, $0xb8;
	[tilespmem:$0x1A000] =	vst v63  }
0x58: {  	_ =	swait.ge [sflag:s24], $0x2000  }
0x59: {  	[sflag:s24] =	ssyncset.done $0x0  }
0x5a: {  	s8 =	sor.u32 $0x1300, s3;
	[sflag:s24] =	ssyncadd.s32 $0xFFFFE000  }
0x5b: {  	[spmem:s1] =	stream.indirect.scatter.add.f32 [tilespmem:s23], [sflag:$0x3], $0x40, s8, s20, $0xb8;
	[tilespmem:$0x1A000] =	vst v63  }
0x5c: {  	_ =	swait.ge [sflag:s26], $0x2000  }
0x5d: {  	[sflag:s26] =	ssyncset.done $0x0  }
0x5e: {  	s10 =	sor.u32 $0x480, s3;
	[sflag:s26] =	ssyncadd.s32 $0xFFFFE000  }
0x5f: {  	[tilespmem:s22], [sflag:$0x1] =	stream.indirect.gather [hbm4b:s4+s20], $0x40, s10, s20, $0xb8;
	[tilespmem:$0x1A000] =	vst v63  }
0x60: {  	_ =	swait.ge [sflag:s24], $0x2000  }
0x61: {  	[sflag:s24] =	ssyncset.done $0x0  }
0x62: {  	s11 =	sor.u32 $0x1380, s3;
	[sflag:s24] =	ssyncadd.s32 $0xFFFFE000  }
0x63: {  	[spmem:s1] =	stream.indirect.scatter.add.f32 [tilespmem:s25], [sflag:$0x3], $0x40, s11, s20, $0xb8;
	[tilespmem:$0x1A000] =	vst v63  }
0x64: {  	_ =	swait.ge [sflag:s26], $0x2000  }
0x65: {  	[sflag:s26] =	ssyncset.done $0x0  }
0x66: {  	s12 =	sor.u32 $0x500, s3;
	[sflag:s26] =	ssyncadd.s32 $0xFFFFE000  }
0x67: {  	[tilespmem:s23], [sflag:$0x1] =	stream.indirect.gather [hbm4b:s4+s20], $0x40, s12, s20, $0xb8;
	[tilespmem:$0x1A000] =	vst v63  }
0x68: {  	_ =	swait.ge [sflag:s24], $0x2000  }
0x69: {  	[sflag:s24] =	ssyncset.done $0x0  }
0x6a: {  	s14 =	sor.u32 $0x1400, s3;
	[sflag:s24] =	ssyncadd.s32 $0xFFFFE000  }
0x6b: {  	[spmem:s1] =	stream.indirect.scatter.add.f32 [tilespmem:s21], [sflag:$0x3], $0x40, s14, s20, $0xb8;
	[tilespmem:$0x1A000] =	vst v63  }
0x6c: {  	_ =	swait.ge [sflag:s26], $0x2000  }
0x6d: {  	[sflag:s26] =	ssyncset.done $0x0  }
0x6e: {  	s17 =	sor.u32 $0x580, s3;
	[sflag:s26] =	ssyncadd.s32 $0xFFFFE000  }
0x6f: {  	[tilespmem:s25], [sflag:$0x1] =	stream.indirect.gather [hbm4b:s4+s20], $0x40, s17, s20, $0xb8;
	[tilespmem:$0x1A000] =	vst v63  }
0x70: {  	_ =	swait.ge [sflag:s24], $0x2000  }
0x71: {  	[sflag:s24] =	ssyncset.done $0x0  }
0x72: {  	s19 =	sor.u32 $0x1480, s3;
	[sflag:s24] =	ssyncadd.s32 $0xFFFFE000  }
0x73: {  	[spmem:s1] =	stream.indirect.scatter.add.f32 [tilespmem:s22], [sflag:$0x3], $0x40, s19, s20, $0xb8;
	[tilespmem:$0x1A000] =	vst v63  }
0x74: {  	_ =	swait.ge [sflag:s26], $0x2000  }
0x75: {  	[sflag:s26] =	ssyncset.done $0x0  }
0x76: {  	s7 =	sor.u32 $0x600, s3;
	[sflag:s26] =	ssyncadd.s32 $0xFFFFE000  }
0x77: {  	[tilespmem:s21], [sflag:$0x1] =	stream.indirect.gather [hbm4b:s4+s20], $0x40, s7, s20, $0xb8;
	[tilespmem:$0x1A000] =	vst v63  }
0x78: {  	_ =	swait.ge [sflag:s24], $0x2000  }
0x79: {  	[sflag:s24] =	ssyncset.done $0x0  }
0x7a: {  	s8 =	sor.u32 $0x1500, s3;
	[sflag:s24] =	ssyncadd.s32 $0xFFFFE000  }
0x7b: {  	[spmem:s1] =	stream.indirect.scatter.add.f32 [tilespmem:s23], [sflag:$0x3], $0x40, s8, s20, $0xb8;
	[tilespmem:$0x1A000] =	vst v63  }
0x7c: {  	_ =	swait.ge [sflag:s26], $0x2000  }
0x7d: {  	[sflag:s26] =	ssyncset.done $0x0  }
0x7e: {  	s10 =	sor.u32 $0x680, s3;
	[sflag:s26] =	ssyncadd.s32 $0xFFFFE000  }
0x7f: {  	[tilespmem:s22], [sflag:$0x1] =	stream.indirect.gather [hbm4b:s4+s20], $0x40, s10, s20, $0xb8;
	[tilespmem:$0x1A000] =	vst v63  }
0x80: {  	_ =	swait.ge [sflag:s24], $0x2000  }
0x81: {  	[sflag:s24] =	ssyncset.done $0x0  }
0x82: {  	s11 =	sor.u32 $0x1580, s3;
	[sflag:s24] =	ssyncadd.s32 $0xFFFFE000  }
0x83: {  	[spmem:s1] =	stream.indirect.scatter.add.f32 [tilespmem:s25], [sflag:$0x3], $0x40, s11, s20, $0xb8;
	[tilespmem:$0x1A000] =	vst v63  }
0x84: {  	_ =	swait.ge [sflag:s26], $0x2000  }
0x85: {  	[sflag:s26] =	ssyncset.done $0x0  }
0x86: {  	s9 =	sor.u32 $0x700, s3;
	[sflag:s26] =	ssyncadd.s32 $0xFFFFE000  }
0x87: {  	[tilespmem:s23], [sflag:$0x1] =	stream.indirect.gather [hbm4b:s4+s20], $0x40, s9, s20, $0xb8;
	[tilespmem:$0x1A000] =	vst v63  }
0x88: {  	_ =	swait.ge [sflag:s24], $0x2000  }
0x89: {  	[sflag:s24] =	ssyncset.done $0x0  }
0x8a: {  	s10 =	sor.u32 $0x1600, s3;
	[sflag:s24] =	ssyncadd.s32 $0xFFFFE000  }
0x8b: {  	[spmem:s1] =	stream.indirect.scatter.add.f32 [tilespmem:s21], [sflag:$0x3], $0x40, s10, s20, $0xb8;
	[tilespmem:$0x1A000] =	vst v63  }
0x8c: {  	_ =	swait.ge [sflag:s26], $0x2000  }
0x8d: {  	[sflag:s26] =	ssyncset.done $0x0  }
0x8e: {  	s12 =	sor.u32 $0x780, s3;
	[sflag:s26] =	ssyncadd.s32 $0xFFFFE000  }
0x8f: {  	[tilespmem:s25], [sflag:$0x1] =	stream.indirect.gather [hbm4b:s4+s20], $0x40, s12, s20, $0xb8;
	[tilespmem:$0x1A000] =	vst v63  }
0x90: {  	_ =	swait.ge [sflag:s24], $0x2000  }
0x91: {  	[sflag:s24] =	ssyncset.done $0x0  }
0x92: {  	s14 =	sor.u32 $0x1680, s3;
	[sflag:s24] =	ssyncadd.s32 $0xFFFFE000  }
0x93: {  	[spmem:s1] =	stream.indirect.scatter.add.f32 [tilespmem:s22], [sflag:$0x3], $0x40, s14, s20, $0xb8;
	[tilespmem:$0x1A000] =	vst v63  }
0x94: {  	_ =	swait.ge [sflag:s26], $0x2000  }
0x95: {  	p0 =	por $0x0, $0x0;
	[sflag:s26] =	ssyncset.done $0x0  }
0x96: {  	s14 =	simm.s32 @p0 $0x1;
	[sflag:s26] =	ssyncadd.s32 $0xFFFFE000  }
0x97: {  	_ =	swait.ge @p0 [sflag:s14], $0x2000  }
0x98: {  	s17 =	simm.s32 @p0 $0x6000;
	[sflag:s14] =	ssyncset.done @p0 $0x0  }
0x99: {  	s19 =	simm.s32 @p0 $0x80;
	[sflag:s14] =	ssyncadd.s32 @p0 $0xFFFFE000;
	s14 =	sor.u32 @p0 $0x1000, s9  }
0x9a: {  	[spmem:s1] =	stream.indirect.scatter.add.f32 @p0 [tilespmem:s17], [sflag:$0x3], $0x40, s14, s19, $0xb8;
	[tilespmem:$0x1A000] =	vst v63  }
0x9b: {  	s14 =	simm.s32 @p0 $0x3  }
0x9c: {  	_ =	swait.ge @p0 [sflag:s14], $0x2000  }
0x9d: {  	[sflag:s14] =	ssyncset.done @p0 $0x0  }
0x9e: {  	[sflag:s14] =	ssyncadd.s32 @p0 $0xFFFFE000;
	s14 =	simm.s32 @!p0 $0x2  }
0x9f: {  	_ =	swait.ge @!p0 [sflag:s14], $0x800  }
0xa0: {  	[sflag:s14] =	ssyncset.done @!p0 $0x0  }
0xa1: {  	[sflag:s14] =	ssyncadd.s32 @!p0 $0xFFFFF800  }
0xa2: {  	s5 =	sshll.u32 @!p0 s5, $0xB;
	_ =	swait.ge @!p0 [sflag:s14], $0x800  }
0xa3: {  	s5 =	sxor.u32 @!p0 $0x800, s5;
	s17 =	simm.s32 @!p0 $0x1;
	[sflag:s14] =	ssyncset.done @!p0 $0x0  }
0xa4: {  	s19 =	simm.s32 @!p0 $0x2000;
	[sflag:s14] =	ssyncadd.s32 @!p0 $0xFFFFF800;
	s14 =	simm.s32 @!p0 $0x80  }
0xa5: {  	[tilespmem:s19], [sflag:$0x1] =	stream.indirect.gather @!p0 [hbm4b:s4+s14], $0x40, s5, s14, $0xb8;
	[tilespmem:$0x1A000] =	vst v63  }
0xa6: {  	_ =	swait.ge @!p0 [sflag:s17], $0x2000  }
0xa7: {  	s9 =	sor.u32 @!p0 $0x1000, s9;
	[sflag:s17] =	ssyncset.done @!p0 $0x0  }
0xa8: {  	s19 =	simm.s32 @!p0 $0x3;
	[sflag:s17] =	ssyncadd.s32 @!p0 $0xFFFFE000;
	s17 =	simm.s32 @!p0 $0x6000  }
0xa9: {  	[spmem:s1] =	stream.indirect.scatter.add.f32 @!p0 [tilespmem:s17], [sflag:$0x3], $0x40, s9, s14, $0xb8;
	[tilespmem:$0x1A000] =	vst v63  }
0xaa: {  	_ =	swait.ge @!p0 [sflag:s19], $0x2000  }
0xab: {  	[sflag:s19] =	ssyncset.done @!p0 $0x0  }
0xac: {  	s5 =	sor.u32 @!p0 $0x80, s5;
	s9 =	simm.s32 @!p0 $0x4000;
	[sflag:s19] =	ssyncadd.s32 @!p0 $0xFFFFE000  }
0xad: {  	[tilespmem:s9], [sflag:$0x1] =	stream.indirect.gather @!p0 [hbm4b:s4+s14], $0x40, s5, s14, $0xb8;
	[tilespmem:$0x1A000] =	vst v63  }
0xae: {  	_ =	swait.ge [sflag:s24], $0x2000  }
0xaf: {  	[sflag:s24] =	ssyncset.done $0x0  }
0xb0: {  	s19 =	sor.u32 $0x1000, s12;
	[sflag:s24] =	ssyncadd.s32 $0xFFFFE000  }
0xb1: {  	[spmem:s1] =	stream.indirect.scatter.add.f32 [tilespmem:s25], [sflag:$0x3], $0x40, s19, s20, $0xb8;
	[tilespmem:$0x1A000] =	vst v63  }
0xb2: {  	_ =	swait.ge [sflag:s26], $0x2000  }
0xb3: {  	[sflag:s26] =	ssyncset.done $0x0  }
0xb4: {  	[sflag:s26] =	ssyncadd.s32 $0xFFFFE000  }
0xb5: {  	p1 =	por $0x0, $0x0;
	_ =	swait.ge [sflag:s26], $0x2000  }
0xb6: {  	s30 =	simm.s32 $0x1;
	s29 =	sadd.s32 $0x100, s18;
	[sflag:s26] =	ssyncset.done $0x0  }
0xb7: {  	s31 =	smov.u32 s13;
	s9 =	simm.s32 @!p1 $0x0;
	[sflag:s26] =	ssyncadd.s32 $0xFFFFE000  }
0xb8: {  	[tilespmem:s3], [sflag:$0x2] =	stream.linear.gather @!p1 [hbm4b:s13+s9], $0x800, $0x38;
	[tilespmem:$0x1A000] =	vst v63  }
0xb9: {  	s17 =	simm.s32 $0x2;
	s14 =	smov.u32 s18;
	s3 =	sand.u32 $0x1, s30  }
.LBB2_2:
0xba: {  	s19 =	sshll.u32 s3, $0xB;
	s31 =	sadd.s32 $0x100, s31  }
0xbb: {  	s5 =	smov.u32 s30;
	s30 =	smov.u32 s17;
	s17 =	sadd.s32 $0x1, s17  }
0xbc: {  	[tilespmem:s0], [sflag:$0x2] =	stream.linear.gather @!p1 [hbm4b:s14+s9], $0x800, $0x38;
	[tilespmem:$0x1A000] =	vst v63  }
0xbd: {  	p0 =	sne.s32 s17, $0x10;
	s0 =	sor.u32 $0x100, s19;
	s14 =	smov.u32 s29  }
0xbe: {  	[tilespmem:s23], [sflag:$0x1] =	stream.indirect.gather [hbm4b:s4+s20], $0x40, s0, s20, $0xb8;
	[tilespmem:$0x1A000] =	vst v63  }
0xbf: {  	_ =	swait.ge [sflag:s24], $0x2000  }
0xc0: {  	[sflag:s24] =	ssyncset.done $0x0  }
0xc1: {  	s0 =	sor.u32 $0x1000, s19;
	[sflag:s24] =	ssyncadd.s32 $0xFFFFE000  }
0xc2: {  	[spmem:s1] =	stream.indirect.scatter.add.f32 [tilespmem:s21], [sflag:$0x3], $0x40, s0, s20, $0xb8;
	[tilespmem:$0x1A000] =	vst v63  }
0xc3: {  	s9 =	sor.u32 $0x180, s19  }
0xc4: {  	[tilespmem:s25], [sflag:$0x1] =	stream.indirect.gather [hbm4b:s4+s20], $0x40, s9, s20, $0xb8;
	[tilespmem:$0x1A000] =	vst v63  }
0xc5: {  	_ =	swait.ge [sflag:s24], $0x2000  }
0xc6: {  	[sflag:s24] =	ssyncset.done $0x0  }
0xc7: {  	s9 =	sor.u32 $0x1080, s19;
	[sflag:s24] =	ssyncadd.s32 $0xFFFFE000  }
0xc8: {  	[spmem:s1] =	stream.indirect.scatter.add.f32 [tilespmem:s22], [sflag:$0x3], $0x40, s9, s20, $0xb8;
	[tilespmem:$0x1A000] =	vst v63  }
0xc9: {  	_ =	swait.ge [sflag:s26], $0x2000  }
0xca: {  	[sflag:s26] =	ssyncset.done $0x0  }
0xcb: {  	s9 =	sor.u32 $0x200, s19;
	[sflag:s26] =	ssyncadd.s32 $0xFFFFE000  }
0xcc: {  	[tilespmem:s21], [sflag:$0x1] =	stream.indirect.gather [hbm4b:s4+s20], $0x40, s9, s20, $0xb8;
	[tilespmem:$0x1A000] =	vst v63  }
0xcd: {  	_ =	swait.ge [sflag:s24], $0x2000  }
0xce: {  	[sflag:s24] =	ssyncset.done $0x0  }
0xcf: {  	s9 =	sor.u32 $0x1100, s19;
	[sflag:s24] =	ssyncadd.s32 $0xFFFFE000  }
0xd0: {  	[spmem:s1] =	stream.indirect.scatter.add.f32 [tilespmem:s23], [sflag:$0x3], $0x40, s9, s20, $0xb8;
	[tilespmem:$0x1A000] =	vst v63  }
0xd1: {  	_ =	swait.ge [sflag:s26], $0x2000  }
0xd2: {  	[sflag:s26] =	ssyncset.done $0x0  }
0xd3: {  	s9 =	sor.u32 $0x280, s19;
	[sflag:s26] =	ssyncadd.s32 $0xFFFFE000  }
0xd4: {  	[tilespmem:s22], [sflag:$0x1] =	stream.indirect.gather [hbm4b:s4+s20], $0x40, s9, s20, $0xb8;
	[tilespmem:$0x1A000] =	vst v63  }
0xd5: {  	_ =	swait.ge [sflag:s24], $0x2000  }
0xd6: {  	[sflag:s24] =	ssyncset.done $0x0  }
0xd7: {  	s9 =	sor.u32 $0x1180, s19;
	[sflag:s24] =	ssyncadd.s32 $0xFFFFE000  }
0xd8: {  	[spmem:s1] =	stream.indirect.scatter.add.f32 [tilespmem:s25], [sflag:$0x3], $0x40, s9, s20, $0xb8;
	[tilespmem:$0x1A000] =	vst v63  }
0xd9: {  	_ =	swait.ge [sflag:s26], $0x2000  }
0xda: {  	[sflag:s26] =	ssyncset.done $0x0  }
0xdb: {  	s9 =	sor.u32 $0x300, s19;
	[sflag:s26] =	ssyncadd.s32 $0xFFFFE000  }
0xdc: {  	[tilespmem:s23], [sflag:$0x1] =	stream.indirect.gather [hbm4b:s4+s20], $0x40, s9, s20, $0xb8;
	[tilespmem:$0x1A000] =	vst v63  }
0xdd: {  	_ =	swait.ge [sflag:s24], $0x2000  }
0xde: {  	[sflag:s24] =	ssyncset.done $0x0  }
0xdf: {  	s9 =	sor.u32 $0x1200, s19;
	[sflag:s24] =	ssyncadd.s32 $0xFFFFE000  }
0xe0: {  	[spmem:s1] =	stream.indirect.scatter.add.f32 [tilespmem:s21], [sflag:$0x3], $0x40, s9, s20, $0xb8;
	[tilespmem:$0x1A000] =	vst v63  }
0xe1: {  	_ =	swait.ge [sflag:s26], $0x2000  }
0xe2: {  	[sflag:s26] =	ssyncset.done $0x0  }
0xe3: {  	s9 =	sor.u32 $0x380, s19;
	[sflag:s26] =	ssyncadd.s32 $0xFFFFE000  }
0xe4: {  	[tilespmem:s25], [sflag:$0x1] =	stream.indirect.gather [hbm4b:s4+s20], $0x40, s9, s20, $0xb8;
	[tilespmem:$0x1A000] =	vst v63  }
0xe5: {  	_ =	swait.ge [sflag:s24], $0x2000  }
0xe6: {  	[sflag:s24] =	ssyncset.done $0x0  }
0xe7: {  	s9 =	sor.u32 $0x1280, s19;
	[sflag:s24] =	ssyncadd.s32 $0xFFFFE000  }
0xe8: {  	[spmem:s1] =	stream.indirect.scatter.add.f32 [tilespmem:s22], [sflag:$0x3], $0x40, s9, s20, $0xb8;
	[tilespmem:$0x1A000] =	vst v63  }
0xe9: {  	_ =	swait.ge [sflag:s26], $0x2000  }
0xea: {  	[sflag:s26] =	ssyncset.done $0x0  }
0xeb: {  	s9 =	sor.u32 $0x400, s19;
	[sflag:s26] =	ssyncadd.s32 $0xFFFFE000  }
0xec: {  	[tilespmem:s21], [sflag:$0x1] =	stream.indirect.gather [hbm4b:s4+s20], $0x40, s9, s20, $0xb8;
	[tilespmem:$0x1A000] =	vst v63  }
0xed: {  	_ =	swait.ge [sflag:s24], $0x2000  }
0xee: {  	[sflag:s24] =	ssyncset.done $0x0  }
0xef: {  	s9 =	sor.u32 $0x1300, s19;
	[sflag:s24] =	ssyncadd.s32 $0xFFFFE000  }
0xf0: {  	[spmem:s1] =	stream.indirect.scatter.add.f32 [tilespmem:s23], [sflag:$0x3], $0x40, s9, s20, $0xb8;
	[tilespmem:$0x1A000] =	vst v63  }
0xf1: {  	_ =	swait.ge [sflag:s26], $0x2000  }
0xf2: {  	[sflag:s26] =	ssyncset.done $0x0  }
0xf3: {  	s9 =	sor.u32 $0x480, s19;
	[sflag:s26] =	ssyncadd.s32 $0xFFFFE000  }
0xf4: {  	[tilespmem:s22], [sflag:$0x1] =	stream.indirect.gather [hbm4b:s4+s20], $0x40, s9, s20, $0xb8;
	[tilespmem:$0x1A000] =	vst v63  }
0xf5: {  	_ =	swait.ge [sflag:s24], $0x2000  }
0xf6: {  	[sflag:s24] =	ssyncset.done $0x0  }
0xf7: {  	s9 =	sor.u32 $0x1380, s19;
	[sflag:s24] =	ssyncadd.s32 $0xFFFFE000  }
0xf8: {  	[spmem:s1] =	stream.indirect.scatter.add.f32 [tilespmem:s25], [sflag:$0x3], $0x40, s9, s20, $0xb8;
	[tilespmem:$0x1A000] =	vst v63  }
0xf9: {  	_ =	swait.ge [sflag:s26], $0x2000  }
0xfa: {  	[sflag:s26] =	ssyncset.done $0x0  }
0xfb: {  	s9 =	sor.u32 $0x500, s19;
	[sflag:s26] =	ssyncadd.s32 $0xFFFFE000  }
0xfc: {  	[tilespmem:s23], [sflag:$0x1] =	stream.indirect.gather [hbm4b:s4+s20], $0x40, s9, s20, $0xb8;
	[tilespmem:$0x1A000] =	vst v63  }
0xfd: {  	_ =	swait.ge [sflag:s24], $0x2000  }
0xfe: {  	[sflag:s24] =	ssyncset.done $0x0  }
0xff: {  	s9 =	sor.u32 $0x1400, s19;
	[sflag:s24] =	ssyncadd.s32 $0xFFFFE000  }
0x100: {  	[spmem:s1] =	stream.indirect.scatter.add.f32 [tilespmem:s21], [sflag:$0x3], $0x40, s9, s20, $0xb8;
	[tilespmem:$0x1A000] =	vst v63  }
0x101: {  	_ =	swait.ge [sflag:s26], $0x2000  }
0x102: {  	[sflag:s26] =	ssyncset.done $0x0  }
0x103: {  	s9 =	sor.u32 $0x580, s19;
	[sflag:s26] =	ssyncadd.s32 $0xFFFFE000  }
0x104: {  	[tilespmem:s25], [sflag:$0x1] =	stream.indirect.gather [hbm4b:s4+s20], $0x40, s9, s20, $0xb8;
	[tilespmem:$0x1A000] =	vst v63  }
0x105: {  	_ =	swait.ge [sflag:s24], $0x2000  }
0x106: {  	[sflag:s24] =	ssyncset.done $0x0  }
0x107: {  	s9 =	sor.u32 $0x1480, s19;
	[sflag:s24] =	ssyncadd.s32 $0xFFFFE000  }
0x108: {  	[spmem:s1] =	stream.indirect.scatter.add.f32 [tilespmem:s22], [sflag:$0x3], $0x40, s9, s20, $0xb8;
	[tilespmem:$0x1A000] =	vst v63  }
0x109: {  	_ =	swait.ge [sflag:s26], $0x2000  }
0x10a: {  	[sflag:s26] =	ssyncset.done $0x0  }
0x10b: {  	s9 =	sor.u32 $0x600, s19;
	[sflag:s26] =	ssyncadd.s32 $0xFFFFE000  }
0x10c: {  	[tilespmem:s21], [sflag:$0x1] =	stream.indirect.gather [hbm4b:s4+s20], $0x40, s9, s20, $0xb8;
	[tilespmem:$0x1A000] =	vst v63  }
0x10d: {  	_ =	swait.ge [sflag:s24], $0x2000  }
0x10e: {  	[sflag:s24] =	ssyncset.done $0x0  }
0x10f: {  	s9 =	sor.u32 $0x1500, s19;
	[sflag:s24] =	ssyncadd.s32 $0xFFFFE000  }
0x110: {  	[spmem:s1] =	stream.indirect.scatter.add.f32 [tilespmem:s23], [sflag:$0x3], $0x40, s9, s20, $0xb8;
	[tilespmem:$0x1A000] =	vst v63  }
0x111: {  	_ =	swait.ge [sflag:s26], $0x2000  }
0x112: {  	[sflag:s26] =	ssyncset.done $0x0  }
0x113: {  	s9 =	sor.u32 $0x680, s19;
	[sflag:s26] =	ssyncadd.s32 $0xFFFFE000  }
0x114: {  	[tilespmem:s22], [sflag:$0x1] =	stream.indirect.gather [hbm4b:s4+s20], $0x40, s9, s20, $0xb8;
	[tilespmem:$0x1A000] =	vst v63  }
0x115: {  	_ =	swait.ge [sflag:s24], $0x2000  }
0x116: {  	[sflag:s24] =	ssyncset.done $0x0  }
0x117: {  	s9 =	sor.u32 $0x1580, s19;
	[sflag:s24] =	ssyncadd.s32 $0xFFFFE000  }
0x118: {  	[spmem:s1] =	stream.indirect.scatter.add.f32 [tilespmem:s25], [sflag:$0x3], $0x40, s9, s20, $0xb8;
	[tilespmem:$0x1A000] =	vst v63  }
0x119: {  	_ =	swait.ge [sflag:s26], $0x2000  }
0x11a: {  	[sflag:s26] =	ssyncset.done $0x0  }
0x11b: {  	s10 =	sor.u32 $0x700, s19;
	[sflag:s26] =	ssyncadd.s32 $0xFFFFE000  }
0x11c: {  	[tilespmem:s23], [sflag:$0x1] =	stream.indirect.gather [hbm4b:s4+s20], $0x40, s10, s20, $0xb8;
	[tilespmem:$0x1A000] =	vst v63  }
0x11d: {  	_ =	swait.ge [sflag:s24], $0x2000  }
0x11e: {  	[sflag:s24] =	ssyncset.done $0x0  }
0x11f: {  	s9 =	sor.u32 $0x1600, s19;
	[sflag:s24] =	ssyncadd.s32 $0xFFFFE000  }
0x120: {  	[spmem:s1] =	stream.indirect.scatter.add.f32 [tilespmem:s21], [sflag:$0x3], $0x40, s9, s20, $0xb8;
	[tilespmem:$0x1A000] =	vst v63  }
0x121: {  	_ =	swait.ge [sflag:s26], $0x2000  }
0x122: {  	[sflag:s26] =	ssyncset.done $0x0  }
0x123: {  	s9 =	sor.u32 $0x780, s19;
	[sflag:s26] =	ssyncadd.s32 $0xFFFFE000  }
0x124: {  	[tilespmem:s25], [sflag:$0x1] =	stream.indirect.gather [hbm4b:s4+s20], $0x40, s9, s20, $0xb8;
	[tilespmem:$0x1A000] =	vst v63  }
0x125: {  	_ =	swait.ge [sflag:s24], $0x2000  }
0x126: {  	[sflag:s24] =	ssyncset.done $0x0  }
0x127: {  	s11 =	sor.u32 $0x1680, s19;
	[sflag:s24] =	ssyncadd.s32 $0xFFFFE000  }
0x128: {  	[spmem:s1] =	stream.indirect.scatter.add.f32 [tilespmem:s22], [sflag:$0x3], $0x40, s11, s20, $0xb8;
	[tilespmem:$0x1A000] =	vst v63  }
0x129: {  	_ =	swait.ge [sflag:s26], $0x2000  }
0x12a: {  	p1 =	seq.s32 s5, $0xF;
	[sflag:s26] =	ssyncset.done $0x0  }
0x12b: {  	s3 =	sshll.u32 @!p1 s3, $0xB;
	s11 =	simm.s32 @p1 $0x1;
	[sflag:s26] =	ssyncadd.s32 $0xFFFFE000  }
0x12c: {  	s3 =	sxor.u32 @!p1 $0x800, s3;
	_ =	swait.ge @p1 [sflag:s11], $0x2000  }
0x12d: {  	s12 =	simm.s32 @p1 $0x6000;
	s7 =	simm.s32 @p1 $0x3;
	[sflag:s11] =	ssyncset.done @p1 $0x0  }
0x12e: {  	s8 =	simm.s32 @p1 $0x80;
	[sflag:s11] =	ssyncadd.s32 @p1 $0xFFFFE000;
	s11 =	sor.u32 @p1 $0x1000, s10  }
0x12f: {  	[spmem:s1] =	stream.indirect.scatter.add.f32 @p1 [tilespmem:s12], [sflag:$0x3], $0x40, s11, s8, $0xb8;
	[tilespmem:$0x1A000] =	vst v63  }
0x130: {  	s8 =	sor.u32 @!p1 $0x80, s3;
	_ =	swait.ge @p1 [sflag:s7], $0x2000  }
0x131: {  	[sflag:s7] =	ssyncset.done @p1 $0x0  }
0x132: {  	[sflag:s7] =	ssyncadd.s32 @p1 $0xFFFFE000;
	s7 =	simm.s32 @!p1 $0x2  }
0x133: {  	_ =	swait.ge @!p1 [sflag:s7], $0x800  }
0x134: {  	[sflag:s7] =	ssyncset.done @!p1 $0x0  }
0x135: {  	[sflag:s7] =	ssyncadd.s32 @!p1 $0xFFFFF800  }
0x136: {  	_ =	swait.ge @!p1 [sflag:s7], $0x800  }
0x137: {  	s11 =	simm.s32 @!p1 $0x1;
	[sflag:s7] =	ssyncset.done @!p1 $0x0  }
0x138: {  	s12 =	simm.s32 @!p1 $0x2000;
	[sflag:s7] =	ssyncadd.s32 @!p1 $0xFFFFF800;
	s7 =	simm.s32 @!p1 $0x80  }
0x139: {  	[tilespmem:s12], [sflag:$0x1] =	stream.indirect.gather @!p1 [hbm4b:s4+s7], $0x40, s3, s7, $0xb8;
	[tilespmem:$0x1A000] =	vst v63  }
0x13a: {  	_ =	swait.ge @!p1 [sflag:s11], $0x2000  }
0x13b: {  	s3 =	simm.s32 @!p1 $0x3;
	[sflag:s11] =	ssyncset.done @!p1 $0x0  }
0x13c: {  	s10 =	sor.u32 @!p1 $0x1000, s10;
	[sflag:s11] =	ssyncadd.s32 @!p1 $0xFFFFE000;
	s11 =	simm.s32 @!p1 $0x6000  }
0x13d: {  	[spmem:s1] =	stream.indirect.scatter.add.f32 @!p1 [tilespmem:s11], [sflag:$0x3], $0x40, s10, s7, $0xb8;
	[tilespmem:$0x1A000] =	vst v63  }
0x13e: {  	_ =	swait.ge @!p1 [sflag:s3], $0x2000  }
0x13f: {  	[sflag:s3] =	ssyncset.done @!p1 $0x0  }
0x140: {  	[sflag:s3] =	ssyncadd.s32 @!p1 $0xFFFFE000;
	s3 =	simm.s32 @!p1 $0x4000  }
0x141: {  	[tilespmem:s3], [sflag:$0x1] =	stream.indirect.gather @!p1 [hbm4b:s4+s7], $0x40, s8, s7, $0xb8;
	[tilespmem:$0x1A000] =	vst v63  }
0x142: {  	_ =	swait.ge [sflag:s24], $0x2000  }
0x143: {  	[sflag:s24] =	ssyncset.done $0x0  }
0x144: {  	s3 =	sor.u32 $0x1000, s9;
	[sflag:s24] =	ssyncadd.s32 $0xFFFFE000  }
0x145: {  	[spmem:s1] =	stream.indirect.scatter.add.f32 [tilespmem:s25], [sflag:$0x3], $0x40, s3, s20, $0xb8;
	[tilespmem:$0x1A000] =	vst v63  }
0x146: {  	_ =	swait.ge [sflag:s26], $0x2000  }
0x147: {  	[sflag:s26] =	ssyncset.done $0x0  }
.Ltmp0:
0x148: {  	[sflag:s26] =	ssyncadd.s32 $0xFFFFE000;
	(pc) =	sbr.rel @p0 .LBB2_2-.Ltmp0, $4  }
0x149: {  	_ =	swait.ge [sflag:s26], $0x2000  }
0x14a: {  	s29 =	sadd.s32 $0x100, s29;
	p1 =	sgt.u32 s5, $0xD;
	[sflag:s26] =	ssyncset.done $0x0  }
0x14b: {  	s9 =	simm.s32 @!p1 $0x0;
	s3 =	sand.u32 $0x1, s30;
	[sflag:s26] =	ssyncadd.s32 $0xFFFFE000  }
0x14c: {  	[tilespmem:s19], [sflag:$0x2] =	stream.linear.gather @!p1 [hbm4b:s31+s9], $0x800, $0x38;
	[tilespmem:$0x1A000] =	vst v63  }
0x14d: {  	s5 =	sshll.u32 s3, $0xB  }
0x14e: {  	[tilespmem:s0], [sflag:$0x2] =	stream.linear.gather @!p1 [hbm4b:s14+s9], $0x800, $0x38;
	[tilespmem:$0x1A000] =	vst v63  }
0x14f: {  	s7 =	sor.u32 $0x100, s5  }
0x150: {  	[tilespmem:s23], [sflag:$0x1] =	stream.indirect.gather [hbm4b:s4+s20], $0x40, s7, s20, $0xb8;
	[tilespmem:$0x1A000] =	vst v63  }
0x151: {  	_ =	swait.ge [sflag:s24], $0x2000  }
0x152: {  	[sflag:s24] =	ssyncset.done $0x0  }
0x153: {  	s0 =	sor.u32 $0x1000, s5;
	[sflag:s24] =	ssyncadd.s32 $0xFFFFE000  }
0x154: {  	[spmem:s1] =	stream.indirect.scatter.add.f32 [tilespmem:s21], [sflag:$0x3], $0x40, s0, s20, $0xb8;
	[tilespmem:$0x1A000] =	vst v63  }
0x155: {  	s7 =	sor.u32 $0x180, s5  }
0x156: {  	[tilespmem:s25], [sflag:$0x1] =	stream.indirect.gather [hbm4b:s4+s20], $0x40, s7, s20, $0xb8;
	[tilespmem:$0x1A000] =	vst v63  }
0x157: {  	_ =	swait.ge [sflag:s24], $0x2000  }
0x158: {  	[sflag:s24] =	ssyncset.done $0x0  }
0x159: {  	s8 =	sor.u32 $0x1080, s5;
	[sflag:s24] =	ssyncadd.s32 $0xFFFFE000  }
0x15a: {  	[spmem:s1] =	stream.indirect.scatter.add.f32 [tilespmem:s22], [sflag:$0x3], $0x40, s8, s20, $0xb8;
	[tilespmem:$0x1A000] =	vst v63  }
0x15b: {  	_ =	swait.ge [sflag:s26], $0x2000  }
0x15c: {  	[sflag:s26] =	ssyncset.done $0x0  }
0x15d: {  	s9 =	sor.u32 $0x200, s5;
	[sflag:s26] =	ssyncadd.s32 $0xFFFFE000  }
0x15e: {  	[tilespmem:s21], [sflag:$0x1] =	stream.indirect.gather [hbm4b:s4+s20], $0x40, s9, s20, $0xb8;
	[tilespmem:$0x1A000] =	vst v63  }
0x15f: {  	_ =	swait.ge [sflag:s24], $0x2000  }
0x160: {  	[sflag:s24] =	ssyncset.done $0x0  }
0x161: {  	s10 =	sor.u32 $0x1100, s5;
	[sflag:s24] =	ssyncadd.s32 $0xFFFFE000  }
0x162: {  	[spmem:s1] =	stream.indirect.scatter.add.f32 [tilespmem:s23], [sflag:$0x3], $0x40, s10, s20, $0xb8;
	[tilespmem:$0x1A000] =	vst v63  }
0x163: {  	_ =	swait.ge [sflag:s26], $0x2000  }
0x164: {  	[sflag:s26] =	ssyncset.done $0x0  }
0x165: {  	s11 =	sor.u32 $0x280, s5;
	[sflag:s26] =	ssyncadd.s32 $0xFFFFE000  }
0x166: {  	[tilespmem:s22], [sflag:$0x1] =	stream.indirect.gather [hbm4b:s4+s20], $0x40, s11, s20, $0xb8;
	[tilespmem:$0x1A000] =	vst v63  }
0x167: {  	_ =	swait.ge [sflag:s24], $0x2000  }
0x168: {  	[sflag:s24] =	ssyncset.done $0x0  }
0x169: {  	s12 =	sor.u32 $0x1180, s5;
	[sflag:s24] =	ssyncadd.s32 $0xFFFFE000  }
0x16a: {  	[spmem:s1] =	stream.indirect.scatter.add.f32 [tilespmem:s25], [sflag:$0x3], $0x40, s12, s20, $0xb8;
	[tilespmem:$0x1A000] =	vst v63  }
0x16b: {  	_ =	swait.ge [sflag:s26], $0x2000  }
0x16c: {  	[sflag:s26] =	ssyncset.done $0x0  }
0x16d: {  	s14 =	sor.u32 $0x300, s5;
	[sflag:s26] =	ssyncadd.s32 $0xFFFFE000  }
0x16e: {  	[tilespmem:s23], [sflag:$0x1] =	stream.indirect.gather [hbm4b:s4+s20], $0x40, s14, s20, $0xb8;
	[tilespmem:$0x1A000] =	vst v63  }
0x16f: {  	_ =	swait.ge [sflag:s24], $0x2000  }
0x170: {  	[sflag:s24] =	ssyncset.done $0x0  }
0x171: {  	s17 =	sor.u32 $0x1200, s5;
	[sflag:s24] =	ssyncadd.s32 $0xFFFFE000  }
0x172: {  	[spmem:s1] =	stream.indirect.scatter.add.f32 [tilespmem:s21], [sflag:$0x3], $0x40, s17, s20, $0xb8;
	[tilespmem:$0x1A000] =	vst v63  }
0x173: {  	_ =	swait.ge [sflag:s26], $0x2000  }
0x174: {  	[sflag:s26] =	ssyncset.done $0x0  }
0x175: {  	s19 =	sor.u32 $0x380, s5;
	[sflag:s26] =	ssyncadd.s32 $0xFFFFE000  }
0x176: {  	[tilespmem:s25], [sflag:$0x1] =	stream.indirect.gather [hbm4b:s4+s20], $0x40, s19, s20, $0xb8;
	[tilespmem:$0x1A000] =	vst v63  }
0x177: {  	_ =	swait.ge [sflag:s24], $0x2000  }
0x178: {  	[sflag:s24] =	ssyncset.done $0x0  }
0x179: {  	s8 =	sor.u32 $0x1280, s5;
	[sflag:s24] =	ssyncadd.s32 $0xFFFFE000  }
0x17a: {  	[spmem:s1] =	stream.indirect.scatter.add.f32 [tilespmem:s22], [sflag:$0x3], $0x40, s8, s20, $0xb8;
	[tilespmem:$0x1A000] =	vst v63  }
0x17b: {  	_ =	swait.ge [sflag:s26], $0x2000  }
0x17c: {  	[sflag:s26] =	ssyncset.done $0x0  }
0x17d: {  	s9 =	sor.u32 $0x400, s5;
	[sflag:s26] =	ssyncadd.s32 $0xFFFFE000  }
0x17e: {  	[tilespmem:s21], [sflag:$0x1] =	stream.indirect.gather [hbm4b:s4+s20], $0x40, s9, s20, $0xb8;
	[tilespmem:$0x1A000] =	vst v63  }
0x17f: {  	_ =	swait.ge [sflag:s24], $0x2000  }
0x180: {  	[sflag:s24] =	ssyncset.done $0x0  }
0x181: {  	s10 =	sor.u32 $0x1300, s5;
	[sflag:s24] =	ssyncadd.s32 $0xFFFFE000  }
0x182: {  	[spmem:s1] =	stream.indirect.scatter.add.f32 [tilespmem:s23], [sflag:$0x3], $0x40, s10, s20, $0xb8;
	[tilespmem:$0x1A000] =	vst v63  }
0x183: {  	_ =	swait.ge [sflag:s26], $0x2000  }
0x184: {  	[sflag:s26] =	ssyncset.done $0x0  }
0x185: {  	s11 =	sor.u32 $0x480, s5;
	[sflag:s26] =	ssyncadd.s32 $0xFFFFE000  }
0x186: {  	[tilespmem:s22], [sflag:$0x1] =	stream.indirect.gather [hbm4b:s4+s20], $0x40, s11, s20, $0xb8;
	[tilespmem:$0x1A000] =	vst v63  }
0x187: {  	_ =	swait.ge [sflag:s24], $0x2000  }
0x188: {  	[sflag:s24] =	ssyncset.done $0x0  }
0x189: {  	s12 =	sor.u32 $0x1380, s5;
	[sflag:s24] =	ssyncadd.s32 $0xFFFFE000  }
0x18a: {  	[spmem:s1] =	stream.indirect.scatter.add.f32 [tilespmem:s25], [sflag:$0x3], $0x40, s12, s20, $0xb8;
	[tilespmem:$0x1A000] =	vst v63  }
0x18b: {  	_ =	swait.ge [sflag:s26], $0x2000  }
0x18c: {  	[sflag:s26] =	ssyncset.done $0x0  }
0x18d: {  	s14 =	sor.u32 $0x500, s5;
	[sflag:s26] =	ssyncadd.s32 $0xFFFFE000  }
0x18e: {  	[tilespmem:s23], [sflag:$0x1] =	stream.indirect.gather [hbm4b:s4+s20], $0x40, s14, s20, $0xb8;
	[tilespmem:$0x1A000] =	vst v63  }
0x18f: {  	_ =	swait.ge [sflag:s24], $0x2000  }
0x190: {  	[sflag:s24] =	ssyncset.done $0x0  }
0x191: {  	s17 =	sor.u32 $0x1400, s5;
	[sflag:s24] =	ssyncadd.s32 $0xFFFFE000  }
0x192: {  	[spmem:s1] =	stream.indirect.scatter.add.f32 [tilespmem:s21], [sflag:$0x3], $0x40, s17, s20, $0xb8;
	[tilespmem:$0x1A000] =	vst v63  }
0x193: {  	_ =	swait.ge [sflag:s26], $0x2000  }
0x194: {  	[sflag:s26] =	ssyncset.done $0x0  }
0x195: {  	s19 =	sor.u32 $0x580, s5;
	[sflag:s26] =	ssyncadd.s32 $0xFFFFE000  }
0x196: {  	[tilespmem:s25], [sflag:$0x1] =	stream.indirect.gather [hbm4b:s4+s20], $0x40, s19, s20, $0xb8;
	[tilespmem:$0x1A000] =	vst v63  }
0x197: {  	_ =	swait.ge [sflag:s24], $0x2000  }
0x198: {  	[sflag:s24] =	ssyncset.done $0x0  }
0x199: {  	s8 =	sor.u32 $0x1480, s5;
	[sflag:s24] =	ssyncadd.s32 $0xFFFFE000  }
0x19a: {  	[spmem:s1] =	stream.indirect.scatter.add.f32 [tilespmem:s22], [sflag:$0x3], $0x40, s8, s20, $0xb8;
	[tilespmem:$0x1A000] =	vst v63  }
0x19b: {  	_ =	swait.ge [sflag:s26], $0x2000  }
0x19c: {  	[sflag:s26] =	ssyncset.done $0x0  }
0x19d: {  	s9 =	sor.u32 $0x600, s5;
	[sflag:s26] =	ssyncadd.s32 $0xFFFFE000  }
0x19e: {  	[tilespmem:s21], [sflag:$0x1] =	stream.indirect.gather [hbm4b:s4+s20], $0x40, s9, s20, $0xb8;
	[tilespmem:$0x1A000] =	vst v63  }
0x19f: {  	_ =	swait.ge [sflag:s24], $0x2000  }
0x1a0: {  	[sflag:s24] =	ssyncset.done $0x0  }
0x1a1: {  	s10 =	sor.u32 $0x1500, s5;
	[sflag:s24] =	ssyncadd.s32 $0xFFFFE000  }
0x1a2: {  	[spmem:s1] =	stream.indirect.scatter.add.f32 [tilespmem:s23], [sflag:$0x3], $0x40, s10, s20, $0xb8;
	[tilespmem:$0x1A000] =	vst v63  }
0x1a3: {  	_ =	swait.ge [sflag:s26], $0x2000  }
0x1a4: {  	[sflag:s26] =	ssyncset.done $0x0  }
0x1a5: {  	s11 =	sor.u32 $0x680, s5;
	[sflag:s26] =	ssyncadd.s32 $0xFFFFE000  }
0x1a6: {  	[tilespmem:s22], [sflag:$0x1] =	stream.indirect.gather [hbm4b:s4+s20], $0x40, s11, s20, $0xb8;
	[tilespmem:$0x1A000] =	vst v63  }
0x1a7: {  	_ =	swait.ge [sflag:s24], $0x2000  }
0x1a8: {  	[sflag:s24] =	ssyncset.done $0x0  }
0x1a9: {  	s12 =	sor.u32 $0x1580, s5;
	[sflag:s24] =	ssyncadd.s32 $0xFFFFE000  }
0x1aa: {  	[spmem:s1] =	stream.indirect.scatter.add.f32 [tilespmem:s25], [sflag:$0x3], $0x40, s12, s20, $0xb8;
	[tilespmem:$0x1A000] =	vst v63  }
0x1ab: {  	_ =	swait.ge [sflag:s26], $0x2000  }
0x1ac: {  	[sflag:s26] =	ssyncset.done $0x0  }
0x1ad: {  	s7 =	sor.u32 $0x700, s5;
	[sflag:s26] =	ssyncadd.s32 $0xFFFFE000  }
0x1ae: {  	[tilespmem:s23], [sflag:$0x1] =	stream.indirect.gather [hbm4b:s4+s20], $0x40, s7, s20, $0xb8;
	[tilespmem:$0x1A000] =	vst v63  }
0x1af: {  	_ =	swait.ge [sflag:s24], $0x2000  }
0x1b0: {  	[sflag:s24] =	ssyncset.done $0x0  }
0x1b1: {  	s8 =	sor.u32 $0x1600, s5;
	[sflag:s24] =	ssyncadd.s32 $0xFFFFE000  }
0x1b2: {  	[spmem:s1] =	stream.indirect.scatter.add.f32 [tilespmem:s21], [sflag:$0x3], $0x40, s8, s20, $0xb8;
	[tilespmem:$0x1A000] =	vst v63  }
0x1b3: {  	_ =	swait.ge [sflag:s26], $0x2000  }
0x1b4: {  	[sflag:s26] =	ssyncset.done $0x0  }
0x1b5: {  	s14 =	sor.u32 $0x780, s5;
	[sflag:s26] =	ssyncadd.s32 $0xFFFFE000  }
0x1b6: {  	[tilespmem:s25], [sflag:$0x1] =	stream.indirect.gather [hbm4b:s4+s20], $0x40, s14, s20, $0xb8;
	[tilespmem:$0x1A000] =	vst v63  }
0x1b7: {  	_ =	swait.ge [sflag:s24], $0x2000  }
0x1b8: {  	[sflag:s24] =	ssyncset.done $0x0  }
0x1b9: {  	s17 =	sor.u32 $0x1680, s5;
	[sflag:s24] =	ssyncadd.s32 $0xFFFFE000  }
0x1ba: {  	[spmem:s1] =	stream.indirect.scatter.add.f32 [tilespmem:s22], [sflag:$0x3], $0x40, s17, s20, $0xb8;
	[tilespmem:$0x1A000] =	vst v63  }
0x1bb: {  	_ =	swait.ge [sflag:s26], $0x2000  }
0x1bc: {  	p0 =	seq.s32 s30, $0xF;
	[sflag:s26] =	ssyncset.done $0x0  }
0x1bd: {  	s9 =	simm.s32 @p0 $0x1;
	[sflag:s26] =	ssyncadd.s32 $0xFFFFE000  }
0x1be: {  	_ =	swait.ge @p0 [sflag:s9], $0x2000  }
0x1bf: {  	s10 =	simm.s32 @p0 $0x6000;
	[sflag:s9] =	ssyncset.done @p0 $0x0  }
0x1c0: {  	s11 =	simm.s32 @p0 $0x80;
	[sflag:s9] =	ssyncadd.s32 @p0 $0xFFFFE000;
	s9 =	sor.u32 @p0 $0x1000, s7  }
0x1c1: {  	[spmem:s1] =	stream.indirect.scatter.add.f32 @p0 [tilespmem:s10], [sflag:$0x3], $0x40, s9, s11, $0xb8;
	[tilespmem:$0x1A000] =	vst v63  }
0x1c2: {  	s9 =	simm.s32 @p0 $0x3  }
0x1c3: {  	_ =	swait.ge @p0 [sflag:s9], $0x2000  }
0x1c4: {  	[sflag:s9] =	ssyncset.done @p0 $0x0  }
0x1c5: {  	[sflag:s9] =	ssyncadd.s32 @p0 $0xFFFFE000;
	s9 =	simm.s32 @!p0 $0x2  }
0x1c6: {  	_ =	swait.ge @!p0 [sflag:s9], $0x800  }
0x1c7: {  	[sflag:s9] =	ssyncset.done @!p0 $0x0  }
0x1c8: {  	[sflag:s9] =	ssyncadd.s32 @!p0 $0xFFFFF800  }
0x1c9: {  	s3 =	sshll.u32 @!p0 s3, $0xB;
	_ =	swait.ge @!p0 [sflag:s9], $0x800  }
0x1ca: {  	s3 =	sxor.u32 @!p0 $0x800, s3;
	[sflag:s9] =	ssyncset.done @!p0 $0x0  }
0x1cb: {  	s10 =	simm.s32 @!p0 $0x2000;
	[sflag:s9] =	ssyncadd.s32 @!p0 $0xFFFFF800;
	s9 =	simm.s32 @!p0 $0x80  }
0x1cc: {  	[tilespmem:s10], [sflag:$0x1] =	stream.indirect.gather @!p0 [hbm4b:s4+s9], $0x40, s3, s9, $0xb8;
	[tilespmem:$0x1A000] =	vst v63  }
0x1cd: {  	s10 =	simm.s32 @!p0 $0x1  }
0x1ce: {  	_ =	swait.ge @!p0 [sflag:s10], $0x2000  }
0x1cf: {  	[sflag:s10] =	ssyncset.done @!p0 $0x0  }
0x1d0: {  	s7 =	sor.u32 @!p0 $0x1000, s7;
	[sflag:s10] =	ssyncadd.s32 @!p0 $0xFFFFE000;
	s10 =	simm.s32 @!p0 $0x6000  }
0x1d1: {  	[spmem:s1] =	stream.indirect.scatter.add.f32 @!p0 [tilespmem:s10], [sflag:$0x3], $0x40, s7, s9, $0xb8;
	[tilespmem:$0x1A000] =	vst v63  }
0x1d2: {  	s7 =	simm.s32 @!p0 $0x3  }
0x1d3: {  	_ =	swait.ge @!p0 [sflag:s7], $0x2000  }
0x1d4: {  	[sflag:s7] =	ssyncset.done @!p0 $0x0  }
0x1d5: {  	s3 =	sor.u32 @!p0 $0x80, s3;
	[sflag:s7] =	ssyncadd.s32 @!p0 $0xFFFFE000;
	s7 =	simm.s32 @!p0 $0x4000  }
0x1d6: {  	[tilespmem:s7], [sflag:$0x1] =	stream.indirect.gather @!p0 [hbm4b:s4+s9], $0x40, s3, s9, $0xb8;
	[tilespmem:$0x1A000] =	vst v63  }
0x1d7: {  	_ =	swait.ge [sflag:s24], $0x2000  }
0x1d8: {  	[sflag:s24] =	ssyncset.done $0x0  }
0x1d9: {  	s19 =	sor.u32 $0x1000, s14;
	[sflag:s24] =	ssyncadd.s32 $0xFFFFE000  }
0x1da: {  	[spmem:s1] =	stream.indirect.scatter.add.f32 [tilespmem:s25], [sflag:$0x3], $0x40, s19, s20, $0xb8;
	[tilespmem:$0x1A000] =	vst v63  }
0x1db: {  	_ =	swait.ge [sflag:s26], $0x2000  }
0x1dc: {  	[sflag:s26] =	ssyncset.done $0x0  }
0x1dd: {  	[sflag:s26] =	ssyncadd.s32 $0xFFFFE000  }
0x1de: {  	_ =	swait.ge [sflag:s26], $0x2000  }
0x1df: {  	p0 =	sgt.u32 s30, $0xD;
	[sflag:s26] =	ssyncset.done $0x0  }
0x1e0: {  	s3 =	sadd.s32 $0x100, s31;
	s7 =	simm.s32 @!p0 $0x0;
	[sflag:s26] =	ssyncadd.s32 $0xFFFFE000  }
0x1e1: {  	[tilespmem:s5], [sflag:$0x2] =	stream.linear.gather @!p0 [hbm4b:s3+s7], $0x800, $0x38;
	[tilespmem:$0x1A000] =	vst v63  }
0x1e2: {  	_ = 	snop  }
0x1e3: {  	[tilespmem:s0], [sflag:$0x2] =	stream.linear.gather @!p0 [hbm4b:s29+s7], $0x800, $0x38;
	[tilespmem:$0x1A000] =	vst v63  }
0x1e4: {  	[bflag:$0x0] =	sbarrier.arrive $0xFFFF  }
0x1e5: {  	s30 =	rddreg [dreg:$0x9]  }
0x1e6: {  	[hbm:s30], [sflag:s6] =	dma.local [spmem:s15], $0x2000  }
0x1e7: {  	_ =	swait.ge [sflag:s16], $0x2000  }
0x1e8: {  	s28 =	sadd.s32 $0x1, s28;
	s31 =	rddreg [dreg:$0xa]  }
0x1e9: {  	p0 =	sne.s32 s28, s31  }
.Ltmp1:
0x1ea: {  	_ = 	snop;
	(pc) =	sbr.rel @p0 .LBB2_1-.Ltmp1, $3  }
0x1eb: {  	_ =	sdelay $0x1  }
0x1ec: {  	[sflag:s16] =	ssyncset.done $0x0  }
0x1ed: {  	[sflag:s16] =	ssyncadd.s32 $0xFFFFE000  }
0x1ee: {  	_ =	sfence.sel $0x180000  }
0x1ef: {  	[bflag:$0x0] =	sbarrier.arrive $0xFFFF  }
0x1f0: {  	_ =	strace $0x9000004A  }
0x1f1: {  	s0 =	stileid.u32;
	[bflag:$0x2] =	sbarrier.arrive $0xFFFF  }
0x1f2: {  	p0 =	sne.s32 s0, $0x0;
	s0 =	rddreg [dreg:$0x3]  }
0x1f3: {  	s0 =	sadd.s32 @!p0 $0x100000, s0  }
0x1f4: {  	[sflag:s0] =	ssyncadd.tile.s32 @!p0 $0x1;
	_ =	shalt  }
.Lfunc_end2:
_tile_overlayer_lowered:
.L_overlay_start_2:
0x1f5: {  	(tag) =	ssettag $0x2  }
0x1f6: {  	s0 =	rddreg [dreg:$0x0];
	s2 =	stileid.u32  }
0x1f7: {  	s1 =	rddreg [dreg:$0x1];
	p0 =	sne.s32 s2, $0x0  }
0x1f8: {  	s3 =	rddreg [dreg:$0x2];
	[bflag:$0x3] =	sbarrier.arrive $0xFFFF;
	s2 =	simm.s32 @!p0 $0x1C04  }
0x1f9: {  	[timem:s3], [sflag:s2] =	dma.local @!p0 [hbm:s0], s1  }
0x1fa: {  	s0 =	simm.s32 @!p0 $0x4  }
0x1fb: {  	_ =	swait.ge @!p0 [sflag:s0], s1  }
0x1fc: {  	s1 =	ssub.s32 @!p0 $0x0, s1;
	[sflag:s0] =	ssyncset.done @!p0 $0x0  }
0x1fd: {  	[sflag:s0] =	ssyncadd.s32 @!p0 s1  }
0x1fe: {  	[bflag:$0x3] =	sbarrier.arrive $0xFFFF  }
0x1ff: {  	_ =	shalt  }

// kernel: kernel.5.cloned.1.call-start
scs
__scs_entry_jumppad:
0x0: {  	(pc) =	sbr.rel $0x88, $3  }
0x1: {  	(tag) =	ssettag $0x0;
	lr =	simm.s32 $0x1  }
0x2: {  	[smem:$0x3F9A] =	sst lr;
	_ =	strace $0xD0000000  }
0x3: {  	_ = 	snop  }
0x4: {  	_ = 	snop  }
0x5: {  	_ = 	snop  }
0x6: {  	_ = 	snop  }
0x7: {  	_ = 	snop  }
__scs_overlays_trampoline_lowered:
0x8: {  	[smem:$0x3FA9] =	sst s0  }
0x9: {  	[smem:$0x3FAA] =	sst s1  }
0xa: {  	[smem:$0x3FAB] =	sst s2  }
0xb: {  	[smem:$0x3FAC] =	sst s3  }
0xc: {  	[smem:$0x3FAD] =	sst s4  }
0xd: {  	[smem:$0x3FAE] =	sst s5  }
0xe: {  	[smem:$0x3FAF] =	sst s6  }
0xf: {  	[smem:$0x3FB0] =	sst s7  }
0x10: {  	[smem:$0x3FB1] =	sst s8  }
0x11: {  	[smem:$0x3FB2] =	sst s9;
	s0 =	simm.s32 @!p0 $0x0  }
0x12: {  	s1 =	sld [smem:$0x3F98];
	s0 =	simm.s32 @p0 $0x1  }
0x13: {  	[smem:$0x3FB3] =	sst s0;
	s0 =	simm.s32 @!p1 $0x0  }
0x14: {  	s2 =	sld [smem:$0x3F97];
	s0 =	simm.s32 @p1 $0x1  }
0x15: {  	[smem:$0x3FB4] =	sst s0;
	s0 =	simm.s32 @!p2 $0x0  }
0x16: {  	s3 =	sld [smem:$0x3FDB];
	s0 =	simm.s32 @p2 $0x1  }
0x17: {  	s4 =	simm.s32 $0x1BF5;
	[smem:$0x3FB6] =	sst s0  }
0x18: {  	s0 =	sld [smem:$0x3F99];
	_ =	swait.ge [sflag:s4], $0x0  }
0x19: {  	s7 =	sld [smem:$0x3F9A]  }
0x1a: {  	s8 =	sadd.s32 $0xFFFFE003, lr  }
0x1b: {  	s9 =	sadd.s32 $0xFFFFFEF7, lr;
	s5 =	simm.s32 $0xFFFFFFFF;
	p2 =	slt.u32 s8, $0xFFFFF086  }
0x1c: {  	p1 =	slt.u32 s9, $0xF7A;
	s5 =	simm.s32 @!p2 $0x0  }
0x1d: {  	s5 =	simm.s32 @p1 $0x1;
	p0 =	seq.s32 s7, s2  }
0x1e: {  	s7 =	smul.u32 @!p0 $0xF7A, s2;
	p2 =	seq.s32 @!p0 s5, $0x0  }
0x1f: {  	s9 =	smul.u32 $0xF7A, s1;
	s8 =	simm.s32 @!p0 $0x1BF5;
	p2 =	por !p2, p0  }
0x20: {  	[sflag:s8] =	ssyncset.s32 @!p0 $0xFFFFF086;
	s6 =	sadd.s32 @!p0 s3, s7;
	s7 =	simm.s32 @!p0 $0x108  }
0x21: {  	s3 =	sadd.s32 s3, s9;
	s6 =	sadd.s32 @!p0 $0x88, s6;
	s7 =	simm.s32 @p2 $0x1082  }
0x22: {  	[simem:s7], [sflag:s8] =	dma.local @!p0 [hbm:s6], $0xF7A  }
0x23: {  	s9 =	sor.u32 $0xD0000000, s2;
	s6 =	simm.s32 $0x108;
	_ =	swait.ge @!p0 [sflag:s8], $0x0  }
0x24: {  	s3 =	sadd.s32 $0x88, s3;
	s6 =	simm.s32 @!p1 $0x1082;
	[sflag:s4] =	ssyncset.s32 $0xFFFFF086  }
0x25: {  	[simem:s6], [sflag:s4] =	dma.local [hbm:s3], $0xF7A  }
0x26: {  	[smem:$0x3F9A] =	sst s1;
	(tag) =	ssettag s2;
	_ =	strace s9  }
0x27: {  	s1 =	sld [smem:$0x3FAA]  }
0x28: {  	s2 =	sld [smem:$0x3FAB]  }
0x29: {  	s4 =	sld [smem:$0x3FAD]  }
0x2a: {  	p0 =	seq.s32 s5, $0x0;
	s5 =	sld [smem:$0x3FAE]  }
0x2b: {  	s6 =	sld [smem:$0x3FAF]  }
0x2c: {  	s7 =	sld [smem:$0x3FB0]  }
0x2d: {  	s3 =	simm.s32 $0x108;
	s8 =	sld [smem:$0x3FB1]  }
0x2e: {  	s3 =	simm.s32 @!p0 $0x1082;
	s9 =	sld [smem:$0x3FB2]  }
0x2f: {  	lr =	sadd.s32 s0, s3;
	s0 =	sld [smem:$0x3FA9]  }
0x30: {  	s3 =	sld [smem:$0x3FAC]  }
0x31: {  	[smem:$0x3FB5] =	sst s10  }
0x32: {  	s10 =	sld [smem:$0x3FB3];
	_ =	sdelay $0x3  }
0x33: {  	p0 =	seq.s32 s10, $0x1;
	s10 =	sld [smem:$0x3FB5];
	_ =	sdelay $0x3  }
0x34: {  	[smem:$0x3FB5] =	sst s10  }
0x35: {  	s10 =	sld [smem:$0x3FB4];
	_ =	sdelay $0x3  }
0x36: {  	p1 =	seq.s32 s10, $0x1;
	s10 =	sld [smem:$0x3FB5];
	_ =	sdelay $0x3  }
0x37: {  	[smem:$0x3FB5] =	sst s10  }
0x38: {  	s10 =	sld [smem:$0x3FB6]  }
0x39: {  	_ = 	snop;
	(pc) =	sbr.ind lr, $3  }
0x3a: {  	_ = 	snop  }
0x3b: {  	_ = 	snop  }
0x3c: {  	p2 =	seq.s32 s10, $0x1;
	s10 =	sld [smem:$0x3FB5]  }
0x3d: {  	_ =	shalt  }
0x3e: {  	_ =	shalt  }
0x3f: {  	_ =	shalt  }
0x40: {  	_ =	shalt  }
0x41: {  	_ =	shalt  }
0x42: {  	_ =	shalt  }
0x43: {  	_ =	shalt  }
0x44: {  	_ =	shalt  }
0x45: {  	_ =	shalt  }
0x46: {  	_ =	shalt  }
0x47: {  	_ =	shalt  }
0x48: {  	_ =	shalt  }
0x49: {  	_ =	shalt  }
0x4a: {  	_ =	shalt  }
0x4b: {  	_ =	shalt  }
0x4c: {  	_ =	shalt  }
0x4d: {  	_ =	shalt  }
0x4e: {  	_ =	shalt  }
0x4f: {  	_ =	shalt  }
0x50: {  	_ =	shalt  }
0x51: {  	_ =	shalt  }
0x52: {  	_ =	shalt  }
0x53: {  	_ =	shalt  }
0x54: {  	_ =	shalt  }
0x55: {  	_ =	shalt  }
0x56: {  	_ =	shalt  }
0x57: {  	_ =	shalt  }
0x58: {  	_ =	shalt  }
0x59: {  	_ =	shalt  }
0x5a: {  	_ =	shalt  }
0x5b: {  	_ =	shalt  }
0x5c: {  	_ =	shalt  }
0x5d: {  	_ =	shalt  }
0x5e: {  	_ =	shalt  }
0x5f: {  	_ =	shalt  }
0x60: {  	_ =	shalt  }
0x61: {  	_ =	shalt  }
0x62: {  	_ =	shalt  }
0x63: {  	_ =	shalt  }
0x64: {  	_ =	shalt  }
0x65: {  	_ =	shalt  }
0x66: {  	_ =	shalt  }
0x67: {  	_ =	shalt  }
0x68: {  	_ =	shalt  }
0x69: {  	_ =	shalt  }
0x6a: {  	_ =	shalt  }
0x6b: {  	_ =	shalt  }
0x6c: {  	_ =	shalt  }
0x6d: {  	_ =	shalt  }
0x6e: {  	_ =	shalt  }
0x6f: {  	_ =	shalt  }
0x70: {  	_ =	shalt  }
0x71: {  	_ =	shalt  }
0x72: {  	_ =	shalt  }
0x73: {  	_ =	shalt  }
0x74: {  	_ =	shalt  }
0x75: {  	_ =	shalt  }
0x76: {  	_ =	shalt  }
0x77: {  	_ =	shalt  }
0x78: {  	_ =	shalt  }
0x79: {  	_ =	shalt  }
0x7a: {  	_ =	shalt  }
0x7b: {  	_ =	shalt  }
0x7c: {  	_ =	shalt  }
0x7d: {  	_ =	shalt  }
0x7e: {  	_ =	shalt  }
0x7f: {  	_ =	shalt  }
0x80: {  	_ =	shalt  }
0x81: {  	_ =	shalt  }
0x82: {  	_ =	shalt  }
0x83: {  	_ =	shalt  }
0x84: {  	_ =	shalt  }
0x85: {  	_ =	shalt  }
0x86: {  	_ =	shalt  }
0x87: {  	_ =	shalt  }
.Lfunc_end0:
.L_simem_size_0:
called_computation.1_lowered:
.L_overlay_start_0:
0x88: {  	s2 =	sld [smem:$0x3FD9]  }
0x89: {  	s3 =	sld [smem:$0x3FFE];
	_ =	sdelay $0x1  }
0x8a: {  	s1 =	srdreg.scid  }
0x8b: {  	s0 =	sand.u32 $0x1, s1  }
0x8c: {  	s16 =	sshll.u32 s0, $0xA;
	s2 =	sadd.s32 s3, s2  }
0x8d: {  	s2 =	sadd.s32 s2, s16  }
0x8e: {  	[smem:$0x3FC1] =	sst s2  }
0x8f: {  	_ = 	snop  }
0x90: {  	(tm) =	ssettm $0x1  }
0x91: {  	s17 =	sld [smem:$0x3FFB];
	_ =	sdelay $0x3  }
0x92: {  	_ =	strace s17  }
0x93: {  	s2 =	sld [smem:$0x3FFC];
	_ =	sdelay $0x3  }
0x94: {  	_ =	strace s2  }
0x95: {  	s2 =	sld [smem:$0x3FFD];
	_ =	sdelay $0x3  }
0x96: {  	_ =	strace s2  }
0x97: {  	_ =	strace $0x8FFFFFFF  }
0x98: {  	s18 =	sld [smem:$0x3FDB];
	_ =	sdelay $0x1  }
0x99: {  	s19 =	simm.s32 $_scs_section_size  }
0x9a: {  	s4 =	simm.s32 $_size__tile_overlayer_lowered;
	s5 =	simm.s32 $_tile_overlayer_lowered  }
0x9b: {  	s22 =	simm.s32 $0x1BFF;
	s21 =	sshll.u32 s5, $0x1;
	s2 =	sadd.s32 s19, s18  }
0x9c: {  	s6 =	simm.s32 $0x0;
	s20 =	sshll.u32 s4, $0x1;
	s4 =	sadd.s32 s21, s2  }
0x9d: {  	[timem:s6], [sflag:s22] =	dma.local [hbm:s4], s20  }
0x9e: {  	_ =	swait.ge [sflag:s22], s20  }
0x9f: {  	s3 =	ssub.s32 $0x0, s20;
	[sflag:s22] =	ssyncset.done $0x0  }
0xa0: {  	[sflag:s22] =	ssyncadd.s32 s3;
	_ =	sdelay $0x1  }
0xa1: {  	s23 =	simm.s32 $0x1B8B  }
0xa2: {  	_ =	swait.ge [sflag:s23], $0x1  }
0xa3: {  	[sflag:s23] =	ssyncset.done $0x0  }
0xa4: {  	s25 =	simm.s32 $0x1B8E;
	s24 =	sld [smem:$0x3FFE];
	[sflag:s23] =	ssyncadd.s32 $0xFFFFFFFF  }
0xa5: {  	s26 =	simm.s32 $execute0_lowered;
	[smem:$0x3FD2] =	sst s25  }
0xa6: {  	s4 =	sshll.u32 s26, $0x1;
	_ =	strace $0x80000046;
	[dreg:$0x1] =	wrdreg $0xFFFFFFFF  }
0xa7: {  	s28 =	simm.s32 $_size_execute0_lowered;
	s2 =	sadd.s32 s2, s4;
	[dreg:$0x0] =	wrdreg $0x0  }
0xa8: {  	s4 =	sshll.u32 s28, $0x1;
	[dreg:$0x2] =	wrdreg s2  }
0xa9: {  	[dreg:$0x3] =	wrdreg s4  }
0xaa: {  	[dreg:$0x4] =	wrdreg $0xC0  }
0xab: {  	_ =	task [dreg:s6], $0x5FFFF  }
0xac: {  	[dreg:$0x1] =	wrdreg $0xFFFFFFFF  }
0xad: {  	[dreg:$0x0] =	wrdreg $0x60  }
0xae: {  	[dreg:$0x2] =	wrdreg s24  }
0xaf: {  	[dreg:$0x3] =	wrdreg $0x9  }
0xb0: {  	_ =	task.clear_ibuf [dreg:s6], $0x4FFFF;
	_ =	strace $0x90000046  }
0xb1: {  	s29 =	simm.s32 $0x9;
	_ =	strace $0x80000048  }
0xb2: {  	_ =	swait.ge [sflag:s29], $0x1  }
0xb3: {  	[sflag:s29] =	ssyncadd.s32 $0xFFFFFFFF  }
0xb4: {  	_ =	strace $0x90000048  }
0xb5: {  	_ =	sfence  }
0xb6: {  	s30 =	sld [smem:$0x0];
	_ =	sdelay $0x2  }
0xb7: {  	s31 =	sshll.u32 s1, $0xD;
	s1 =	sshrl.u32 s1, $0x2  }
0xb8: {  	s3 =	sand.u32 $0x4000, s31;
	s1 =	sadd.s32 s1, s30  }
0xb9: {  	s0 =	sor.u32 s3, s0;
	s1 =	sshll.u32 s1, $0x11  }
0xba: {  	s0 =	sor.u32 s1, s0  }
0xbb: {  	s0 =	sadd.s32 $0x8F2B, s0  }
0xbc: {  	[sflag:s0] =	ssyncadd.remote.s32 $0x1  }
0xbd: {  	_ =	sfence.sel $0xFFFF  }
0xbe: {  	[dreg:$0x0] =	wrdreg $0xFFFFFFFF;
	(pc) =	sbr.abs _section_cstart, $3  }
0xbf: {  	[dreg:$0x1] =	wrdreg $0xFFFFFFFF  }
0xc0: {  	_ =	task.clear_ibuf [dreg:s6], $0x2FFFF;
	_ =	strace $0x9FFFFFFF  }
0xc1: {  	(tm) =	ssettm $0x7FFFFFFF  }
tec
execute0_lowered:
.L_overlay_start_1:
0x0: {  	(tag) =	ssettag $0x1  }
0x1: {  	s4 =	rddreg [dreg:$0x0]  }
0x2: {  	s0 =	rddreg [dreg:$0x1];
	s2 =	simm.s32 $0x0;
	s3 =	srdreg.scid  }
0x3: {  	s1 =	stileid.u32;
	s10 =	simm.s32 $0x1000;
	s11 =	simm.s32 $0x1  }
0x4: {  	s12 =	simm.s32 $0x0;
	[smem:$0x7FF] =	sst s2;
	s3 =	sand.u32 $0x1, s3  }
0x5: {  	s6 =	sshll.u32 s1, $0xB;
	s5 =	sshll.u32 s3, $0xF;
	s7 =	ssub.s32 $0x2, s3  }
0x6: {  	_ =	strace $0x80000047;
	s5 =	sor.u32 s6, s5;
	s31 =	sshrl.u32 s7, $0x1  }
0x7: {  	s3 =	sadd.s32 $0x12A00, s4;
	s8 =	sadd.s32 s5, s4;
	s9 =	ssub.s32 s7, s31  }
0x8: {  	s4 =	sadd.s32 $0x2A00, s8;
	s5 =	sadd.s32 $0x2C00, s8;
	s6 =	sadd.s32 $0x2E00, s8  }
0x9: {  	v0 =	vimm.f32 $1.000000000e+00;
	s7 =	sadd.s32 $0x3000, s8;
	s8 =	sadd.s32 $0x13200, s8;
	s9 =	smax.u32 s9, $0x1  }
.LBB2_1:
0xa: {  	[tilespmem:s10], [sflag:$0x1] =	stream.linear.gather [hbm4b:s3+s2], $0x4000, $0x38;
	[tilespmem:$0x5000] =	vst v63  }
0xb: {  	_ =	swait.ge [sflag:s11], $0x4000  }
0xc: {  	[sflag:s11] =	ssyncset.done $0x0  }
0xd: {  	[sflag:s11] =	ssyncadd.s32 $0xFFFFC000  }
0xe: {  	[tilespmem:s2], [sflag:$0x1] =	stream.linear.gather [hbm4b:s4+s2], $0x1000, $0x38;
	[tilespmem:$0x5000] =	vst v63  }
0xf: {  	s13 =	sand.u32 $0x3E00, s2;
	_ =	swait.ge [sflag:s11], $0x1000  }
0x10: {  	s14 =	sand.u32 $0x70, s2;
	s13 =	sshrl.u32 s13, $0x2;
	[sflag:s11] =	ssyncset.done $0x0  }
0x11: {  	s13 =	sor.u32 s14, s13;
	[sflag:s11] =	ssyncadd.s32 $0xFFFFF000  }
0x12: {  	v1 =	vld [tilespmem:s13+$0x0];
	_ =	sdelay $0x4  }
0x13: {  	s15 =	simm.s32 $0x40  }
0x14: {  	s15 =	sand.u32 $0x3E00, s15;
	s14 =	simm.s32 $0x80;
	s13 =	simm.s32 $0x10  }
.LBB2_2:
0x15: {  	p0 =	sne.s32 s14, $0x3FC0;
	s16 =	sand.u32 $0x70, s13;
	s15 =	sshrl.u32 s15, $0x2  }
0x16: {  	s15 =	sor.u32 s16, s15;
	[tilespmem:v1+s10+$0x0] =	vst.idx.add.f32.msk $0xffff, v0  }
0x17: {  	v1 =	vld [tilespmem:s15+$0x0];
	_ =	sdelay $0x1  }
.Ltmp0:
0x18: {  	(pc) =	sbr.rel @p0 .LBB2_2-.Ltmp0, $2  }
0x19: {  	_ =	sdelay $0x2  }
0x1a: {  	s13 =	sadd.s32 $0x10, s13;
	s15 =	sand.u32 $0x3E00, s14;
	s14 =	sadd.s32 $0x40, s14  }
0x1b: {  	_ =	sdelay $0x2  }
0x1c: {  	s13 =	sand.u32 $0x70, s13;
	s14 =	sshrl.u32 s15, $0x2  }
0x1d: {  	[tilespmem:v1+s10+$0x0] =	vst.idx.add.f32.msk $0xffff, v0;
	s13 =	sor.u32 s13, s14  }
0x1e: {  	v1 =	vld [tilespmem:s13+$0x0];
	_ =	sdelay $0x7  }
0x1f: {  	s29 =	simm.s32 $0x0;
	[tilespmem:v1+s10+$0x0] =	vst.idx.add.f32.msk $0xffff, v0  }
0x20: {  	[tilespmem:s29], [sflag:$0x1] =	stream.linear.gather [hbm4b:s5+s29], $0x1000, $0x38;
	[tilespmem:$0x5000] =	vst v63  }
0x21: {  	s30 =	sand.u32 $0x3E00, s29;
	_ =	swait.ge [sflag:s11], $0x1000  }
0x22: {  	s13 =	sand.u32 $0x70, s29;
	s14 =	sshrl.u32 s30, $0x2;
	[sflag:s11] =	ssyncset.done $0x0  }
0x23: {  	s13 =	sor.u32 s13, s14;
	[sflag:s11] =	ssyncadd.s32 $0xFFFFF000  }
0x24: {  	v1 =	vld [tilespmem:s13+$0x0];
	_ =	sdelay $0x4  }
0x25: {  	s31 =	simm.s32 $0x40  }
0x26: {  	s15 =	sand.u32 $0x3E00, s31;
	s14 =	simm.s32 $0x80;
	s13 =	simm.s32 $0x10  }
.LBB2_4:
0x27: {  	p0 =	sne.s32 s14, $0x3FC0;
	s16 =	sand.u32 $0x70, s13;
	s15 =	sshrl.u32 s15, $0x2  }
0x28: {  	s15 =	sor.u32 s16, s15;
	[tilespmem:v1+s10+$0x0] =	vst.idx.add.f32.msk $0xffff, v0  }
0x29: {  	v1 =	vld [tilespmem:s15+$0x0];
	_ =	sdelay $0x1  }
.Ltmp1:
0x2a: {  	(pc) =	sbr.rel @p0 .LBB2_4-.Ltmp1, $2  }
0x2b: {  	_ =	sdelay $0x2  }
0x2c: {  	s13 =	sadd.s32 $0x10, s13;
	s15 =	sand.u32 $0x3E00, s14;
	s14 =	sadd.s32 $0x40, s14  }
0x2d: {  	_ =	sdelay $0x2  }
0x2e: {  	s13 =	sand.u32 $0x70, s13;
	s14 =	sshrl.u32 s15, $0x2  }
0x2f: {  	[tilespmem:v1+s10+$0x0] =	vst.idx.add.f32.msk $0xffff, v0;
	s13 =	sor.u32 s13, s14  }
0x30: {  	v1 =	vld [tilespmem:s13+$0x0];
	_ =	sdelay $0x7  }
0x31: {  	s29 =	simm.s32 $0x0;
	[tilespmem:v1+s10+$0x0] =	vst.idx.add.f32.msk $0xffff, v0  }
0x32: {  	[tilespmem:s29], [sflag:$0x1] =	stream.linear.gather [hbm4b:s6+s29], $0x1000, $0x38;
	[tilespmem:$0x5000] =	vst v63  }
0x33: {  	s30 =	sand.u32 $0x3E00, s29;
	_ =	swait.ge [sflag:s11], $0x1000  }
0x34: {  	s13 =	sand.u32 $0x70, s29;
	s14 =	sshrl.u32 s30, $0x2;
	[sflag:s11] =	ssyncset.done $0x0  }
0x35: {  	s13 =	sor.u32 s13, s14;
	[sflag:s11] =	ssyncadd.s32 $0xFFFFF000  }
0x36: {  	v1 =	vld [tilespmem:s13+$0x0];
	_ =	sdelay $0x4  }
0x37: {  	s31 =	simm.s32 $0x40  }
0x38: {  	s15 =	sand.u32 $0x3E00, s31;
	s14 =	simm.s32 $0x80;
	s13 =	simm.s32 $0x10  }
.LBB2_6:
0x39: {  	p0 =	sne.s32 s14, $0x3FC0;
	s16 =	sand.u32 $0x70, s13;
	s15 =	sshrl.u32 s15, $0x2  }
0x3a: {  	s15 =	sor.u32 s16, s15;
	[tilespmem:v1+s10+$0x0] =	vst.idx.add.f32.msk $0xffff, v0  }
0x3b: {  	v1 =	vld [tilespmem:s15+$0x0];
	_ =	sdelay $0x1  }
.Ltmp2:
0x3c: {  	(pc) =	sbr.rel @p0 .LBB2_6-.Ltmp2, $2  }
0x3d: {  	_ =	sdelay $0x2  }
0x3e: {  	s13 =	sadd.s32 $0x10, s13;
	s15 =	sand.u32 $0x3E00, s14;
	s14 =	sadd.s32 $0x40, s14  }
0x3f: {  	_ =	sdelay $0x2  }
0x40: {  	s13 =	sand.u32 $0x70, s13;
	s14 =	sshrl.u32 s15, $0x2  }
0x41: {  	[tilespmem:v1+s10+$0x0] =	vst.idx.add.f32.msk $0xffff, v0;
	s13 =	sor.u32 s13, s14  }
0x42: {  	v1 =	vld [tilespmem:s13+$0x0];
	_ =	sdelay $0x7  }
0x43: {  	s29 =	simm.s32 $0x0;
	[tilespmem:v1+s10+$0x0] =	vst.idx.add.f32.msk $0xffff, v0  }
0x44: {  	[tilespmem:s29], [sflag:$0x1] =	stream.linear.gather [hbm4b:s7+s29], $0x1000, $0x38;
	[tilespmem:$0x5000] =	vst v63  }
0x45: {  	s30 =	sand.u32 $0x3E00, s29;
	_ =	swait.ge [sflag:s11], $0x1000  }
0x46: {  	s13 =	sand.u32 $0x70, s29;
	s14 =	sshrl.u32 s30, $0x2;
	[sflag:s11] =	ssyncset.done $0x0  }
0x47: {  	s13 =	sor.u32 s13, s14;
	[sflag:s11] =	ssyncadd.s32 $0xFFFFF000  }
0x48: {  	v1 =	vld [tilespmem:s13+$0x0];
	_ =	sdelay $0x4  }
0x49: {  	s31 =	simm.s32 $0x40  }
0x4a: {  	s15 =	sand.u32 $0x3E00, s31;
	s14 =	simm.s32 $0x80;
	s13 =	simm.s32 $0x10  }
.LBB2_8:
0x4b: {  	p0 =	sne.s32 s14, $0x3FC0;
	s16 =	sand.u32 $0x70, s13;
	s15 =	sshrl.u32 s15, $0x2  }
0x4c: {  	s15 =	sor.u32 s16, s15;
	[tilespmem:v1+s10+$0x0] =	vst.idx.add.f32.msk $0xffff, v0  }
0x4d: {  	v1 =	vld [tilespmem:s15+$0x0];
	_ =	sdelay $0x1  }
.Ltmp3:
0x4e: {  	(pc) =	sbr.rel @p0 .LBB2_8-.Ltmp3, $2  }
0x4f: {  	_ =	sdelay $0x2  }
0x50: {  	s13 =	sadd.s32 $0x10, s13;
	s15 =	sand.u32 $0x3E00, s14;
	s14 =	sadd.s32 $0x40, s14  }
0x51: {  	_ =	sdelay $0x2  }
0x52: {  	s13 =	sand.u32 $0x70, s13;
	s14 =	sshrl.u32 s15, $0x2  }
0x53: {  	[tilespmem:v1+s10+$0x0] =	vst.idx.add.f32.msk $0xffff, v0;
	s13 =	sor.u32 s13, s14  }
0x54: {  	v1 =	vld [tilespmem:s13+$0x0];
	_ =	sdelay $0x5  }
0x55: {  	s12 =	sadd.s32 $0x1, s12  }
0x56: {  	p0 =	sne.s32 s12, s9  }
.Ltmp4:
0x57: {  	[tilespmem:v1+s10+$0x0] =	vst.idx.add.f32.msk $0xffff, v0;
	(pc) =	sbr.rel @p0 .LBB2_1-.Ltmp4, $4  }
0x58: {  	[hbm4b:s8+s2] =	stream.linear.scatter [tilespmem:s10], [sflag:$0x1], $0x4000, $0x38;
	[tilespmem:$0x5000] =	vst v63  }
0x59: {  	_ =	swait.ge [sflag:s11], $0x4000  }
0x5a: {  	[sflag:s11] =	ssyncset.done $0x0  }
0x5b: {  	[sflag:s11] =	ssyncadd.s32 $0xFFFFC000  }
0x5c: {  	_ =	sfence.sel $0x180000  }
0x5d: {  	[bflag:$0x0] =	sbarrier.arrive $0xFFFF  }
0x5e: {  	p0 =	sne.s32 s1, $0x0;
	_ =	strace $0x90000047  }
0x5f: {  	s0 =	sadd.s32 @!p0 $0x100000, s0;
	[bflag:$0x2] =	sbarrier.arrive $0xFFFF  }
0x60: {  	[sflag:s0] =	ssyncadd.tile.s32 @!p0 $0x1;
	_ =	shalt  }
.Lfunc_end2:
_tile_overlayer_lowered:
.L_overlay_start_2:
0x61: {  	(tag) =	ssettag $0x2  }
0x62: {  	s0 =	rddreg [dreg:$0x0];
	s2 =	stileid.u32  }
0x63: {  	s1 =	rddreg [dreg:$0x1];
	p0 =	sne.s32 s2, $0x0  }
0x64: {  	s3 =	rddreg [dreg:$0x2];
	[bflag:$0x3] =	sbarrier.arrive $0xFFFF;
	s2 =	simm.s32 @!p0 $0x1C01  }
0x65: {  	[timem:s3], [sflag:s2] =	dma.local @!p0 [hbm:s0], s1  }
0x66: {  	s0 =	simm.s32 @!p0 $0x1  }
0x67: {  	_ =	swait.ge @!p0 [sflag:s0], s1  }
0x68: {  	s1 =	ssub.s32 @!p0 $0x0, s1;
	[sflag:s0] =	ssyncset.done @!p0 $0x0  }
0x69: {  	[sflag:s0] =	ssyncadd.s32 @!p0 s1  }
0x6a: {  	[bflag:$0x3] =	sbarrier.arrive $0xFFFF  }
0x6b: {  	_ =	shalt  }

</sc_bundles>
